<compile_context>
chip_gen: v7x
topology: tpu7x:2x2x1
jax: 0.10.2.dev20260603
libtpu: 0.0.44.dev20260713+nightly
codegen_flags: <defaults>
</compile_context>

<pallas_src>
import jax
import jax.numpy as jnp
import numpy as np
from jax import lax
from jax.experimental import pallas as pl
from jax.experimental.pallas import tpu as pltpu
from jax.experimental.pallas import tpu_sc as plsc

N = 10000
E = 320000
H = 8
D = 16
HD = H * D
ROW = HD + 16
SEM = 128
NC, NS, L = 2, 16, 16
NW = NC * NS
CHUNK = 80
NCHUNK = E // CHUNK
NLOC = NCHUNK // NW
NPAD = 10112
NPT = NPAD // NS
BN = 1000
NB = N // BN

_HIGH = lax.Precision.HIGHEST



def _prep_body(x_ref, wt_ref, wr_ref, t_ref, r_ref, m_ref):
    i = pl.program_id(0)
    xb = x_ref[...]
    t = jnp.dot(xb, wt_ref[...], preferred_element_type=jnp.float32,
                precision=_HIGH)
    r = jnp.dot(xb, wr_ref[...], preferred_element_type=jnp.float32,
                precision=_HIGH)
    t_ref[...] = t
    r_ref[...] = r
    elmax = jnp.max(t[:, HD:ROW], axis=0, keepdims=True)
    ermax = jnp.max(r, axis=0, keepdims=True)
    cur = jnp.concatenate([elmax, ermax], axis=0)

    @pl.when(i == 0)
    def _():
        m_ref[...] = cur

    @pl.when(i != 0)
    def _():
        m_ref[...] = jnp.maximum(m_ref[...], cur)


_prep_call = pl.pallas_call(
    _prep_body,
    grid=(NB,),
    in_specs=[
        pl.BlockSpec((BN, HD), lambda i: (i, 0)),
        pl.BlockSpec((HD, ROW), lambda i: (0, 0)),
        pl.BlockSpec((HD, L), lambda i: (0, 0)),
    ],
    out_specs=[
        pl.BlockSpec((BN, ROW), lambda i: (i, 0)),
        pl.BlockSpec((BN, L), lambda i: (i, 0)),
        pl.BlockSpec((2, L), lambda i: (0, 0)),
    ],
    out_shape=[
        jax.ShapeDtypeStruct((N, ROW), jnp.float32),
        jax.ShapeDtypeStruct((N, L), jnp.float32),
        jax.ShapeDtypeStruct((2, L), jnp.float32),
    ],
)




def _sc_body(t0, r0, s0, d0, m0, t1, r1, s1, d1, m1, zeros_hbm, out_hbm,
             eibs, eibd, g1, g2, ob, mv, acc_ref, semi, semg, sems):
    cid = lax.axis_index("c")
    sid = lax.axis_index("s")
    wid = sid * NC + cid

    for p, (T, R, S1, D1, M) in enumerate(((t0, r0, s0, d0, m0),
                                           (t1, r1, s1, d1, m1))):
        pltpu.sync_copy(zeros_hbm, acc_ref.at[pl.ds(sid * NPT, NPT)])
        pltpu.sync_copy(M, mv)
        msum = mv[0, :] + mv[1, :]
        cvec = jnp.where(msum > 0, msum, 0.2 * msum)
        plsc.subcore_barrier()

        def _off(j):
            return (wid + j * NW) * CHUNK

        def _fire_idx(j):
            pltpu.async_copy(S1.at[pl.ds(_off(j), CHUNK)], eibs.at[j % 3], semi)
            pltpu.async_copy(D1.at[pl.ds(_off(j), CHUNK)], eibd.at[j % 3], semi)

        def _wait_idx(j):
            pltpu.make_async_copy(S1.at[pl.ds(_off(j), CHUNK)], eibs.at[j % 3],
                                  semi).wait()
            pltpu.make_async_copy(D1.at[pl.ds(_off(j), CHUNK)], eibd.at[j % 3],
                                  semi).wait()

        def _fire_gather(j, b):
            pltpu.async_copy(T.at[eibs.at[j % 3]], g1.at[b], semg)
            pltpu.async_copy(R.at[eibd.at[j % 3]], g2.at[b], semg)

        def _wait_gather(j, b):
            pltpu.make_async_copy(T.at[eibs.at[j % 3]], g1.at[b], semg).wait()
            pltpu.make_async_copy(R.at[eibd.at[j % 3]], g2.at[b], semg).wait()

        _fire_idx(0)
        _fire_idx(1)
        _wait_idx(0)
        _fire_gather(0, 0)

        def chunk_body(j, _):
            b = j % 2
            _wait_gather(j, b)

            @pl.when(j + 2 < NLOC)
            def _():
                _fire_idx(j + 2)

            @pl.when(j + 1 < NLOC)
            def _():
                _wait_idx(j + 1)
                _fire_gather(j + 1, 1 - b)

            @pl.when(j >= 1)
            def _():
                pltpu.make_async_copy(
                    ob, acc_ref.at[eibd.at[(j - 1) % 3]], sems).wait()

            @plsc.parallel_loop(0, CHUNK, unroll=4)
            def _(i):
                el = g1[b, i, pl.ds(HD, L)]
                er = g2[b, i, :]
                sv = el + er
                ev = jnp.where(sv > 0, sv, 0.2 * sv)
                ee = jnp.exp(ev - cvec)
                ob[i, pl.ds(HD, L)] = ee
                for h in range(H):
                    ob[i, pl.ds(h * D, D)] = g1[b, i, pl.ds(h * D, D)] * ee[h]

            pltpu.async_copy(ob, acc_ref.at[eibd.at[j % 3]], sems, add=True)
            return 0

        lax.fori_loop(0, NLOC, chunk_body, 0)
        pltpu.make_async_copy(ob, acc_ref.at[eibd.at[(NLOC - 1) % 3]],
                              sems).wait()
        plsc.subcore_barrier()
        pltpu.sync_copy(
            acc_ref.at[pl.ds(sid * NPT, NPT)],
            out_hbm.at[p, cid, pl.ds(sid * NPT, NPT)])
        plsc.subcore_barrier()


def _make_sc_call():
    mesh = plsc.VectorSubcoreMesh(core_axis_name="c", subcore_axis_name="s",
                                  num_cores=NC, num_subcores=NS)

    return pl.kernel(
        _sc_body,
        out_type=jax.ShapeDtypeStruct((2, NC, NPAD, ROW), jnp.float32),
        mesh=mesh,
        scratch_types=[
            pltpu.VMEM((3, CHUNK), jnp.int32),
            pltpu.VMEM((3, CHUNK), jnp.int32),
            pltpu.VMEM((2, CHUNK, ROW), jnp.float32),
            pltpu.VMEM((2, CHUNK, L), jnp.float32),
            pltpu.VMEM((CHUNK, ROW), jnp.float32),
            pltpu.VMEM((2, L), jnp.float32),
            pltpu.VMEM_SHARED((NPAD, ROW), jnp.float32),
            pltpu.SemaphoreType.DMA,
            pltpu.SemaphoreType.DMA,
            pltpu.SemaphoreType.DMA,
        ],
        compiler_params=pltpu.CompilerParams(use_tc_tiling_on_sc=False),
    )


_sc_call = _make_sc_call()



def _finish_body(p_ref, b_ref, k_ref, sw_ref, sb_ref, sv_ref,
                 z0_ref, z1_ref, w_ref):
    i = pl.program_id(0)
    wps = []
    for pi, zref in ((0, z0_ref), (1, z1_ref)):
        agg = p_ref[pi, 0] + p_ref[pi, 1]
        den = jnp.dot(agg[:, HD:ROW], k_ref[...],
                      preferred_element_type=jnp.float32, precision=_HIGH)
        q = agg[:, :HD] / jnp.maximum(den, 1e-9) + b_ref[pi]
        z = jnp.where(q > 0, q, jnp.exp(jnp.minimum(q, 0.0)) - 1.0)
        zref[...] = z
        t = jnp.tanh(jnp.dot(z, sw_ref[...], preferred_element_type=jnp.float32,
                             precision=_HIGH) + sb_ref[...])
        wps.append(jnp.full((1, 1, HD), jnp.sum(t * sv_ref[...])))
    wp = jnp.concatenate(wps, axis=0)

    @pl.when(i == 0)
    def _():
        w_ref[...] = wp

    @pl.when(i != 0)
    def _():
        w_ref[...] = w_ref[...] + wp


_finish_call = pl.pallas_call(
    _finish_body,
    grid=(NB,),
    in_specs=[
        pl.BlockSpec((2, NC, BN, ROW), lambda i: (0, 0, i, 0)),
        pl.BlockSpec((2, 1, HD), lambda i: (0, 0, 0)),
        pl.BlockSpec((L, HD), lambda i: (0, 0)),
        pl.BlockSpec((HD, SEM), lambda i: (0, 0)),
        pl.BlockSpec((1, SEM), lambda i: (0, 0)),
        pl.BlockSpec((1, SEM), lambda i: (0, 0)),
    ],
    out_specs=[
        pl.BlockSpec((BN, HD), lambda i: (i, 0)),
        pl.BlockSpec((BN, HD), lambda i: (i, 0)),
        pl.BlockSpec((2, 1, HD), lambda i: (0, 0, 0)),
    ],
    out_shape=[
        jax.ShapeDtypeStruct((N, HD), jnp.float32),
        jax.ShapeDtypeStruct((N, HD), jnp.float32),
        jax.ShapeDtypeStruct((2, 1, HD), jnp.float32),
    ],
)



def _combine_body(z0_ref, z1_ref, w_ref, o_ref):
    w0 = w_ref[0, 0, 0] / np.float32(N)
    w1 = w_ref[1, 0, 0] / np.float32(N)
    m = jnp.maximum(w0, w1)
    e0 = jnp.exp(w0 - m)
    e1 = jnp.exp(w1 - m)
    b0 = e0 / (e0 + e1)
    b1 = e1 / (e0 + e1)
    o_ref[...] = b0 * z0_ref[...] + b1 * z1_ref[...]


_combine_call = pl.pallas_call(
    _combine_body,
    grid=(NB,),
    in_specs=[
        pl.BlockSpec((BN, HD), lambda i: (i, 0)),
        pl.BlockSpec((BN, HD), lambda i: (i, 0)),
        pl.BlockSpec((2, 1, HD), lambda i: (0, 0, 0)),
    ],
    out_specs=pl.BlockSpec((BN, HD), lambda i: (i, 0)),
    out_shape=jax.ShapeDtypeStruct((N, HD), jnp.float32),
)



def _pack_weights(W, al, ar):
    sel = jnp.asarray(np.kron(np.eye(H), np.ones((D, 1))), jnp.float32)
    Wl = (W * al.reshape(-1)[None, :]) @ sel
    Wr = (W * ar.reshape(-1)[None, :]) @ sel
    Wt = jnp.concatenate([W, Wl, Wl], axis=1)
    Wr2 = jnp.concatenate([Wr, Wr], axis=1)
    return Wt, Wr2


def kernel(x, edge_index_0, edge_index_1, W_gat0, b_gat0, attn_l0, attn_r0,
           W_gat1, b_gat1, attn_l1, attn_r1, sem_W, sem_b, sem_v):
    Wt0, Wr20 = _pack_weights(W_gat0, attn_l0, attn_r0)
    Wt1, Wr21 = _pack_weights(W_gat1, attn_l1, attn_r1)
    T0, R0, m0 = _prep_call(x, Wt0, Wr20)
    T1, R1, m1 = _prep_call(x, Wt1, Wr21)
    zeros = jnp.zeros((NPT, ROW), jnp.float32)
    P = _sc_call(T0, R0, edge_index_0[0], edge_index_0[1], m0,
                 T1, R1, edge_index_1[0], edge_index_1[1], m1, zeros)
    ksel = jnp.asarray(np.kron(np.eye(H), np.ones((1, D))), jnp.float32)
    K = jnp.concatenate([ksel, jnp.zeros((H, HD), jnp.float32)], axis=0)
    bstack = jnp.stack([b_gat0, b_gat1]).reshape(2, 1, HD)
    z0, z1, wsum = _finish_call(P, bstack, K, sem_W, sem_b.reshape(1, SEM),
                                sem_v.reshape(SEM, 1).T)
    return _combine_call(z0, z1, wsum)

# --- scband reference (transcript-rebuilt; emitter-appended) ---
"""Pipeline reference for scband-hanlayer-60962765799924 (READ-ONLY COPY).

The authoritative reference and input builder live on the scoring server;
editing this copy changes nothing except your own understanding.
"""

import jax, jax.numpy as jnp
import numpy as np

N = 10000
E = 320000
D_IN = 128
HEADS = 8
D_OUT = 16
SEM_HID = 128


def _gat_conv(x, W, b, attn_l, attn_r, src, dst):
    # DGL-style GATConv: h = x @ W reshaped to [N, H, D]
    h = (x @ W).reshape(N, HEADS, D_OUT)
    el = (h * attn_l[None]).sum(-1)  # [N, H]
    er = (h * attn_r[None]).sum(-1)  # [N, H]
    e = jax.nn.leaky_relu(el[src] + er[dst], 0.2)  # [E, H]
    # edge softmax over incoming edges of each dst node (numerically stable)
    emax = jax.ops.segment_max(e, dst, num_segments=N)  # [N, H]
    emax = jnp.where(jnp.isfinite(emax), emax, 0.0)
    emax = jax.lax.stop_gradient(emax)
    ee = jnp.exp(e - emax[dst])  # [E, H]
    denom = jax.ops.segment_sum(ee, dst, num_segments=N)  # [N, H]
    msg = ee[:, :, None] * h[src]  # [E, H, D]
    agg = jax.ops.segment_sum(msg, dst, num_segments=N)  # [N, H, D]
    out = agg / jnp.maximum(denom[:, :, None], 1e-9)
    out = out + b.reshape(1, HEADS, D_OUT)
    out = jax.nn.elu(out)
    return out.reshape(N, HEADS * D_OUT)  # flatten(1)


def _semantic_attention(z, sem_W, sem_b, sem_v):
    # z: [N, P, H*D]
    w = jnp.tanh(z @ sem_W + sem_b) @ sem_v  # [N, P, 1]
    w = w.mean(0)  # [P, 1]
    beta = jax.nn.softmax(w, axis=0)  # [P, 1]
    beta = jnp.broadcast_to(beta[None], (z.shape[0],) + beta.shape)
    return (beta * z).sum(1)  # [N, H*D]


def setup_inputs(seed: int = 0) -> dict:
    key = jax.random.key(seed)
    ks = jax.random.split(key, 16)
    x = jax.random.normal(ks[0], (N, D_IN), dtype=jnp.float32)
    edge_index_0 = jax.random.randint(ks[1], (2, E), 0, N, dtype=jnp.int64 if jax.config.jax_enable_x64 else jnp.int32).astype(jnp.int32)
    edge_index_1 = jax.random.randint(ks[2], (2, E), 0, N, dtype=jnp.int32)
    s = 1.0 / np.sqrt(D_IN)
    W_gat0 = jax.random.normal(ks[3], (D_IN, HEADS * D_OUT), dtype=jnp.float32) * s
    b_gat0 = jnp.zeros((HEADS * D_OUT,), dtype=jnp.float32)
    attn_l0 = jax.random.normal(ks[4], (HEADS, D_OUT), dtype=jnp.float32) * 0.1
    attn_r0 = jax.random.normal(ks[5], (HEADS, D_OUT), dtype=jnp.float32) * 0.1
    W_gat1 = jax.random.normal(ks[6], (D_IN, HEADS * D_OUT), dtype=jnp.float32) * s
    b_gat1 = jnp.zeros((HEADS * D_OUT,), dtype=jnp.float32)
    attn_l1 = jax.random.normal(ks[7], (HEADS, D_OUT), dtype=jnp.float32) * 0.1
    attn_r1 = jax.random.normal(ks[8], (HEADS, D_OUT), dtype=jnp.float32) * 0.1
    sem_W = jax.random.normal(ks[9], (HEADS * D_OUT, SEM_HID), dtype=jnp.float32) * (1.0 / np.sqrt(HEADS * D_OUT))
    sem_b = jnp.zeros((SEM_HID,), dtype=jnp.float32)
    sem_v = jax.random.normal(ks[10], (SEM_HID, 1), dtype=jnp.float32) * (1.0 / np.sqrt(SEM_HID))
    return {
        'x': x, 'edge_index_0': edge_index_0, 'edge_index_1': edge_index_1,
        'W_gat0': W_gat0, 'b_gat0': b_gat0, 'attn_l0': attn_l0, 'attn_r0': attn_r0,
        'W_gat1': W_gat1, 'b_gat1': b_gat1, 'attn_l1': attn_l1, 'attn_r1': attn_r1,
        'sem_W': sem_W, 'sem_b': sem_b, 'sem_v': sem_v,
    }


def reference(x, edge_index_0, edge_index_1, W_gat0, b_gat0, attn_l0, attn_r0,
              W_gat1, b_gat1, attn_l1, attn_r1, sem_W, sem_b, sem_v):
    # HANLayer forward: one GATConv per metapath-reachable graph, then semantic attention
    z0 = _gat_conv(x, W_gat0, b_gat0, attn_l0, attn_r0, edge_index_0[0], edge_index_0[1])
    z1 = _gat_conv(x, W_gat1, b_gat1, attn_l1, attn_r1, edge_index_1[0], edge_index_1[1])
    z = jnp.stack([z0, z1], axis=1)  # [N, 2, H*D]
    return _semantic_attention(z, sem_W, sem_b, sem_v)

if __name__ == "__main__":
    import jax
    _d = setup_inputs()
    print(jax.jit(kernel)(*tuple(_d.values())))

</pallas_src>

<mosaic_0001>
#map = affine_map<(d0, d1) -> (0, 0)>
#map1 = affine_map<(d0, d1) -> (0)>
#map2 = affine_map<(d0, d1) -> (0, 0, 0, 0)>
module attributes {stable_mosaic.version = 14 : i64} {
  func.func @_sc_body(%arg0: i32, %arg1: i32, %arg2: memref<10000x144xf32, #tpu.memory_space<hbm>>, %arg3: memref<10000x16xf32, #tpu.memory_space<hbm>>, %arg4: memref<320000xi32, #tpu.memory_space<hbm>>, %arg5: memref<320000xi32, #tpu.memory_space<hbm>>, %arg6: memref<2x16xf32, #tpu.memory_space<hbm>>, %arg7: memref<10000x144xf32, #tpu.memory_space<hbm>>, %arg8: memref<10000x16xf32, #tpu.memory_space<hbm>>, %arg9: memref<320000xi32, #tpu.memory_space<hbm>>, %arg10: memref<320000xi32, #tpu.memory_space<hbm>>, %arg11: memref<2x16xf32, #tpu.memory_space<hbm>>, %arg12: memref<632x144xf32, #tpu.memory_space<hbm>>, %arg13: memref<2x2x10112x144xf32, #tpu.memory_space<hbm>>, %arg14: memref<3x80xi32, #tpu.memory_space<vmem>>, %arg15: memref<3x80xi32, #tpu.memory_space<vmem>>, %arg16: memref<2x80x144xf32, #tpu.memory_space<vmem>>, %arg17: memref<2x80x16xf32, #tpu.memory_space<vmem>>, %arg18: memref<80x144xf32, #tpu.memory_space<vmem>>, %arg19: memref<2x16xf32, #tpu.memory_space<vmem>>, %arg20: memref<10112x144xf32, #tpu.memory_space<vmem_shared>>, %arg21: memref<!tpu.dma_semaphore, #tpu.memory_space<semaphore_mem>>, %arg22: memref<!tpu.dma_semaphore, #tpu.memory_space<semaphore_mem>>, %arg23: memref<!tpu.dma_semaphore, #tpu.memory_space<semaphore_mem>>) attributes {dimension_semantics = [#tpu.dimension_semantics<core_parallel>, #tpu.dimension_semantics<subcore_parallel>], iteration_bounds = array<i64: 2, 16>, scalar_prefetch = 0 : i64, scratch_operands = 10 : i64, tpu.core_type = #tpu.core_type<sc_vector_subcore>, window_params = [{transform_indices = #map}, {transform_indices = #map}, {transform_indices = #map1}, {transform_indices = #map1}, {transform_indices = #map}, {transform_indices = #map}, {transform_indices = #map}, {transform_indices = #map1}, {transform_indices = #map1}, {transform_indices = #map}, {transform_indices = #map}, {transform_indices = #map2}]} {
    %mul3A = arith.constant 2 : i32
    %mul3A_0 = arith.muli %arg1, %mul3A : i32
    %add3A = arith.addi %mul3A_0, %arg0 : i32
    %mul3A_1 = arith.constant 632 : i32
    %mul3A_2 = arith.muli %arg1, %mul3A_1 : i32
    "tpu.region"() ({
      %run_scoped3A_281 = tpu.sem_alloc : memref<!tpu.dma_semaphore, #tpu.memory_space<semaphore_mem>>
      %dma_start3A_282 = arith.constant 0 : i32
      %dma_start3A_283 = tpu.memref_slice %arg20[%mul3A_2, %dma_start3A_282] : memref<10112x144xf32, #tpu.memory_space<vmem_shared>> -> memref<632x144xf32, #tpu.memory_space<vmem_shared>>
      tpu.enqueue_dma source(%arg12 : memref<632x144xf32, #tpu.memory_space<hbm>>) target(%dma_start3A_283 : memref<632x144xf32, #tpu.memory_space<vmem_shared>>) target_semaphore(%run_scoped3A_281 : memref<!tpu.dma_semaphore, #tpu.memory_space<semaphore_mem>>)
      %dma_wait3A_284 = arith.constant 0 : i32
      %dma_wait3A_285 = tpu.memref_slice %arg20[%mul3A_2, %dma_wait3A_284] : memref<10112x144xf32, #tpu.memory_space<vmem_shared>> -> memref<632x144xf32, #tpu.memory_space<vmem_shared>>
      tpu.wait_dma2 semaphore(%run_scoped3A_281 : memref<!tpu.dma_semaphore, #tpu.memory_space<semaphore_mem>>) src(%arg12 : memref<632x144xf32, #tpu.memory_space<hbm>>) dst(%dma_wait3A_285 : memref<632x144xf32, #tpu.memory_space<vmem_shared>>)
      tpu.yield
    }) : () -> ()
    "tpu.region"() ({
      %run_scoped3A_281 = tpu.sem_alloc : memref<!tpu.dma_semaphore, #tpu.memory_space<semaphore_mem>>
      tpu.enqueue_dma source(%arg6 : memref<2x16xf32, #tpu.memory_space<hbm>>) target(%arg19 : memref<2x16xf32, #tpu.memory_space<vmem>>) target_semaphore(%run_scoped3A_281 : memref<!tpu.dma_semaphore, #tpu.memory_space<semaphore_mem>>)
      tpu.wait_dma2 semaphore(%run_scoped3A_281 : memref<!tpu.dma_semaphore, #tpu.memory_space<semaphore_mem>>) src(%arg6 : memref<2x16xf32, #tpu.memory_space<hbm>>) dst(%arg19 : memref<2x16xf32, #tpu.memory_space<vmem>>)
      tpu.yield
    }) : () -> ()
    %get3A = arith.constant 0 : i32
    %get3A_3 = arith.index_cast %get3A : i32 to index
    %get3A_4 = arith.constant 0 : index
    %get3A_5 = tpu.vector_load %arg19[%get3A_3, %get3A_4] {strides = array<i32>} : memref<2x16xf32, #tpu.memory_space<vmem>>, vector<1x16xf32>,
    %get3A_6 = vector.shape_cast %get3A_5 : vector<1x16xf32> to vector<16xf32>
    %get3A_7 = arith.constant 1 : i32
    %get3A_8 = arith.index_cast %get3A_7 : i32 to index
    %get3A_9 = arith.constant 0 : index
    %get3A_10 = tpu.vector_load %arg19[%get3A_8, %get3A_9] {strides = array<i32>} : memref<2x16xf32, #tpu.memory_space<vmem>>, vector<1x16xf32>,
    %get3A_11 = vector.shape_cast %get3A_10 : vector<1x16xf32> to vector<16xf32>
    %add3A_12 = arith.addf %get3A_6, %get3A_11 : vector<16xf32>
    %gt3A = arith.constant 0.000000e+00 : f32
    %gt3A_13 = vector.broadcast %gt3A : f32 to vector<16xf32>
    %gt3A_14 = arith.cmpf ogt, %add3A_12, %gt3A_13 : vector<16xf32>
    %mul3A_15 = arith.constant 2.000000e-01 : f32
    %mul3A_16 = vector.broadcast %mul3A_15 : f32 to vector<16xf32>
    %mul3A_17 = arith.mulf %mul3A_16, %add3A_12 : vector<16xf32>
    %select_n3A = arith.select %gt3A_14, %add3A_12, %mul3A_17 : vector<16xi1>, vector<16xf32>
    %barrier3A = arith.constant 0 : index
    tpu.barrier barrier_id(%barrier3A)
    %add3A_18 = arith.constant 0 : i32
    %add3A_19 = arith.addi %add3A, %add3A_18 : i32
    %mul3A_20 = arith.constant 80 : i32
    %mul3A_21 = arith.muli %add3A_19, %mul3A_20 : i32
    %dma_start3A = arith.constant 0 : i32
    %dma_start3A_22 = arith.constant 0 : i32
    %dma_start3A_23 = tpu.memref_slice %arg14[%dma_start3A, %dma_start3A_22] : memref<3x80xi32, #tpu.memory_space<vmem>> -> memref<1x80xi32, #tpu.memory_space<vmem>>
    %dma_start3A_24 = tpu.memref_squeeze %dma_start3A_23 : memref<1x80xi32, #tpu.memory_space<vmem>> -> memref<80xi32, #tpu.memory_space<vmem>>
    %dma_start3A_25 = tpu.memref_slice %arg4[%mul3A_21] : memref<320000xi32, #tpu.memory_space<hbm>> -> memref<80xi32, #tpu.memory_space<hbm>>
    %dma_start3A_26 = arith.constant 0 : i32
    %dma_start3A_27 = tpu.memref_slice %arg14[%dma_start3A, %dma_start3A_26] : memref<3x80xi32, #tpu.memory_space<vmem>> -> memref<1x80xi32, #tpu.memory_space<vmem>>
    %dma_start3A_28 = tpu.memref_squeeze %dma_start3A_27 : memref<1x80xi32, #tpu.memory_space<vmem>> -> memref<80xi32, #tpu.memory_space<vmem>>
    %dma_start3A_29 = tpu.memref_slice %arg4[%mul3A_21] : memref<320000xi32, #tpu.memory_space<hbm>> -> memref<80xi32, #tpu.memory_space<hbm>>
    tpu.enqueue_dma source(%dma_start3A_29 : memref<80xi32, #tpu.memory_space<hbm>>) target(%dma_start3A_28 : memref<80xi32, #tpu.memory_space<vmem>>) target_semaphore(%arg21 : memref<!tpu.dma_semaphore, #tpu.memory_space<semaphore_mem>>)
    %add3A_30 = arith.constant 0 : i32
    %add3A_31 = arith.addi %add3A, %add3A_30 : i32
    %mul3A_32 = arith.constant 80 : i32
    %mul3A_33 = arith.muli %add3A_31, %mul3A_32 : i32
    %dma_start3A_34 = arith.constant 0 : i32
    %dma_start3A_35 = arith.constant 0 : i32
    %dma_start3A_36 = tpu.memref_slice %arg15[%dma_start3A_34, %dma_start3A_35] : memref<3x80xi32, #tpu.memory_space<vmem>> -> memref<1x80xi32, #tpu.memory_space<vmem>>
    %dma_start3A_37 = tpu.memref_squeeze %dma_start3A_36 : memref<1x80xi32, #tpu.memory_space<vmem>> -> memref<80xi32, #tpu.memory_space<vmem>>
    %dma_start3A_38 = tpu.memref_slice %arg5[%mul3A_33] : memref<320000xi32, #tpu.memory_space<hbm>> -> memref<80xi32, #tpu.memory_space<hbm>>
    %dma_start3A_39 = arith.constant 0 : i32
    %dma_start3A_40 = tpu.memref_slice %arg15[%dma_start3A_34, %dma_start3A_39] : memref<3x80xi32, #tpu.memory_space<vmem>> -> memref<1x80xi32, #tpu.memory_space<vmem>>
    %dma_start3A_41 = tpu.memref_squeeze %dma_start3A_40 : memref<1x80xi32, #tpu.memory_space<vmem>> -> memref<80xi32, #tpu.memory_space<vmem>>
    %dma_start3A_42 = tpu.memref_slice %arg5[%mul3A_33] : memref<320000xi32, #tpu.memory_space<hbm>> -> memref<80xi32, #tpu.memory_space<hbm>>
    tpu.enqueue_dma source(%dma_start3A_42 : memref<80xi32, #tpu.memory_space<hbm>>) target(%dma_start3A_41 : memref<80xi32, #tpu.memory_space<vmem>>) target_semaphore(%arg21 : memref<!tpu.dma_semaphore, #tpu.memory_space<semaphore_mem>>)
    %add3A_43 = arith.constant 32 : i32
    %add3A_44 = arith.addi %add3A, %add3A_43 : i32
    %mul3A_45 = arith.constant 80 : i32
    %mul3A_46 = arith.muli %add3A_44, %mul3A_45 : i32
    %dma_start3A_47 = arith.constant 1 : i32
    %dma_start3A_48 = arith.constant 0 : i32
    %dma_start3A_49 = tpu.memref_slice %arg14[%dma_start3A_47, %dma_start3A_48] : memref<3x80xi32, #tpu.memory_space<vmem>> -> memref<1x80xi32, #tpu.memory_space<vmem>>
    %dma_start3A_50 = tpu.memref_squeeze %dma_start3A_49 : memref<1x80xi32, #tpu.memory_space<vmem>> -> memref<80xi32, #tpu.memory_space<vmem>>
    %dma_start3A_51 = tpu.memref_slice %arg4[%mul3A_46] : memref<320000xi32, #tpu.memory_space<hbm>> -> memref<80xi32, #tpu.memory_space<hbm>>
    %dma_start3A_52 = arith.constant 0 : i32
    %dma_start3A_53 = tpu.memref_slice %arg14[%dma_start3A_47, %dma_start3A_52] : memref<3x80xi32, #tpu.memory_space<vmem>> -> memref<1x80xi32, #tpu.memory_space<vmem>>
    %dma_start3A_54 = tpu.memref_squeeze %dma_start3A_53 : memref<1x80xi32, #tpu.memory_space<vmem>> -> memref<80xi32, #tpu.memory_space<vmem>>
    %dma_start3A_55 = tpu.memref_slice %arg4[%mul3A_46] : memref<320000xi32, #tpu.memory_space<hbm>> -> memref<80xi32, #tpu.memory_space<hbm>>
    tpu.enqueue_dma source(%dma_start3A_55 : memref<80xi32, #tpu.memory_space<hbm>>) target(%dma_start3A_54 : memref<80xi32, #tpu.memory_space<vmem>>) target_semaphore(%arg21 : memref<!tpu.dma_semaphore, #tpu.memory_space<semaphore_mem>>)
    %add3A_56 = arith.constant 32 : i32
    %add3A_57 = arith.addi %add3A, %add3A_56 : i32
    %mul3A_58 = arith.constant 80 : i32
    %mul3A_59 = arith.muli %add3A_57, %mul3A_58 : i32
    %dma_start3A_60 = arith.constant 1 : i32
    %dma_start3A_61 = arith.constant 0 : i32
    %dma_start3A_62 = tpu.memref_slice %arg15[%dma_start3A_60, %dma_start3A_61] : memref<3x80xi32, #tpu.memory_space<vmem>> -> memref<1x80xi32, #tpu.memory_space<vmem>>
    %dma_start3A_63 = tpu.memref_squeeze %dma_start3A_62 : memref<1x80xi32, #tpu.memory_space<vmem>> -> memref<80xi32, #tpu.memory_space<vmem>>
    %dma_start3A_64 = tpu.memref_slice %arg5[%mul3A_59] : memref<320000xi32, #tpu.memory_space<hbm>> -> memref<80xi32, #tpu.memory_space<hbm>>
    %dma_start3A_65 = arith.constant 0 : i32
    %dma_start3A_66 = tpu.memref_slice %arg15[%dma_start3A_60, %dma_start3A_65] : memref<3x80xi32, #tpu.memory_space<vmem>> -> memref<1x80xi32, #tpu.memory_space<vmem>>
    %dma_start3A_67 = tpu.memref_squeeze %dma_start3A_66 : memref<1x80xi32, #tpu.memory_space<vmem>> -> memref<80xi32, #tpu.memory_space<vmem>>
    %dma_start3A_68 = tpu.memref_slice %arg5[%mul3A_59] : memref<320000xi32, #tpu.memory_space<hbm>> -> memref<80xi32, #tpu.memory_space<hbm>>
    tpu.enqueue_dma source(%dma_start3A_68 : memref<80xi32, #tpu.memory_space<hbm>>) target(%dma_start3A_67 : memref<80xi32, #tpu.memory_space<vmem>>) target_semaphore(%arg21 : memref<!tpu.dma_semaphore, #tpu.memory_space<semaphore_mem>>)
    %add3A_69 = arith.constant 0 : i32
    %add3A_70 = arith.addi %add3A, %add3A_69 : i32
    %mul3A_71 = arith.constant 80 : i32
    %mul3A_72 = arith.muli %add3A_70, %mul3A_71 : i32
    %dma_wait3A = arith.constant 0 : i32
    %dma_wait3A_73 = arith.constant 0 : i32
    %dma_wait3A_74 = tpu.memref_slice %arg14[%dma_wait3A, %dma_wait3A_73] : memref<3x80xi32, #tpu.memory_space<vmem>> -> memref<1x80xi32, #tpu.memory_space<vmem>>
    %dma_wait3A_75 = tpu.memref_squeeze %dma_wait3A_74 : memref<1x80xi32, #tpu.memory_space<vmem>> -> memref<80xi32, #tpu.memory_space<vmem>>
    %dma_wait3A_76 = tpu.memref_slice %arg4[%mul3A_72] : memref<320000xi32, #tpu.memory_space<hbm>> -> memref<80xi32, #tpu.memory_space<hbm>>
    %dma_wait3A_77 = arith.constant 0 : i32
    %dma_wait3A_78 = tpu.memref_slice %arg14[%dma_wait3A, %dma_wait3A_77] : memref<3x80xi32, #tpu.memory_space<vmem>> -> memref<1x80xi32, #tpu.memory_space<vmem>>
    %dma_wait3A_79 = tpu.memref_squeeze %dma_wait3A_78 : memref<1x80xi32, #tpu.memory_space<vmem>> -> memref<80xi32, #tpu.memory_space<vmem>>
    %dma_wait3A_80 = tpu.memref_slice %arg4[%mul3A_72] : memref<320000xi32, #tpu.memory_space<hbm>> -> memref<80xi32, #tpu.memory_space<hbm>>
    tpu.wait_dma2 semaphore(%arg21 : memref<!tpu.dma_semaphore, #tpu.memory_space<semaphore_mem>>) src(%dma_wait3A_80 : memref<80xi32, #tpu.memory_space<hbm>>) dst(%dma_wait3A_79 : memref<80xi32, #tpu.memory_space<vmem>>)
    %add3A_81 = arith.constant 0 : i32
    %add3A_82 = arith.addi %add3A, %add3A_81 : i32
    %mul3A_83 = arith.constant 80 : i32
    %mul3A_84 = arith.muli %add3A_82, %mul3A_83 : i32
    %dma_wait3A_85 = arith.constant 0 : i32
    %dma_wait3A_86 = arith.constant 0 : i32
    %dma_wait3A_87 = tpu.memref_slice %arg15[%dma_wait3A_85, %dma_wait3A_86] : memref<3x80xi32, #tpu.memory_space<vmem>> -> memref<1x80xi32, #tpu.memory_space<vmem>>
    %dma_wait3A_88 = tpu.memref_squeeze %dma_wait3A_87 : memref<1x80xi32, #tpu.memory_space<vmem>> -> memref<80xi32, #tpu.memory_space<vmem>>
    %dma_wait3A_89 = tpu.memref_slice %arg5[%mul3A_84] : memref<320000xi32, #tpu.memory_space<hbm>> -> memref<80xi32, #tpu.memory_space<hbm>>
    %dma_wait3A_90 = arith.constant 0 : i32
    %dma_wait3A_91 = tpu.memref_slice %arg15[%dma_wait3A_85, %dma_wait3A_90] : memref<3x80xi32, #tpu.memory_space<vmem>> -> memref<1x80xi32, #tpu.memory_space<vmem>>
    %dma_wait3A_92 = tpu.memref_squeeze %dma_wait3A_91 : memref<1x80xi32, #tpu.memory_space<vmem>> -> memref<80xi32, #tpu.memory_space<vmem>>
    %dma_wait3A_93 = tpu.memref_slice %arg5[%mul3A_84] : memref<320000xi32, #tpu.memory_space<hbm>> -> memref<80xi32, #tpu.memory_space<hbm>>
    tpu.wait_dma2 semaphore(%arg21 : memref<!tpu.dma_semaphore, #tpu.memory_space<semaphore_mem>>) src(%dma_wait3A_93 : memref<80xi32, #tpu.memory_space<hbm>>) dst(%dma_wait3A_92 : memref<80xi32, #tpu.memory_space<vmem>>)
    %dma_start3A_94 = arith.constant 0 : i32
    %dma_start3A_95 = arith.constant 0 : i32
    %dma_start3A_96 = arith.constant 0 : i32
    %dma_start3A_97 = arith.constant 0 : i32
    %dma_start3A_98 = tpu.memref_slice %arg16[%dma_start3A_95, %dma_start3A_96, %dma_start3A_97] : memref<2x80x144xf32, #tpu.memory_space<vmem>> -> memref<1x80x144xf32, #tpu.memory_space<vmem>>
    %dma_start3A_99 = tpu.memref_squeeze %dma_start3A_98 : memref<1x80x144xf32, #tpu.memory_space<vmem>> -> memref<80x144xf32, #tpu.memory_space<vmem>>
    %dma_start3A_100 = arith.constant 0 : i32
    %dma_start3A_101 = tpu.memref_slice %arg14[%dma_start3A_94, %dma_start3A_100] : memref<3x80xi32, #tpu.memory_space<vmem>> -> memref<1x80xi32, #tpu.memory_space<vmem>>
    %dma_start3A_102 = tpu.memref_squeeze %dma_start3A_101 : memref<1x80xi32, #tpu.memory_space<vmem>> -> memref<80xi32, #tpu.memory_space<vmem>>
    %dma_start3A_103 = arith.constant 0 : i32
    %dma_start3A_104 = arith.constant 0 : i32
    %dma_start3A_105 = tpu.memref_slice %arg2[%dma_start3A_103, %dma_start3A_104] : memref<10000x144xf32, #tpu.memory_space<hbm>> -> memref<10000x144xf32, #tpu.memory_space<hbm>>
    tpu.enqueue_indirect_dma source(%dma_start3A_105 : memref<10000x144xf32, #tpu.memory_space<hbm>>) target(%dma_start3A_99 : memref<80x144xf32, #tpu.memory_space<vmem>>) offsets(%dma_start3A_102 : memref<80xi32, #tpu.memory_space<vmem>>) semaphore(%arg22 : memref<!tpu.dma_semaphore, #tpu.memory_space<semaphore_mem>>)
    %dma_start3A_106 = arith.constant 0 : i32
    %dma_start3A_107 = arith.constant 0 : i32
    %dma_start3A_108 = arith.constant 0 : i32
    %dma_start3A_109 = arith.constant 0 : i32
    %dma_start3A_110 = tpu.memref_slice %arg17[%dma_start3A_107, %dma_start3A_108, %dma_start3A_109] : memref<2x80x16xf32, #tpu.memory_space<vmem>> -> memref<1x80x16xf32, #tpu.memory_space<vmem>>
    %dma_start3A_111 = tpu.memref_squeeze %dma_start3A_110 : memref<1x80x16xf32, #tpu.memory_space<vmem>> -> memref<80x16xf32, #tpu.memory_space<vmem>>
    %dma_start3A_112 = arith.constant 0 : i32
    %dma_start3A_113 = tpu.memref_slice %arg15[%dma_start3A_106, %dma_start3A_112] : memref<3x80xi32, #tpu.memory_space<vmem>> -> memref<1x80xi32, #tpu.memory_space<vmem>>
    %dma_start3A_114 = tpu.memref_squeeze %dma_start3A_113 : memref<1x80xi32, #tpu.memory_space<vmem>> -> memref<80xi32, #tpu.memory_space<vmem>>
    %dma_start3A_115 = arith.constant 0 : i32
    %dma_start3A_116 = arith.constant 0 : i32
    %dma_start3A_117 = tpu.memref_slice %arg3[%dma_start3A_115, %dma_start3A_116] : memref<10000x16xf32, #tpu.memory_space<hbm>> -> memref<10000x16xf32, #tpu.memory_space<hbm>>
    tpu.enqueue_indirect_dma source(%dma_start3A_117 : memref<10000x16xf32, #tpu.memory_space<hbm>>) target(%dma_start3A_111 : memref<80x16xf32, #tpu.memory_space<vmem>>) offsets(%dma_start3A_114 : memref<80xi32, #tpu.memory_space<vmem>>) semaphore(%arg22 : memref<!tpu.dma_semaphore, #tpu.memory_space<semaphore_mem>>)
    %scan3A = arith.constant 0 : i32
    %scan3A_118 = arith.constant 0 : i32
    %scan3A_119 = arith.constant 125 : i32
    %scan3A_120 = arith.addi %scan3A_118, %scan3A_119 : i32
    %scan3A_121 = arith.constant 1 : i32
    %scan3A_122 = scf.for %scan3A_281 = %scan3A_118 to %scan3A_120 step %scan3A_121 iter_args(%scan3A_282 = %scan3A) -> (i32)  : i32 {
      %jit3A = arith.constant 2 : i32
      %eq3A = arith.constant 0 : i32
      %eq3A_283 = arith.cmpi eq, %jit3A, %eq3A : i32
      %jit3A_284 = arith.constant 1 : i32
      %select_n3A_285 = arith.select %eq3A_283, %jit3A_284, %jit3A : i32
      %rem3A = arith.remsi %scan3A_281, %select_n3A_285 : i32
      %ne3A = arith.constant 0 : i32
      %ne3A_286 = arith.cmpi ne, %rem3A, %ne3A : i32
      %lt3A = arith.constant 0 : i32
      %lt3A_287 = arith.cmpi slt, %rem3A, %lt3A : i32
      %lt3A_288 = arith.constant 0 : i32
      %lt3A_289 = arith.cmpi slt, %select_n3A_285, %lt3A_288 : i32
      %ne3A_290 = arith.xori %lt3A_287, %lt3A_289 : i1
      %and3A = arith.andi %ne3A_290, %ne3A_286 : i1
      %add3A_291 = arith.addi %rem3A, %select_n3A_285 : i32
      %select_n3A_292 = arith.select %and3A, %add3A_291, %rem3A : i32
      %jit3A_293 = arith.constant 3 : i32
      %eq3A_294 = arith.constant 0 : i32
      %eq3A_295 = arith.cmpi eq, %jit3A_293, %eq3A_294 : i32
      %jit3A_296 = arith.constant 1 : i32
      %select_n3A_297 = arith.select %eq3A_295, %jit3A_296, %jit3A_293 : i32
      %rem3A_298 = arith.remsi %scan3A_281, %select_n3A_297 : i32
      %ne3A_299 = arith.constant 0 : i32
      %ne3A_300 = arith.cmpi ne, %rem3A_298, %ne3A_299 : i32
      %lt3A_301 = arith.constant 0 : i32
      %lt3A_302 = arith.cmpi slt, %rem3A_298, %lt3A_301 : i32
      %lt3A_303 = arith.constant 0 : i32
      %lt3A_304 = arith.cmpi slt, %select_n3A_297, %lt3A_303 : i32
      %ne3A_305 = arith.xori %lt3A_302, %lt3A_304 : i1
      %and3A_306 = arith.andi %ne3A_305, %ne3A_300 : i1
      %add3A_307 = arith.addi %rem3A_298, %select_n3A_297 : i32
      %select_n3A_308 = arith.select %and3A_306, %add3A_307, %rem3A_298 : i32
      %dma_wait3A_309 = arith.constant 0 : i32
      %dma_wait3A_310 = arith.constant 0 : i32
      %dma_wait3A_311 = tpu.memref_slice %arg16[%select_n3A_292, %dma_wait3A_309, %dma_wait3A_310] : memref<2x80x144xf32, #tpu.memory_space<vmem>> -> memref<1x80x144xf32, #tpu.memory_space<vmem>>
      %dma_wait3A_312 = tpu.memref_squeeze %dma_wait3A_311 : memref<1x80x144xf32, #tpu.memory_space<vmem>> -> memref<80x144xf32, #tpu.memory_space<vmem>>
      %dma_wait3A_313 = arith.constant 0 : i32
      %dma_wait3A_314 = tpu.memref_slice %arg14[%select_n3A_308, %dma_wait3A_313] : memref<3x80xi32, #tpu.memory_space<vmem>> -> memref<1x80xi32, #tpu.memory_space<vmem>>
      %dma_wait3A_315 = tpu.memref_squeeze %dma_wait3A_314 : memref<1x80xi32, #tpu.memory_space<vmem>> -> memref<80xi32, #tpu.memory_space<vmem>>
      %dma_wait3A_316 = arith.constant 0 : i32
      %dma_wait3A_317 = arith.constant 0 : i32
      %dma_wait3A_318 = tpu.memref_slice %arg2[%dma_wait3A_316, %dma_wait3A_317] : memref<10000x144xf32, #tpu.memory_space<hbm>> -> memref<10000x144xf32, #tpu.memory_space<hbm>>
      tpu.wait_indirect_dma semaphore(%arg22 : memref<!tpu.dma_semaphore, #tpu.memory_space<semaphore_mem>>) src(%dma_wait3A_318 : memref<10000x144xf32, #tpu.memory_space<hbm>>) dst(%dma_wait3A_312 : memref<80x144xf32, #tpu.memory_space<vmem>>)
      %jit3A_319 = arith.constant 3 : i32
      %eq3A_320 = arith.constant 0 : i32
      %eq3A_321 = arith.cmpi eq, %jit3A_319, %eq3A_320 : i32
      %jit3A_322 = arith.constant 1 : i32
      %select_n3A_323 = arith.select %eq3A_321, %jit3A_322, %jit3A_319 : i32
      %rem3A_324 = arith.remsi %scan3A_281, %select_n3A_323 : i32
      %ne3A_325 = arith.constant 0 : i32
      %ne3A_326 = arith.cmpi ne, %rem3A_324, %ne3A_325 : i32
      %lt3A_327 = arith.constant 0 : i32
      %lt3A_328 = arith.cmpi slt, %rem3A_324, %lt3A_327 : i32
      %lt3A_329 = arith.constant 0 : i32
      %lt3A_330 = arith.cmpi slt, %select_n3A_323, %lt3A_329 : i32
      %ne3A_331 = arith.xori %lt3A_328, %lt3A_330 : i1
      %and3A_332 = arith.andi %ne3A_331, %ne3A_326 : i1
      %add3A_333 = arith.addi %rem3A_324, %select_n3A_323 : i32
      %select_n3A_334 = arith.select %and3A_332, %add3A_333, %rem3A_324 : i32
      %dma_wait3A_335 = arith.constant 0 : i32
      %dma_wait3A_336 = arith.constant 0 : i32
      %dma_wait3A_337 = tpu.memref_slice %arg17[%select_n3A_292, %dma_wait3A_335, %dma_wait3A_336] : memref<2x80x16xf32, #tpu.memory_space<vmem>> -> memref<1x80x16xf32, #tpu.memory_space<vmem>>
      %dma_wait3A_338 = tpu.memref_squeeze %dma_wait3A_337 : memref<1x80x16xf32, #tpu.memory_space<vmem>> -> memref<80x16xf32, #tpu.memory_space<vmem>>
      %dma_wait3A_339 = arith.constant 0 : i32
      %dma_wait3A_340 = tpu.memref_slice %arg15[%select_n3A_334, %dma_wait3A_339] : memref<3x80xi32, #tpu.memory_space<vmem>> -> memref<1x80xi32, #tpu.memory_space<vmem>>
      %dma_wait3A_341 = tpu.memref_squeeze %dma_wait3A_340 : memref<1x80xi32, #tpu.memory_space<vmem>> -> memref<80xi32, #tpu.memory_space<vmem>>
      %dma_wait3A_342 = arith.constant 0 : i32
      %dma_wait3A_343 = arith.constant 0 : i32
      %dma_wait3A_344 = tpu.memref_slice %arg3[%dma_wait3A_342, %dma_wait3A_343] : memref<10000x16xf32, #tpu.memory_space<hbm>> -> memref<10000x16xf32, #tpu.memory_space<hbm>>
      tpu.wait_indirect_dma semaphore(%arg22 : memref<!tpu.dma_semaphore, #tpu.memory_space<semaphore_mem>>) src(%dma_wait3A_344 : memref<10000x16xf32, #tpu.memory_space<hbm>>) dst(%dma_wait3A_338 : memref<80x16xf32, #tpu.memory_space<vmem>>)
      %add3A_345 = arith.constant 2 : i32
      %add3A_346 = arith.addi %scan3A_281, %add3A_345 : i32
      %lt3A_347 = arith.constant 125 : i32
      %lt3A_348 = arith.cmpi slt, %add3A_346, %lt3A_347 : i32
      %convert_element_type3A = arith.extui %lt3A_348 : i1 to i32
      %cond3A = arith.constant 0 : i32
      %cond3A_349 = arith.cmpi ne, %convert_element_type3A, %cond3A : i32
      scf.if %cond3A_349 {
        %add3A_386 = arith.constant 2 : i32
        %add3A_387 = arith.addi %scan3A_281, %add3A_386 : i32
        %mul3A_388 = arith.constant 32 : i32
        %mul3A_389 = arith.muli %add3A_387, %mul3A_388 : i32
        %add3A_390 = arith.addi %add3A, %mul3A_389 : i32
        %mul3A_391 = arith.constant 80 : i32
        %mul3A_392 = arith.muli %add3A_390, %mul3A_391 : i32
        %jit3A_393 = arith.constant 3 : i32
        %eq3A_394 = arith.constant 0 : i32
        %eq3A_395 = arith.cmpi eq, %jit3A_393, %eq3A_394 : i32
        %jit3A_396 = arith.constant 1 : i32
        %select_n3A_397 = arith.select %eq3A_395, %jit3A_396, %jit3A_393 : i32
        %rem3A_398 = arith.remsi %add3A_387, %select_n3A_397 : i32
        %ne3A_399 = arith.constant 0 : i32
        %ne3A_400 = arith.cmpi ne, %rem3A_398, %ne3A_399 : i32
        %lt3A_401 = arith.constant 0 : i32
        %lt3A_402 = arith.cmpi slt, %rem3A_398, %lt3A_401 : i32
        %lt3A_403 = arith.constant 0 : i32
        %lt3A_404 = arith.cmpi slt, %select_n3A_397, %lt3A_403 : i32
        %ne3A_405 = arith.xori %lt3A_402, %lt3A_404 : i1
        %and3A_406 = arith.andi %ne3A_405, %ne3A_400 : i1
        %add3A_407 = arith.addi %rem3A_398, %select_n3A_397 : i32
        %select_n3A_408 = arith.select %and3A_406, %add3A_407, %rem3A_398 : i32
        %dma_start3A_409 = arith.constant 0 : i32
        %dma_start3A_410 = tpu.memref_slice %arg14[%select_n3A_408, %dma_start3A_409] : memref<3x80xi32, #tpu.memory_space<vmem>> -> memref<1x80xi32, #tpu.memory_space<vmem>>
        %dma_start3A_411 = tpu.memref_squeeze %dma_start3A_410 : memref<1x80xi32, #tpu.memory_space<vmem>> -> memref<80xi32, #tpu.memory_space<vmem>>
        %dma_start3A_412 = tpu.memref_slice %arg4[%mul3A_392] : memref<320000xi32, #tpu.memory_space<hbm>> -> memref<80xi32, #tpu.memory_space<hbm>>
        %dma_start3A_413 = arith.constant 0 : i32
        %dma_start3A_414 = tpu.memref_slice %arg14[%select_n3A_408, %dma_start3A_413] : memref<3x80xi32, #tpu.memory_space<vmem>> -> memref<1x80xi32, #tpu.memory_space<vmem>>
        %dma_start3A_415 = tpu.memref_squeeze %dma_start3A_414 : memref<1x80xi32, #tpu.memory_space<vmem>> -> memref<80xi32, #tpu.memory_space<vmem>>
        %dma_start3A_416 = tpu.memref_slice %arg4[%mul3A_392] : memref<320000xi32, #tpu.memory_space<hbm>> -> memref<80xi32, #tpu.memory_space<hbm>>
        tpu.enqueue_dma source(%dma_start3A_416 : memref<80xi32, #tpu.memory_space<hbm>>) target(%dma_start3A_415 : memref<80xi32, #tpu.memory_space<vmem>>) target_semaphore(%arg21 : memref<!tpu.dma_semaphore, #tpu.memory_space<semaphore_mem>>)
        %mul3A_417 = arith.constant 32 : i32
        %mul3A_418 = arith.muli %add3A_387, %mul3A_417 : i32
        %add3A_419 = arith.addi %add3A, %mul3A_418 : i32
        %mul3A_420 = arith.constant 80 : i32
        %mul3A_421 = arith.muli %add3A_419, %mul3A_420 : i32
        %jit3A_422 = arith.constant 3 : i32
        %eq3A_423 = arith.constant 0 : i32
        %eq3A_424 = arith.cmpi eq, %jit3A_422, %eq3A_423 : i32
        %jit3A_425 = arith.constant 1 : i32
        %select_n3A_426 = arith.select %eq3A_424, %jit3A_425, %jit3A_422 : i32
        %rem3A_427 = arith.remsi %add3A_387, %select_n3A_426 : i32
        %ne3A_428 = arith.constant 0 : i32
        %ne3A_429 = arith.cmpi ne, %rem3A_427, %ne3A_428 : i32
        %lt3A_430 = arith.constant 0 : i32
        %lt3A_431 = arith.cmpi slt, %rem3A_427, %lt3A_430 : i32
        %lt3A_432 = arith.constant 0 : i32
        %lt3A_433 = arith.cmpi slt, %select_n3A_426, %lt3A_432 : i32
        %ne3A_434 = arith.xori %lt3A_431, %lt3A_433 : i1
        %and3A_435 = arith.andi %ne3A_434, %ne3A_429 : i1
        %add3A_436 = arith.addi %rem3A_427, %select_n3A_426 : i32
        %select_n3A_437 = arith.select %and3A_435, %add3A_436, %rem3A_427 : i32
        %dma_start3A_438 = arith.constant 0 : i32
        %dma_start3A_439 = tpu.memref_slice %arg15[%select_n3A_437, %dma_start3A_438] : memref<3x80xi32, #tpu.memory_space<vmem>> -> memref<1x80xi32, #tpu.memory_space<vmem>>
        %dma_start3A_440 = tpu.memref_squeeze %dma_start3A_439 : memref<1x80xi32, #tpu.memory_space<vmem>> -> memref<80xi32, #tpu.memory_space<vmem>>
        %dma_start3A_441 = tpu.memref_slice %arg5[%mul3A_421] : memref<320000xi32, #tpu.memory_space<hbm>> -> memref<80xi32, #tpu.memory_space<hbm>>
        %dma_start3A_442 = arith.constant 0 : i32
        %dma_start3A_443 = tpu.memref_slice %arg15[%select_n3A_437, %dma_start3A_442] : memref<3x80xi32, #tpu.memory_space<vmem>> -> memref<1x80xi32, #tpu.memory_space<vmem>>
        %dma_start3A_444 = tpu.memref_squeeze %dma_start3A_443 : memref<1x80xi32, #tpu.memory_space<vmem>> -> memref<80xi32, #tpu.memory_space<vmem>>
        %dma_start3A_445 = tpu.memref_slice %arg5[%mul3A_421] : memref<320000xi32, #tpu.memory_space<hbm>> -> memref<80xi32, #tpu.memory_space<hbm>>
        tpu.enqueue_dma source(%dma_start3A_445 : memref<80xi32, #tpu.memory_space<hbm>>) target(%dma_start3A_444 : memref<80xi32, #tpu.memory_space<vmem>>) target_semaphore(%arg21 : memref<!tpu.dma_semaphore, #tpu.memory_space<semaphore_mem>>)
      } else {
      }
      %add3A_350 = arith.constant 1 : i32
      %add3A_351 = arith.addi %scan3A_281, %add3A_350 : i32
      %lt3A_352 = arith.constant 125 : i32
      %lt3A_353 = arith.cmpi slt, %add3A_351, %lt3A_352 : i32
      %convert_element_type3A_354 = arith.extui %lt3A_353 : i1 to i32
      %cond3A_355 = arith.constant 0 : i32
      %cond3A_356 = arith.cmpi ne, %convert_element_type3A_354, %cond3A_355 : i32
      scf.if %cond3A_356 {
        %add3A_386 = arith.constant 1 : i32
        %add3A_387 = arith.addi %scan3A_281, %add3A_386 : i32
        %mul3A_388 = arith.constant 32 : i32
        %mul3A_389 = arith.muli %add3A_387, %mul3A_388 : i32
        %add3A_390 = arith.addi %add3A, %mul3A_389 : i32
        %mul3A_391 = arith.constant 80 : i32
        %mul3A_392 = arith.muli %add3A_390, %mul3A_391 : i32
        %jit3A_393 = arith.constant 3 : i32
        %eq3A_394 = arith.constant 0 : i32
        %eq3A_395 = arith.cmpi eq, %jit3A_393, %eq3A_394 : i32
        %jit3A_396 = arith.constant 1 : i32
        %select_n3A_397 = arith.select %eq3A_395, %jit3A_396, %jit3A_393 : i32
        %rem3A_398 = arith.remsi %add3A_387, %select_n3A_397 : i32
        %ne3A_399 = arith.constant 0 : i32
        %ne3A_400 = arith.cmpi ne, %rem3A_398, %ne3A_399 : i32
        %lt3A_401 = arith.constant 0 : i32
        %lt3A_402 = arith.cmpi slt, %rem3A_398, %lt3A_401 : i32
        %lt3A_403 = arith.constant 0 : i32
        %lt3A_404 = arith.cmpi slt, %select_n3A_397, %lt3A_403 : i32
        %ne3A_405 = arith.xori %lt3A_402, %lt3A_404 : i1
        %and3A_406 = arith.andi %ne3A_405, %ne3A_400 : i1
        %add3A_407 = arith.addi %rem3A_398, %select_n3A_397 : i32
        %select_n3A_408 = arith.select %and3A_406, %add3A_407, %rem3A_398 : i32
        %dma_wait3A_409 = arith.constant 0 : i32
        %dma_wait3A_410 = tpu.memref_slice %arg14[%select_n3A_408, %dma_wait3A_409] : memref<3x80xi32, #tpu.memory_space<vmem>> -> memref<1x80xi32, #tpu.memory_space<vmem>>
        %dma_wait3A_411 = tpu.memref_squeeze %dma_wait3A_410 : memref<1x80xi32, #tpu.memory_space<vmem>> -> memref<80xi32, #tpu.memory_space<vmem>>
        %dma_wait3A_412 = tpu.memref_slice %arg4[%mul3A_392] : memref<320000xi32, #tpu.memory_space<hbm>> -> memref<80xi32, #tpu.memory_space<hbm>>
        %dma_wait3A_413 = arith.constant 0 : i32
        %dma_wait3A_414 = tpu.memref_slice %arg14[%select_n3A_408, %dma_wait3A_413] : memref<3x80xi32, #tpu.memory_space<vmem>> -> memref<1x80xi32, #tpu.memory_space<vmem>>
        %dma_wait3A_415 = tpu.memref_squeeze %dma_wait3A_414 : memref<1x80xi32, #tpu.memory_space<vmem>> -> memref<80xi32, #tpu.memory_space<vmem>>
        %dma_wait3A_416 = tpu.memref_slice %arg4[%mul3A_392] : memref<320000xi32, #tpu.memory_space<hbm>> -> memref<80xi32, #tpu.memory_space<hbm>>
        tpu.wait_dma2 semaphore(%arg21 : memref<!tpu.dma_semaphore, #tpu.memory_space<semaphore_mem>>) src(%dma_wait3A_416 : memref<80xi32, #tpu.memory_space<hbm>>) dst(%dma_wait3A_415 : memref<80xi32, #tpu.memory_space<vmem>>)
        %mul3A_417 = arith.constant 32 : i32
        %mul3A_418 = arith.muli %add3A_387, %mul3A_417 : i32
        %add3A_419 = arith.addi %add3A, %mul3A_418 : i32
        %mul3A_420 = arith.constant 80 : i32
        %mul3A_421 = arith.muli %add3A_419, %mul3A_420 : i32
        %jit3A_422 = arith.constant 3 : i32
        %eq3A_423 = arith.constant 0 : i32
        %eq3A_424 = arith.cmpi eq, %jit3A_422, %eq3A_423 : i32
        %jit3A_425 = arith.constant 1 : i32
        %select_n3A_426 = arith.select %eq3A_424, %jit3A_425, %jit3A_422 : i32
        %rem3A_427 = arith.remsi %add3A_387, %select_n3A_426 : i32
        %ne3A_428 = arith.constant 0 : i32
        %ne3A_429 = arith.cmpi ne, %rem3A_427, %ne3A_428 : i32
        %lt3A_430 = arith.constant 0 : i32
        %lt3A_431 = arith.cmpi slt, %rem3A_427, %lt3A_430 : i32
        %lt3A_432 = arith.constant 0 : i32
        %lt3A_433 = arith.cmpi slt, %select_n3A_426, %lt3A_432 : i32
        %ne3A_434 = arith.xori %lt3A_431, %lt3A_433 : i1
        %and3A_435 = arith.andi %ne3A_434, %ne3A_429 : i1
        %add3A_436 = arith.addi %rem3A_427, %select_n3A_426 : i32
        %select_n3A_437 = arith.select %and3A_435, %add3A_436, %rem3A_427 : i32
        %dma_wait3A_438 = arith.constant 0 : i32
        %dma_wait3A_439 = tpu.memref_slice %arg15[%select_n3A_437, %dma_wait3A_438] : memref<3x80xi32, #tpu.memory_space<vmem>> -> memref<1x80xi32, #tpu.memory_space<vmem>>
        %dma_wait3A_440 = tpu.memref_squeeze %dma_wait3A_439 : memref<1x80xi32, #tpu.memory_space<vmem>> -> memref<80xi32, #tpu.memory_space<vmem>>
        %dma_wait3A_441 = tpu.memref_slice %arg5[%mul3A_421] : memref<320000xi32, #tpu.memory_space<hbm>> -> memref<80xi32, #tpu.memory_space<hbm>>
        %dma_wait3A_442 = arith.constant 0 : i32
        %dma_wait3A_443 = tpu.memref_slice %arg15[%select_n3A_437, %dma_wait3A_442] : memref<3x80xi32, #tpu.memory_space<vmem>> -> memref<1x80xi32, #tpu.memory_space<vmem>>
        %dma_wait3A_444 = tpu.memref_squeeze %dma_wait3A_443 : memref<1x80xi32, #tpu.memory_space<vmem>> -> memref<80xi32, #tpu.memory_space<vmem>>
        %dma_wait3A_445 = tpu.memref_slice %arg5[%mul3A_421] : memref<320000xi32, #tpu.memory_space<hbm>> -> memref<80xi32, #tpu.memory_space<hbm>>
        tpu.wait_dma2 semaphore(%arg21 : memref<!tpu.dma_semaphore, #tpu.memory_space<semaphore_mem>>) src(%dma_wait3A_445 : memref<80xi32, #tpu.memory_space<hbm>>) dst(%dma_wait3A_444 : memref<80xi32, #tpu.memory_space<vmem>>)
        %add3A_446 = arith.constant 1 : i32
        %add3A_447 = arith.addi %scan3A_281, %add3A_446 : i32
        %sub3A = arith.constant 1 : i32
        %sub3A_448 = arith.subi %sub3A, %select_n3A_292 : i32
        %jit3A_449 = arith.constant 3 : i32
        %eq3A_450 = arith.constant 0 : i32
        %eq3A_451 = arith.cmpi eq, %jit3A_449, %eq3A_450 : i32
        %jit3A_452 = arith.constant 1 : i32
        %select_n3A_453 = arith.select %eq3A_451, %jit3A_452, %jit3A_449 : i32
        %rem3A_454 = arith.remsi %add3A_447, %select_n3A_453 : i32
        %ne3A_455 = arith.constant 0 : i32
        %ne3A_456 = arith.cmpi ne, %rem3A_454, %ne3A_455 : i32
        %lt3A_457 = arith.constant 0 : i32
        %lt3A_458 = arith.cmpi slt, %rem3A_454, %lt3A_457 : i32
        %lt3A_459 = arith.constant 0 : i32
        %lt3A_460 = arith.cmpi slt, %select_n3A_453, %lt3A_459 : i32
        %ne3A_461 = arith.xori %lt3A_458, %lt3A_460 : i1
        %and3A_462 = arith.andi %ne3A_461, %ne3A_456 : i1
        %add3A_463 = arith.addi %rem3A_454, %select_n3A_453 : i32
        %select_n3A_464 = arith.select %and3A_462, %add3A_463, %rem3A_454 : i32
        %dma_start3A_465 = arith.constant 0 : i32
        %dma_start3A_466 = arith.constant 0 : i32
        %dma_start3A_467 = tpu.memref_slice %arg16[%sub3A_448, %dma_start3A_465, %dma_start3A_466] : memref<2x80x144xf32, #tpu.memory_space<vmem>> -> memref<1x80x144xf32, #tpu.memory_space<vmem>>
        %dma_start3A_468 = tpu.memref_squeeze %dma_start3A_467 : memref<1x80x144xf32, #tpu.memory_space<vmem>> -> memref<80x144xf32, #tpu.memory_space<vmem>>
        %dma_start3A_469 = arith.constant 0 : i32
        %dma_start3A_470 = tpu.memref_slice %arg14[%select_n3A_464, %dma_start3A_469] : memref<3x80xi32, #tpu.memory_space<vmem>> -> memref<1x80xi32, #tpu.memory_space<vmem>>
        %dma_start3A_471 = tpu.memref_squeeze %dma_start3A_470 : memref<1x80xi32, #tpu.memory_space<vmem>> -> memref<80xi32, #tpu.memory_space<vmem>>
        %dma_start3A_472 = arith.constant 0 : i32
        %dma_start3A_473 = arith.constant 0 : i32
        %dma_start3A_474 = tpu.memref_slice %arg2[%dma_start3A_472, %dma_start3A_473] : memref<10000x144xf32, #tpu.memory_space<hbm>> -> memref<10000x144xf32, #tpu.memory_space<hbm>>
        tpu.enqueue_indirect_dma source(%dma_start3A_474 : memref<10000x144xf32, #tpu.memory_space<hbm>>) target(%dma_start3A_468 : memref<80x144xf32, #tpu.memory_space<vmem>>) offsets(%dma_start3A_471 : memref<80xi32, #tpu.memory_space<vmem>>) semaphore(%arg22 : memref<!tpu.dma_semaphore, #tpu.memory_space<semaphore_mem>>)
        %jit3A_475 = arith.constant 3 : i32
        %eq3A_476 = arith.constant 0 : i32
        %eq3A_477 = arith.cmpi eq, %jit3A_475, %eq3A_476 : i32
        %jit3A_478 = arith.constant 1 : i32
        %select_n3A_479 = arith.select %eq3A_477, %jit3A_478, %jit3A_475 : i32
        %rem3A_480 = arith.remsi %add3A_447, %select_n3A_479 : i32
        %ne3A_481 = arith.constant 0 : i32
        %ne3A_482 = arith.cmpi ne, %rem3A_480, %ne3A_481 : i32
        %lt3A_483 = arith.constant 0 : i32
        %lt3A_484 = arith.cmpi slt, %rem3A_480, %lt3A_483 : i32
        %lt3A_485 = arith.constant 0 : i32
        %lt3A_486 = arith.cmpi slt, %select_n3A_479, %lt3A_485 : i32
        %ne3A_487 = arith.xori %lt3A_484, %lt3A_486 : i1
        %and3A_488 = arith.andi %ne3A_487, %ne3A_482 : i1
        %add3A_489 = arith.addi %rem3A_480, %select_n3A_479 : i32
        %select_n3A_490 = arith.select %and3A_488, %add3A_489, %rem3A_480 : i32
        %dma_start3A_491 = arith.constant 0 : i32
        %dma_start3A_492 = arith.constant 0 : i32
        %dma_start3A_493 = tpu.memref_slice %arg17[%sub3A_448, %dma_start3A_491, %dma_start3A_492] : memref<2x80x16xf32, #tpu.memory_space<vmem>> -> memref<1x80x16xf32, #tpu.memory_space<vmem>>
        %dma_start3A_494 = tpu.memref_squeeze %dma_start3A_493 : memref<1x80x16xf32, #tpu.memory_space<vmem>> -> memref<80x16xf32, #tpu.memory_space<vmem>>
        %dma_start3A_495 = arith.constant 0 : i32
        %dma_start3A_496 = tpu.memref_slice %arg15[%select_n3A_490, %dma_start3A_495] : memref<3x80xi32, #tpu.memory_space<vmem>> -> memref<1x80xi32, #tpu.memory_space<vmem>>
        %dma_start3A_497 = tpu.memref_squeeze %dma_start3A_496 : memref<1x80xi32, #tpu.memory_space<vmem>> -> memref<80xi32, #tpu.memory_space<vmem>>
        %dma_start3A_498 = arith.constant 0 : i32
        %dma_start3A_499 = arith.constant 0 : i32
        %dma_start3A_500 = tpu.memref_slice %arg3[%dma_start3A_498, %dma_start3A_499] : memref<10000x16xf32, #tpu.memory_space<hbm>> -> memref<10000x16xf32, #tpu.memory_space<hbm>>
        tpu.enqueue_indirect_dma source(%dma_start3A_500 : memref<10000x16xf32, #tpu.memory_space<hbm>>) target(%dma_start3A_494 : memref<80x16xf32, #tpu.memory_space<vmem>>) offsets(%dma_start3A_497 : memref<80xi32, #tpu.memory_space<vmem>>) semaphore(%arg22 : memref<!tpu.dma_semaphore, #tpu.memory_space<semaphore_mem>>)
      } else {
      }
      %ge3A = arith.constant 1 : i32
      %ge3A_357 = arith.cmpi sge, %scan3A_281, %ge3A : i32
      %convert_element_type3A_358 = arith.extui %ge3A_357 : i1 to i32
      %cond3A_359 = arith.constant 0 : i32
      %cond3A_360 = arith.cmpi ne, %convert_element_type3A_358, %cond3A_359 : i32
      scf.if %cond3A_360 {
        %sub3A = arith.constant 1 : i32
        %sub3A_386 = arith.subi %scan3A_281, %sub3A : i32
        %jit3A_387 = arith.constant 3 : i32
        %eq3A_388 = arith.constant 0 : i32
        %eq3A_389 = arith.cmpi eq, %jit3A_387, %eq3A_388 : i32
        %jit3A_390 = arith.constant 1 : i32
        %select_n3A_391 = arith.select %eq3A_389, %jit3A_390, %jit3A_387 : i32
        %rem3A_392 = arith.remsi %sub3A_386, %select_n3A_391 : i32
        %ne3A_393 = arith.constant 0 : i32
        %ne3A_394 = arith.cmpi ne, %rem3A_392, %ne3A_393 : i32
        %lt3A_395 = arith.constant 0 : i32
        %lt3A_396 = arith.cmpi slt, %rem3A_392, %lt3A_395 : i32
        %lt3A_397 = arith.constant 0 : i32
        %lt3A_398 = arith.cmpi slt, %select_n3A_391, %lt3A_397 : i32
        %ne3A_399 = arith.xori %lt3A_396, %lt3A_398 : i1
        %and3A_400 = arith.andi %ne3A_399, %ne3A_394 : i1
        %add3A_401 = arith.addi %rem3A_392, %select_n3A_391 : i32
        %select_n3A_402 = arith.select %and3A_400, %add3A_401, %rem3A_392 : i32
        %dma_wait3A_403 = arith.constant 0 : i32
        %dma_wait3A_404 = tpu.memref_slice %arg15[%select_n3A_402, %dma_wait3A_403] : memref<3x80xi32, #tpu.memory_space<vmem>> -> memref<1x80xi32, #tpu.memory_space<vmem>>
        %dma_wait3A_405 = tpu.memref_squeeze %dma_wait3A_404 : memref<1x80xi32, #tpu.memory_space<vmem>> -> memref<80xi32, #tpu.memory_space<vmem>>
        %dma_wait3A_406 = arith.constant 0 : i32
        %dma_wait3A_407 = arith.constant 0 : i32
        %dma_wait3A_408 = tpu.memref_slice %arg20[%dma_wait3A_406, %dma_wait3A_407] : memref<10112x144xf32, #tpu.memory_space<vmem_shared>> -> memref<10112x144xf32, #tpu.memory_space<vmem_shared>>
        tpu.wait_indirect_dma semaphore(%arg23 : memref<!tpu.dma_semaphore, #tpu.memory_space<semaphore_mem>>) src(%arg18 : memref<80x144xf32, #tpu.memory_space<vmem>>) dst(%dma_wait3A_408 : memref<10112x144xf32, #tpu.memory_space<vmem_shared>>)
      } else {
      }
      %parallel_loop3A = arith.constant 0 : i32
      %parallel_loop3A_361 = arith.constant 80 : i32
      %parallel_loop3A_362 = arith.constant 1 : i32
      scf.for %parallel_loop3A_386 = %parallel_loop3A to %parallel_loop3A_361 step %parallel_loop3A_362  : i32 {
        %parallel_loop3A_387 = arith.index_cast %select_n3A_292 : i32 to index
        %parallel_loop3A_388 = arith.index_cast %parallel_loop3A_386 : i32 to index
        %parallel_loop3A_389 = arith.constant 128 : index
        %parallel_loop3A_390 = tpu.vector_load %arg16[%parallel_loop3A_387, %parallel_loop3A_388, %parallel_loop3A_389] {strides = array<i32>} : memref<2x80x144xf32, #tpu.memory_space<vmem>>, vector<1x1x16xf32>,
        %parallel_loop3A_391 = vector.shape_cast %parallel_loop3A_390 : vector<1x1x16xf32> to vector<16xf32>
        %parallel_loop3A_392 = arith.index_cast %select_n3A_292 : i32 to index
        %parallel_loop3A_393 = arith.index_cast %parallel_loop3A_386 : i32 to index
        %parallel_loop3A_394 = arith.constant 0 : index
        %parallel_loop3A_395 = tpu.vector_load %arg17[%parallel_loop3A_392, %parallel_loop3A_393, %parallel_loop3A_394] {strides = array<i32>} : memref<2x80x16xf32, #tpu.memory_space<vmem>>, vector<1x1x16xf32>,
        %parallel_loop3A_396 = vector.shape_cast %parallel_loop3A_395 : vector<1x1x16xf32> to vector<16xf32>
        %parallel_loop3A_397 = arith.addf %parallel_loop3A_391, %parallel_loop3A_396 : vector<16xf32>
        %parallel_loop3A_398 = arith.constant 0.000000e+00 : f32
        %parallel_loop3A_399 = vector.broadcast %parallel_loop3A_398 : f32 to vector<16xf32>
        %parallel_loop3A_400 = arith.cmpf ogt, %parallel_loop3A_397, %parallel_loop3A_399 : vector<16xf32>
        %parallel_loop3A_401 = arith.constant 2.000000e-01 : f32
        %parallel_loop3A_402 = vector.broadcast %parallel_loop3A_401 : f32 to vector<16xf32>
        %parallel_loop3A_403 = arith.mulf %parallel_loop3A_402, %parallel_loop3A_397 : vector<16xf32>
        %parallel_loop3A_404 = arith.select %parallel_loop3A_400, %parallel_loop3A_397, %parallel_loop3A_403 : vector<16xi1>, vector<16xf32>
        %parallel_loop3A_405 = arith.subf %parallel_loop3A_404, %select_n3A : vector<16xf32>
        %parallel_loop3A_406 = math.exp %parallel_loop3A_405 : vector<16xf32>
        %parallel_loop3A_407 = arith.index_cast %parallel_loop3A_386 : i32 to index
        %parallel_loop3A_408 = arith.constant 128 : index
        %parallel_loop3A_409 = tpu.vector_load %arg18[%parallel_loop3A_407, %parallel_loop3A_408] {strides = array<i32>} : memref<80x144xf32, #tpu.memory_space<vmem>>, vector<1x16xf32>,
        %parallel_loop3A_410 = vector.shape_cast %parallel_loop3A_409 : vector<1x16xf32> to vector<16xf32>
        %parallel_loop3A_411 = vector.shape_cast %parallel_loop3A_406 : vector<16xf32> to vector<1x16xf32>
        tpu.vector_store %arg18[%parallel_loop3A_407, %parallel_loop3A_408], %parallel_loop3A_411 {strides = array<i32>} : memref<80x144xf32, #tpu.memory_space<vmem>>, vector<1x16xf32>,
        %parallel_loop3A_412 = arith.index_cast %select_n3A_292 : i32 to index
        %parallel_loop3A_413 = arith.index_cast %parallel_loop3A_386 : i32 to index
        %parallel_loop3A_414 = arith.constant 0 : index
        %parallel_loop3A_415 = tpu.vector_load %arg16[%parallel_loop3A_412, %parallel_loop3A_413, %parallel_loop3A_414] {strides = array<i32>} : memref<2x80x144xf32, #tpu.memory_space<vmem>>, vector<1x1x16xf32>,
        %parallel_loop3A_416 = vector.shape_cast %parallel_loop3A_415 : vector<1x1x16xf32> to vector<16xf32>
        %parallel_loop3A_417 = vector.extract_strided_slice %parallel_loop3A_406 {offsets = [0], sizes = [1], strides = [1]} : vector<16xf32> to vector<1xf32>
        %parallel_loop3A_418 = vector.extract %parallel_loop3A_417[0] : f32 from vector<1xf32>
        %parallel_loop3A_419 = vector.broadcast %parallel_loop3A_418 : f32 to vector<16xf32>
        %parallel_loop3A_420 = arith.mulf %parallel_loop3A_416, %parallel_loop3A_419 : vector<16xf32>
        %parallel_loop3A_421 = arith.index_cast %parallel_loop3A_386 : i32 to index
        %parallel_loop3A_422 = arith.constant 0 : index
        %parallel_loop3A_423 = tpu.vector_load %arg18[%parallel_loop3A_421, %parallel_loop3A_422] {strides = array<i32>} : memref<80x144xf32, #tpu.memory_space<vmem>>, vector<1x16xf32>,
        %parallel_loop3A_424 = vector.shape_cast %parallel_loop3A_423 : vector<1x16xf32> to vector<16xf32>
        %parallel_loop3A_425 = vector.shape_cast %parallel_loop3A_420 : vector<16xf32> to vector<1x16xf32>
        tpu.vector_store %arg18[%parallel_loop3A_421, %parallel_loop3A_422], %parallel_loop3A_425 {strides = array<i32>} : memref<80x144xf32, #tpu.memory_space<vmem>>, vector<1x16xf32>,
        %parallel_loop3A_426 = arith.index_cast %select_n3A_292 : i32 to index
        %parallel_loop3A_427 = arith.index_cast %parallel_loop3A_386 : i32 to index
        %parallel_loop3A_428 = arith.constant 16 : index
        %parallel_loop3A_429 = tpu.vector_load %arg16[%parallel_loop3A_426, %parallel_loop3A_427, %parallel_loop3A_428] {strides = array<i32>} : memref<2x80x144xf32, #tpu.memory_space<vmem>>, vector<1x1x16xf32>,
        %parallel_loop3A_430 = vector.shape_cast %parallel_loop3A_429 : vector<1x1x16xf32> to vector<16xf32>
        %parallel_loop3A_431 = vector.extract_strided_slice %parallel_loop3A_406 {offsets = [1], sizes = [1], strides = [1]} : vector<16xf32> to vector<1xf32>
        %parallel_loop3A_432 = vector.extract %parallel_loop3A_431[0] : f32 from vector<1xf32>
        %parallel_loop3A_433 = vector.broadcast %parallel_loop3A_432 : f32 to vector<16xf32>
        %parallel_loop3A_434 = arith.mulf %parallel_loop3A_430, %parallel_loop3A_433 : vector<16xf32>
        %parallel_loop3A_435 = arith.index_cast %parallel_loop3A_386 : i32 to index
        %parallel_loop3A_436 = arith.constant 16 : index
        %parallel_loop3A_437 = tpu.vector_load %arg18[%parallel_loop3A_435, %parallel_loop3A_436] {strides = array<i32>} : memref<80x144xf32, #tpu.memory_space<vmem>>, vector<1x16xf32>,
        %parallel_loop3A_438 = vector.shape_cast %parallel_loop3A_437 : vector<1x16xf32> to vector<16xf32>
        %parallel_loop3A_439 = vector.shape_cast %parallel_loop3A_434 : vector<16xf32> to vector<1x16xf32>
        tpu.vector_store %arg18[%parallel_loop3A_435, %parallel_loop3A_436], %parallel_loop3A_439 {strides = array<i32>} : memref<80x144xf32, #tpu.memory_space<vmem>>, vector<1x16xf32>,
        %parallel_loop3A_440 = arith.index_cast %select_n3A_292 : i32 to index
        %parallel_loop3A_441 = arith.index_cast %parallel_loop3A_386 : i32 to index
        %parallel_loop3A_442 = arith.constant 32 : index
        %parallel_loop3A_443 = tpu.vector_load %arg16[%parallel_loop3A_440, %parallel_loop3A_441, %parallel_loop3A_442] {strides = array<i32>} : memref<2x80x144xf32, #tpu.memory_space<vmem>>, vector<1x1x16xf32>,
        %parallel_loop3A_444 = vector.shape_cast %parallel_loop3A_443 : vector<1x1x16xf32> to vector<16xf32>
        %parallel_loop3A_445 = vector.extract_strided_slice %parallel_loop3A_406 {offsets = [2], sizes = [1], strides = [1]} : vector<16xf32> to vector<1xf32>
        %parallel_loop3A_446 = vector.extract %parallel_loop3A_445[0] : f32 from vector<1xf32>
        %parallel_loop3A_447 = vector.broadcast %parallel_loop3A_446 : f32 to vector<16xf32>
        %parallel_loop3A_448 = arith.mulf %parallel_loop3A_444, %parallel_loop3A_447 : vector<16xf32>
        %parallel_loop3A_449 = arith.index_cast %parallel_loop3A_386 : i32 to index
        %parallel_loop3A_450 = arith.constant 32 : index
        %parallel_loop3A_451 = tpu.vector_load %arg18[%parallel_loop3A_449, %parallel_loop3A_450] {strides = array<i32>} : memref<80x144xf32, #tpu.memory_space<vmem>>, vector<1x16xf32>,
        %parallel_loop3A_452 = vector.shape_cast %parallel_loop3A_451 : vector<1x16xf32> to vector<16xf32>
        %parallel_loop3A_453 = vector.shape_cast %parallel_loop3A_448 : vector<16xf32> to vector<1x16xf32>
        tpu.vector_store %arg18[%parallel_loop3A_449, %parallel_loop3A_450], %parallel_loop3A_453 {strides = array<i32>} : memref<80x144xf32, #tpu.memory_space<vmem>>, vector<1x16xf32>,
        %parallel_loop3A_454 = arith.index_cast %select_n3A_292 : i32 to index
        %parallel_loop3A_455 = arith.index_cast %parallel_loop3A_386 : i32 to index
        %parallel_loop3A_456 = arith.constant 48 : index
        %parallel_loop3A_457 = tpu.vector_load %arg16[%parallel_loop3A_454, %parallel_loop3A_455, %parallel_loop3A_456] {strides = array<i32>} : memref<2x80x144xf32, #tpu.memory_space<vmem>>, vector<1x1x16xf32>,
        %parallel_loop3A_458 = vector.shape_cast %parallel_loop3A_457 : vector<1x1x16xf32> to vector<16xf32>
        %parallel_loop3A_459 = vector.extract_strided_slice %parallel_loop3A_406 {offsets = [3], sizes = [1], strides = [1]} : vector<16xf32> to vector<1xf32>
        %parallel_loop3A_460 = vector.extract %parallel_loop3A_459[0] : f32 from vector<1xf32>
        %parallel_loop3A_461 = vector.broadcast %parallel_loop3A_460 : f32 to vector<16xf32>
        %parallel_loop3A_462 = arith.mulf %parallel_loop3A_458, %parallel_loop3A_461 : vector<16xf32>
        %parallel_loop3A_463 = arith.index_cast %parallel_loop3A_386 : i32 to index
        %parallel_loop3A_464 = arith.constant 48 : index
        %parallel_loop3A_465 = tpu.vector_load %arg18[%parallel_loop3A_463, %parallel_loop3A_464] {strides = array<i32>} : memref<80x144xf32, #tpu.memory_space<vmem>>, vector<1x16xf32>,
        %parallel_loop3A_466 = vector.shape_cast %parallel_loop3A_465 : vector<1x16xf32> to vector<16xf32>
        %parallel_loop3A_467 = vector.shape_cast %parallel_loop3A_462 : vector<16xf32> to vector<1x16xf32>
        tpu.vector_store %arg18[%parallel_loop3A_463, %parallel_loop3A_464], %parallel_loop3A_467 {strides = array<i32>} : memref<80x144xf32, #tpu.memory_space<vmem>>, vector<1x16xf32>,
        %parallel_loop3A_468 = arith.index_cast %select_n3A_292 : i32 to index
        %parallel_loop3A_469 = arith.index_cast %parallel_loop3A_386 : i32 to index
        %parallel_loop3A_470 = arith.constant 64 : index
        %parallel_loop3A_471 = tpu.vector_load %arg16[%parallel_loop3A_468, %parallel_loop3A_469, %parallel_loop3A_470] {strides = array<i32>} : memref<2x80x144xf32, #tpu.memory_space<vmem>>, vector<1x1x16xf32>,
        %parallel_loop3A_472 = vector.shape_cast %parallel_loop3A_471 : vector<1x1x16xf32> to vector<16xf32>
        %parallel_loop3A_473 = vector.extract_strided_slice %parallel_loop3A_406 {offsets = [4], sizes = [1], strides = [1]} : vector<16xf32> to vector<1xf32>
        %parallel_loop3A_474 = vector.extract %parallel_loop3A_473[0] : f32 from vector<1xf32>
        %parallel_loop3A_475 = vector.broadcast %parallel_loop3A_474 : f32 to vector<16xf32>
        %parallel_loop3A_476 = arith.mulf %parallel_loop3A_472, %parallel_loop3A_475 : vector<16xf32>
        %parallel_loop3A_477 = arith.index_cast %parallel_loop3A_386 : i32 to index
        %parallel_loop3A_478 = arith.constant 64 : index
        %parallel_loop3A_479 = tpu.vector_load %arg18[%parallel_loop3A_477, %parallel_loop3A_478] {strides = array<i32>} : memref<80x144xf32, #tpu.memory_space<vmem>>, vector<1x16xf32>,
        %parallel_loop3A_480 = vector.shape_cast %parallel_loop3A_479 : vector<1x16xf32> to vector<16xf32>
        %parallel_loop3A_481 = vector.shape_cast %parallel_loop3A_476 : vector<16xf32> to vector<1x16xf32>
        tpu.vector_store %arg18[%parallel_loop3A_477, %parallel_loop3A_478], %parallel_loop3A_481 {strides = array<i32>} : memref<80x144xf32, #tpu.memory_space<vmem>>, vector<1x16xf32>,
        %parallel_loop3A_482 = arith.index_cast %select_n3A_292 : i32 to index
        %parallel_loop3A_483 = arith.index_cast %parallel_loop3A_386 : i32 to index
        %parallel_loop3A_484 = arith.constant 80 : index
        %parallel_loop3A_485 = tpu.vector_load %arg16[%parallel_loop3A_482, %parallel_loop3A_483, %parallel_loop3A_484] {strides = array<i32>} : memref<2x80x144xf32, #tpu.memory_space<vmem>>, vector<1x1x16xf32>,
        %parallel_loop3A_486 = vector.shape_cast %parallel_loop3A_485 : vector<1x1x16xf32> to vector<16xf32>
        %parallel_loop3A_487 = vector.extract_strided_slice %parallel_loop3A_406 {offsets = [5], sizes = [1], strides = [1]} : vector<16xf32> to vector<1xf32>
        %parallel_loop3A_488 = vector.extract %parallel_loop3A_487[0] : f32 from vector<1xf32>
        %parallel_loop3A_489 = vector.broadcast %parallel_loop3A_488 : f32 to vector<16xf32>
        %parallel_loop3A_490 = arith.mulf %parallel_loop3A_486, %parallel_loop3A_489 : vector<16xf32>
        %parallel_loop3A_491 = arith.index_cast %parallel_loop3A_386 : i32 to index
        %parallel_loop3A_492 = arith.constant 80 : index
        %parallel_loop3A_493 = tpu.vector_load %arg18[%parallel_loop3A_491, %parallel_loop3A_492] {strides = array<i32>} : memref<80x144xf32, #tpu.memory_space<vmem>>, vector<1x16xf32>,
        %parallel_loop3A_494 = vector.shape_cast %parallel_loop3A_493 : vector<1x16xf32> to vector<16xf32>
        %parallel_loop3A_495 = vector.shape_cast %parallel_loop3A_490 : vector<16xf32> to vector<1x16xf32>
        tpu.vector_store %arg18[%parallel_loop3A_491, %parallel_loop3A_492], %parallel_loop3A_495 {strides = array<i32>} : memref<80x144xf32, #tpu.memory_space<vmem>>, vector<1x16xf32>,
        %parallel_loop3A_496 = arith.index_cast %select_n3A_292 : i32 to index
        %parallel_loop3A_497 = arith.index_cast %parallel_loop3A_386 : i32 to index
        %parallel_loop3A_498 = arith.constant 96 : index
        %parallel_loop3A_499 = tpu.vector_load %arg16[%parallel_loop3A_496, %parallel_loop3A_497, %parallel_loop3A_498] {strides = array<i32>} : memref<2x80x144xf32, #tpu.memory_space<vmem>>, vector<1x1x16xf32>,
        %parallel_loop3A_500 = vector.shape_cast %parallel_loop3A_499 : vector<1x1x16xf32> to vector<16xf32>
        %parallel_loop3A_501 = vector.extract_strided_slice %parallel_loop3A_406 {offsets = [6], sizes = [1], strides = [1]} : vector<16xf32> to vector<1xf32>
        %parallel_loop3A_502 = vector.extract %parallel_loop3A_501[0] : f32 from vector<1xf32>
        %parallel_loop3A_503 = vector.broadcast %parallel_loop3A_502 : f32 to vector<16xf32>
        %parallel_loop3A_504 = arith.mulf %parallel_loop3A_500, %parallel_loop3A_503 : vector<16xf32>
        %parallel_loop3A_505 = arith.index_cast %parallel_loop3A_386 : i32 to index
        %parallel_loop3A_506 = arith.constant 96 : index
        %parallel_loop3A_507 = tpu.vector_load %arg18[%parallel_loop3A_505, %parallel_loop3A_506] {strides = array<i32>} : memref<80x144xf32, #tpu.memory_space<vmem>>, vector<1x16xf32>,
        %parallel_loop3A_508 = vector.shape_cast %parallel_loop3A_507 : vector<1x16xf32> to vector<16xf32>
        %parallel_loop3A_509 = vector.shape_cast %parallel_loop3A_504 : vector<16xf32> to vector<1x16xf32>
        tpu.vector_store %arg18[%parallel_loop3A_505, %parallel_loop3A_506], %parallel_loop3A_509 {strides = array<i32>} : memref<80x144xf32, #tpu.memory_space<vmem>>, vector<1x16xf32>,
        %parallel_loop3A_510 = arith.index_cast %select_n3A_292 : i32 to index
        %parallel_loop3A_511 = arith.index_cast %parallel_loop3A_386 : i32 to index
        %parallel_loop3A_512 = arith.constant 112 : index
        %parallel_loop3A_513 = tpu.vector_load %arg16[%parallel_loop3A_510, %parallel_loop3A_511, %parallel_loop3A_512] {strides = array<i32>} : memref<2x80x144xf32, #tpu.memory_space<vmem>>, vector<1x1x16xf32>,
        %parallel_loop3A_514 = vector.shape_cast %parallel_loop3A_513 : vector<1x1x16xf32> to vector<16xf32>
        %parallel_loop3A_515 = vector.extract_strided_slice %parallel_loop3A_406 {offsets = [7], sizes = [1], strides = [1]} : vector<16xf32> to vector<1xf32>
        %parallel_loop3A_516 = vector.extract %parallel_loop3A_515[0] : f32 from vector<1xf32>
        %parallel_loop3A_517 = vector.broadcast %parallel_loop3A_516 : f32 to vector<16xf32>
        %parallel_loop3A_518 = arith.mulf %parallel_loop3A_514, %parallel_loop3A_517 : vector<16xf32>
        %parallel_loop3A_519 = arith.index_cast %parallel_loop3A_386 : i32 to index
        %parallel_loop3A_520 = arith.constant 112 : index
        %parallel_loop3A_521 = tpu.vector_load %arg18[%parallel_loop3A_519, %parallel_loop3A_520] {strides = array<i32>} : memref<80x144xf32, #tpu.memory_space<vmem>>, vector<1x16xf32>,
        %parallel_loop3A_522 = vector.shape_cast %parallel_loop3A_521 : vector<1x16xf32> to vector<16xf32>
        %parallel_loop3A_523 = vector.shape_cast %parallel_loop3A_518 : vector<16xf32> to vector<1x16xf32>
        tpu.vector_store %arg18[%parallel_loop3A_519, %parallel_loop3A_520], %parallel_loop3A_523 {strides = array<i32>} : memref<80x144xf32, #tpu.memory_space<vmem>>, vector<1x16xf32>,
      } {sc.loop_unroll_factor = 4 : i64, sc.parallel_access}
      %jit3A_363 = arith.constant 3 : i32
      %eq3A_364 = arith.constant 0 : i32
      %eq3A_365 = arith.cmpi eq, %jit3A_363, %eq3A_364 : i32
      %jit3A_366 = arith.constant 1 : i32
      %select_n3A_367 = arith.select %eq3A_365, %jit3A_366, %jit3A_363 : i32
      %rem3A_368 = arith.remsi %scan3A_281, %select_n3A_367 : i32
      %ne3A_369 = arith.constant 0 : i32
      %ne3A_370 = arith.cmpi ne, %rem3A_368, %ne3A_369 : i32
      %lt3A_371 = arith.constant 0 : i32
      %lt3A_372 = arith.cmpi slt, %rem3A_368, %lt3A_371 : i32
      %lt3A_373 = arith.constant 0 : i32
      %lt3A_374 = arith.cmpi slt, %select_n3A_367, %lt3A_373 : i32
      %ne3A_375 = arith.xori %lt3A_372, %lt3A_374 : i1
      %and3A_376 = arith.andi %ne3A_375, %ne3A_370 : i1
      %add3A_377 = arith.addi %rem3A_368, %select_n3A_367 : i32
      %select_n3A_378 = arith.select %and3A_376, %add3A_377, %rem3A_368 : i32
      %dma_start3A_379 = arith.constant 0 : i32
      %dma_start3A_380 = tpu.memref_slice %arg15[%select_n3A_378, %dma_start3A_379] : memref<3x80xi32, #tpu.memory_space<vmem>> -> memref<1x80xi32, #tpu.memory_space<vmem>>
      %dma_start3A_381 = tpu.memref_squeeze %dma_start3A_380 : memref<1x80xi32, #tpu.memory_space<vmem>> -> memref<80xi32, #tpu.memory_space<vmem>>
      %dma_start3A_382 = arith.constant 0 : i32
      %dma_start3A_383 = arith.constant 0 : i32
      %dma_start3A_384 = tpu.memref_slice %arg20[%dma_start3A_382, %dma_start3A_383] : memref<10112x144xf32, #tpu.memory_space<vmem_shared>> -> memref<10112x144xf32, #tpu.memory_space<vmem_shared>>
      tpu.enqueue_indirect_dma source(%arg18 : memref<80x144xf32, #tpu.memory_space<vmem>>) target(%dma_start3A_384 : memref<10112x144xf32, #tpu.memory_space<vmem_shared>>) offsets(%dma_start3A_381 : memref<80xi32, #tpu.memory_space<vmem>>) semaphore(%arg23 : memref<!tpu.dma_semaphore, #tpu.memory_space<semaphore_mem>>) {add = true}
      %scan3A_385 = arith.constant 0 : i32
      scf.yield %scan3A_385 : i32
    }
    %scan3A_123 = arith.constant 125 : i32
    %dma_wait3A_124 = arith.constant 1 : i32
    %dma_wait3A_125 = arith.constant 0 : i32
    %dma_wait3A_126 = tpu.memref_slice %arg15[%dma_wait3A_124, %dma_wait3A_125] : memref<3x80xi32, #tpu.memory_space<vmem>> -> memref<1x80xi32, #tpu.memory_space<vmem>>
    %dma_wait3A_127 = tpu.memref_squeeze %dma_wait3A_126 : memref<1x80xi32, #tpu.memory_space<vmem>> -> memref<80xi32, #tpu.memory_space<vmem>>
    %dma_wait3A_128 = arith.constant 0 : i32
    %dma_wait3A_129 = arith.constant 0 : i32
    %dma_wait3A_130 = tpu.memref_slice %arg20[%dma_wait3A_128, %dma_wait3A_129] : memref<10112x144xf32, #tpu.memory_space<vmem_shared>> -> memref<10112x144xf32, #tpu.memory_space<vmem_shared>>
    tpu.wait_indirect_dma semaphore(%arg23 : memref<!tpu.dma_semaphore, #tpu.memory_space<semaphore_mem>>) src(%arg18 : memref<80x144xf32, #tpu.memory_space<vmem>>) dst(%dma_wait3A_130 : memref<10112x144xf32, #tpu.memory_space<vmem_shared>>)
    %barrier3A_131 = arith.constant 0 : index
    tpu.barrier barrier_id(%barrier3A_131)
    %mul3A_132 = arith.constant 632 : i32
    %mul3A_133 = arith.muli %arg1, %mul3A_132 : i32
    %mul3A_134 = arith.constant 632 : i32
    %mul3A_135 = arith.muli %arg1, %mul3A_134 : i32
    %run_scoped3A = arith.constant 0 : i32
    "tpu.region"() ({
      %run_scoped3A_281 = tpu.sem_alloc : memref<!tpu.dma_semaphore, #tpu.memory_space<semaphore_mem>>
      %dma_start3A_282 = arith.constant 0 : i32
      %dma_start3A_283 = tpu.memref_slice %arg13[%run_scoped3A, %arg0, %mul3A_135, %dma_start3A_282] : memref<2x2x10112x144xf32, #tpu.memory_space<hbm>> -> memref<1x1x632x144xf32, #tpu.memory_space<hbm>>
      %dma_start3A_284 = tpu.memref_squeeze %dma_start3A_283 : memref<1x1x632x144xf32, #tpu.memory_space<hbm>> -> memref<632x144xf32, #tpu.memory_space<hbm>>
      %dma_start3A_285 = arith.constant 0 : i32
      %dma_start3A_286 = tpu.memref_slice %arg20[%mul3A_133, %dma_start3A_285] : memref<10112x144xf32, #tpu.memory_space<vmem_shared>> -> memref<632x144xf32, #tpu.memory_space<vmem_shared>>
      tpu.enqueue_dma source(%dma_start3A_286 : memref<632x144xf32, #tpu.memory_space<vmem_shared>>) target(%dma_start3A_284 : memref<632x144xf32, #tpu.memory_space<hbm>>) target_semaphore(%run_scoped3A_281 : memref<!tpu.dma_semaphore, #tpu.memory_space<semaphore_mem>>)
      %dma_wait3A_287 = arith.constant 0 : i32
      %dma_wait3A_288 = tpu.memref_slice %arg13[%run_scoped3A, %arg0, %mul3A_135, %dma_wait3A_287] : memref<2x2x10112x144xf32, #tpu.memory_space<hbm>> -> memref<1x1x632x144xf32, #tpu.memory_space<hbm>>
      %dma_wait3A_289 = tpu.memref_squeeze %dma_wait3A_288 : memref<1x1x632x144xf32, #tpu.memory_space<hbm>> -> memref<632x144xf32, #tpu.memory_space<hbm>>
      %dma_wait3A_290 = arith.constant 0 : i32
      %dma_wait3A_291 = tpu.memref_slice %arg20[%mul3A_133, %dma_wait3A_290] : memref<10112x144xf32, #tpu.memory_space<vmem_shared>> -> memref<632x144xf32, #tpu.memory_space<vmem_shared>>
      tpu.wait_dma2 semaphore(%run_scoped3A_281 : memref<!tpu.dma_semaphore, #tpu.memory_space<semaphore_mem>>) src(%dma_wait3A_291 : memref<632x144xf32, #tpu.memory_space<vmem_shared>>) dst(%dma_wait3A_289 : memref<632x144xf32, #tpu.memory_space<hbm>>)
      tpu.yield
    }) : () -> ()
    %barrier3A_136 = arith.constant 0 : index
    tpu.barrier barrier_id(%barrier3A_136)
    %mul3A_137 = arith.constant 632 : i32
    %mul3A_138 = arith.muli %arg1, %mul3A_137 : i32
    "tpu.region"() ({
      %run_scoped3A_281 = tpu.sem_alloc : memref<!tpu.dma_semaphore, #tpu.memory_space<semaphore_mem>>
      %dma_start3A_282 = arith.constant 0 : i32
      %dma_start3A_283 = tpu.memref_slice %arg20[%mul3A_138, %dma_start3A_282] : memref<10112x144xf32, #tpu.memory_space<vmem_shared>> -> memref<632x144xf32, #tpu.memory_space<vmem_shared>>
      tpu.enqueue_dma source(%arg12 : memref<632x144xf32, #tpu.memory_space<hbm>>) target(%dma_start3A_283 : memref<632x144xf32, #tpu.memory_space<vmem_shared>>) target_semaphore(%run_scoped3A_281 : memref<!tpu.dma_semaphore, #tpu.memory_space<semaphore_mem>>)
      %dma_wait3A_284 = arith.constant 0 : i32
      %dma_wait3A_285 = tpu.memref_slice %arg20[%mul3A_138, %dma_wait3A_284] : memref<10112x144xf32, #tpu.memory_space<vmem_shared>> -> memref<632x144xf32, #tpu.memory_space<vmem_shared>>
      tpu.wait_dma2 semaphore(%run_scoped3A_281 : memref<!tpu.dma_semaphore, #tpu.memory_space<semaphore_mem>>) src(%arg12 : memref<632x144xf32, #tpu.memory_space<hbm>>) dst(%dma_wait3A_285 : memref<632x144xf32, #tpu.memory_space<vmem_shared>>)
      tpu.yield
    }) : () -> ()
    "tpu.region"() ({
      %run_scoped3A_281 = tpu.sem_alloc : memref<!tpu.dma_semaphore, #tpu.memory_space<semaphore_mem>>
      tpu.enqueue_dma source(%arg11 : memref<2x16xf32, #tpu.memory_space<hbm>>) target(%arg19 : memref<2x16xf32, #tpu.memory_space<vmem>>) target_semaphore(%run_scoped3A_281 : memref<!tpu.dma_semaphore, #tpu.memory_space<semaphore_mem>>)
      tpu.wait_dma2 semaphore(%run_scoped3A_281 : memref<!tpu.dma_semaphore, #tpu.memory_space<semaphore_mem>>) src(%arg11 : memref<2x16xf32, #tpu.memory_space<hbm>>) dst(%arg19 : memref<2x16xf32, #tpu.memory_space<vmem>>)
      tpu.yield
    }) : () -> ()
    %get3A_139 = arith.constant 0 : i32
    %get3A_140 = arith.index_cast %get3A_139 : i32 to index
    %get3A_141 = arith.constant 0 : index
    %get3A_142 = tpu.vector_load %arg19[%get3A_140, %get3A_141] {strides = array<i32>} : memref<2x16xf32, #tpu.memory_space<vmem>>, vector<1x16xf32>,
    %get3A_143 = vector.shape_cast %get3A_142 : vector<1x16xf32> to vector<16xf32>
    %get3A_144 = arith.constant 1 : i32
    %get3A_145 = arith.index_cast %get3A_144 : i32 to index
    %get3A_146 = arith.constant 0 : index
    %get3A_147 = tpu.vector_load %arg19[%get3A_145, %get3A_146] {strides = array<i32>} : memref<2x16xf32, #tpu.memory_space<vmem>>, vector<1x16xf32>,
    %get3A_148 = vector.shape_cast %get3A_147 : vector<1x16xf32> to vector<16xf32>
    %add3A_149 = arith.addf %get3A_143, %get3A_148 : vector<16xf32>
    %gt3A_150 = arith.constant 0.000000e+00 : f32
    %gt3A_151 = vector.broadcast %gt3A_150 : f32 to vector<16xf32>
    %gt3A_152 = arith.cmpf ogt, %add3A_149, %gt3A_151 : vector<16xf32>
    %mul3A_153 = arith.constant 2.000000e-01 : f32
    %mul3A_154 = vector.broadcast %mul3A_153 : f32 to vector<16xf32>
    %mul3A_155 = arith.mulf %mul3A_154, %add3A_149 : vector<16xf32>
    %select_n3A_156 = arith.select %gt3A_152, %add3A_149, %mul3A_155 : vector<16xi1>, vector<16xf32>
    %barrier3A_157 = arith.constant 0 : index
    tpu.barrier barrier_id(%barrier3A_157)
    %add3A_158 = arith.constant 0 : i32
    %add3A_159 = arith.addi %add3A, %add3A_158 : i32
    %mul3A_160 = arith.constant 80 : i32
    %mul3A_161 = arith.muli %add3A_159, %mul3A_160 : i32
    %dma_start3A_162 = arith.constant 0 : i32
    %dma_start3A_163 = arith.constant 0 : i32
    %dma_start3A_164 = tpu.memref_slice %arg14[%dma_start3A_162, %dma_start3A_163] : memref<3x80xi32, #tpu.memory_space<vmem>> -> memref<1x80xi32, #tpu.memory_space<vmem>>
    %dma_start3A_165 = tpu.memref_squeeze %dma_start3A_164 : memref<1x80xi32, #tpu.memory_space<vmem>> -> memref<80xi32, #tpu.memory_space<vmem>>
    %dma_start3A_166 = tpu.memref_slice %arg9[%mul3A_161] : memref<320000xi32, #tpu.memory_space<hbm>> -> memref<80xi32, #tpu.memory_space<hbm>>
    %dma_start3A_167 = arith.constant 0 : i32
    %dma_start3A_168 = tpu.memref_slice %arg14[%dma_start3A_162, %dma_start3A_167] : memref<3x80xi32, #tpu.memory_space<vmem>> -> memref<1x80xi32, #tpu.memory_space<vmem>>
    %dma_start3A_169 = tpu.memref_squeeze %dma_start3A_168 : memref<1x80xi32, #tpu.memory_space<vmem>> -> memref<80xi32, #tpu.memory_space<vmem>>
    %dma_start3A_170 = tpu.memref_slice %arg9[%mul3A_161] : memref<320000xi32, #tpu.memory_space<hbm>> -> memref<80xi32, #tpu.memory_space<hbm>>
    tpu.enqueue_dma source(%dma_start3A_170 : memref<80xi32, #tpu.memory_space<hbm>>) target(%dma_start3A_169 : memref<80xi32, #tpu.memory_space<vmem>>) target_semaphore(%arg21 : memref<!tpu.dma_semaphore, #tpu.memory_space<semaphore_mem>>)
    %add3A_171 = arith.constant 0 : i32
    %add3A_172 = arith.addi %add3A, %add3A_171 : i32
    %mul3A_173 = arith.constant 80 : i32
    %mul3A_174 = arith.muli %add3A_172, %mul3A_173 : i32
    %dma_start3A_175 = arith.constant 0 : i32
    %dma_start3A_176 = arith.constant 0 : i32
    %dma_start3A_177 = tpu.memref_slice %arg15[%dma_start3A_175, %dma_start3A_176] : memref<3x80xi32, #tpu.memory_space<vmem>> -> memref<1x80xi32, #tpu.memory_space<vmem>>
    %dma_start3A_178 = tpu.memref_squeeze %dma_start3A_177 : memref<1x80xi32, #tpu.memory_space<vmem>> -> memref<80xi32, #tpu.memory_space<vmem>>
    %dma_start3A_179 = tpu.memref_slice %arg10[%mul3A_174] : memref<320000xi32, #tpu.memory_space<hbm>> -> memref<80xi32, #tpu.memory_space<hbm>>
    %dma_start3A_180 = arith.constant 0 : i32
    %dma_start3A_181 = tpu.memref_slice %arg15[%dma_start3A_175, %dma_start3A_180] : memref<3x80xi32, #tpu.memory_space<vmem>> -> memref<1x80xi32, #tpu.memory_space<vmem>>
    %dma_start3A_182 = tpu.memref_squeeze %dma_start3A_181 : memref<1x80xi32, #tpu.memory_space<vmem>> -> memref<80xi32, #tpu.memory_space<vmem>>
    %dma_start3A_183 = tpu.memref_slice %arg10[%mul3A_174] : memref<320000xi32, #tpu.memory_space<hbm>> -> memref<80xi32, #tpu.memory_space<hbm>>
    tpu.enqueue_dma source(%dma_start3A_183 : memref<80xi32, #tpu.memory_space<hbm>>) target(%dma_start3A_182 : memref<80xi32, #tpu.memory_space<vmem>>) target_semaphore(%arg21 : memref<!tpu.dma_semaphore, #tpu.memory_space<semaphore_mem>>)
    %add3A_184 = arith.constant 32 : i32
    %add3A_185 = arith.addi %add3A, %add3A_184 : i32
    %mul3A_186 = arith.constant 80 : i32
    %mul3A_187 = arith.muli %add3A_185, %mul3A_186 : i32
    %dma_start3A_188 = arith.constant 1 : i32
    %dma_start3A_189 = arith.constant 0 : i32
    %dma_start3A_190 = tpu.memref_slice %arg14[%dma_start3A_188, %dma_start3A_189] : memref<3x80xi32, #tpu.memory_space<vmem>> -> memref<1x80xi32, #tpu.memory_space<vmem>>
    %dma_start3A_191 = tpu.memref_squeeze %dma_start3A_190 : memref<1x80xi32, #tpu.memory_space<vmem>> -> memref<80xi32, #tpu.memory_space<vmem>>
    %dma_start3A_192 = tpu.memref_slice %arg9[%mul3A_187] : memref<320000xi32, #tpu.memory_space<hbm>> -> memref<80xi32, #tpu.memory_space<hbm>>
    %dma_start3A_193 = arith.constant 0 : i32
    %dma_start3A_194 = tpu.memref_slice %arg14[%dma_start3A_188, %dma_start3A_193] : memref<3x80xi32, #tpu.memory_space<vmem>> -> memref<1x80xi32, #tpu.memory_space<vmem>>
    %dma_start3A_195 = tpu.memref_squeeze %dma_start3A_194 : memref<1x80xi32, #tpu.memory_space<vmem>> -> memref<80xi32, #tpu.memory_space<vmem>>
    %dma_start3A_196 = tpu.memref_slice %arg9[%mul3A_187] : memref<320000xi32, #tpu.memory_space<hbm>> -> memref<80xi32, #tpu.memory_space<hbm>>
    tpu.enqueue_dma source(%dma_start3A_196 : memref<80xi32, #tpu.memory_space<hbm>>) target(%dma_start3A_195 : memref<80xi32, #tpu.memory_space<vmem>>) target_semaphore(%arg21 : memref<!tpu.dma_semaphore, #tpu.memory_space<semaphore_mem>>)
    %add3A_197 = arith.constant 32 : i32
    %add3A_198 = arith.addi %add3A, %add3A_197 : i32
    %mul3A_199 = arith.constant 80 : i32
    %mul3A_200 = arith.muli %add3A_198, %mul3A_199 : i32
    %dma_start3A_201 = arith.constant 1 : i32
    %dma_start3A_202 = arith.constant 0 : i32
    %dma_start3A_203 = tpu.memref_slice %arg15[%dma_start3A_201, %dma_start3A_202] : memref<3x80xi32, #tpu.memory_space<vmem>> -> memref<1x80xi32, #tpu.memory_space<vmem>>
    %dma_start3A_204 = tpu.memref_squeeze %dma_start3A_203 : memref<1x80xi32, #tpu.memory_space<vmem>> -> memref<80xi32, #tpu.memory_space<vmem>>
    %dma_start3A_205 = tpu.memref_slice %arg10[%mul3A_200] : memref<320000xi32, #tpu.memory_space<hbm>> -> memref<80xi32, #tpu.memory_space<hbm>>
    %dma_start3A_206 = arith.constant 0 : i32
    %dma_start3A_207 = tpu.memref_slice %arg15[%dma_start3A_201, %dma_start3A_206] : memref<3x80xi32, #tpu.memory_space<vmem>> -> memref<1x80xi32, #tpu.memory_space<vmem>>
    %dma_start3A_208 = tpu.memref_squeeze %dma_start3A_207 : memref<1x80xi32, #tpu.memory_space<vmem>> -> memref<80xi32, #tpu.memory_space<vmem>>
    %dma_start3A_209 = tpu.memref_slice %arg10[%mul3A_200] : memref<320000xi32, #tpu.memory_space<hbm>> -> memref<80xi32, #tpu.memory_space<hbm>>
    tpu.enqueue_dma source(%dma_start3A_209 : memref<80xi32, #tpu.memory_space<hbm>>) target(%dma_start3A_208 : memref<80xi32, #tpu.memory_space<vmem>>) target_semaphore(%arg21 : memref<!tpu.dma_semaphore, #tpu.memory_space<semaphore_mem>>)
    %add3A_210 = arith.constant 0 : i32
    %add3A_211 = arith.addi %add3A, %add3A_210 : i32
    %mul3A_212 = arith.constant 80 : i32
    %mul3A_213 = arith.muli %add3A_211, %mul3A_212 : i32
    %dma_wait3A_214 = arith.constant 0 : i32
    %dma_wait3A_215 = arith.constant 0 : i32
    %dma_wait3A_216 = tpu.memref_slice %arg14[%dma_wait3A_214, %dma_wait3A_215] : memref<3x80xi32, #tpu.memory_space<vmem>> -> memref<1x80xi32, #tpu.memory_space<vmem>>
    %dma_wait3A_217 = tpu.memref_squeeze %dma_wait3A_216 : memref<1x80xi32, #tpu.memory_space<vmem>> -> memref<80xi32, #tpu.memory_space<vmem>>
    %dma_wait3A_218 = tpu.memref_slice %arg9[%mul3A_213] : memref<320000xi32, #tpu.memory_space<hbm>> -> memref<80xi32, #tpu.memory_space<hbm>>
    %dma_wait3A_219 = arith.constant 0 : i32
    %dma_wait3A_220 = tpu.memref_slice %arg14[%dma_wait3A_214, %dma_wait3A_219] : memref<3x80xi32, #tpu.memory_space<vmem>> -> memref<1x80xi32, #tpu.memory_space<vmem>>
    %dma_wait3A_221 = tpu.memref_squeeze %dma_wait3A_220 : memref<1x80xi32, #tpu.memory_space<vmem>> -> memref<80xi32, #tpu.memory_space<vmem>>
    %dma_wait3A_222 = tpu.memref_slice %arg9[%mul3A_213] : memref<320000xi32, #tpu.memory_space<hbm>> -> memref<80xi32, #tpu.memory_space<hbm>>
    tpu.wait_dma2 semaphore(%arg21 : memref<!tpu.dma_semaphore, #tpu.memory_space<semaphore_mem>>) src(%dma_wait3A_222 : memref<80xi32, #tpu.memory_space<hbm>>) dst(%dma_wait3A_221 : memref<80xi32, #tpu.memory_space<vmem>>)
    %add3A_223 = arith.constant 0 : i32
    %add3A_224 = arith.addi %add3A, %add3A_223 : i32
    %mul3A_225 = arith.constant 80 : i32
    %mul3A_226 = arith.muli %add3A_224, %mul3A_225 : i32
    %dma_wait3A_227 = arith.constant 0 : i32
    %dma_wait3A_228 = arith.constant 0 : i32
    %dma_wait3A_229 = tpu.memref_slice %arg15[%dma_wait3A_227, %dma_wait3A_228] : memref<3x80xi32, #tpu.memory_space<vmem>> -> memref<1x80xi32, #tpu.memory_space<vmem>>
    %dma_wait3A_230 = tpu.memref_squeeze %dma_wait3A_229 : memref<1x80xi32, #tpu.memory_space<vmem>> -> memref<80xi32, #tpu.memory_space<vmem>>
    %dma_wait3A_231 = tpu.memref_slice %arg10[%mul3A_226] : memref<320000xi32, #tpu.memory_space<hbm>> -> memref<80xi32, #tpu.memory_space<hbm>>
    %dma_wait3A_232 = arith.constant 0 : i32
    %dma_wait3A_233 = tpu.memref_slice %arg15[%dma_wait3A_227, %dma_wait3A_232] : memref<3x80xi32, #tpu.memory_space<vmem>> -> memref<1x80xi32, #tpu.memory_space<vmem>>
    %dma_wait3A_234 = tpu.memref_squeeze %dma_wait3A_233 : memref<1x80xi32, #tpu.memory_space<vmem>> -> memref<80xi32, #tpu.memory_space<vmem>>
    %dma_wait3A_235 = tpu.memref_slice %arg10[%mul3A_226] : memref<320000xi32, #tpu.memory_space<hbm>> -> memref<80xi32, #tpu.memory_space<hbm>>
    tpu.wait_dma2 semaphore(%arg21 : memref<!tpu.dma_semaphore, #tpu.memory_space<semaphore_mem>>) src(%dma_wait3A_235 : memref<80xi32, #tpu.memory_space<hbm>>) dst(%dma_wait3A_234 : memref<80xi32, #tpu.memory_space<vmem>>)
    %dma_start3A_236 = arith.constant 0 : i32
    %dma_start3A_237 = arith.constant 0 : i32
    %dma_start3A_238 = arith.constant 0 : i32
    %dma_start3A_239 = arith.constant 0 : i32
    %dma_start3A_240 = tpu.memref_slice %arg16[%dma_start3A_237, %dma_start3A_238, %dma_start3A_239] : memref<2x80x144xf32, #tpu.memory_space<vmem>> -> memref<1x80x144xf32, #tpu.memory_space<vmem>>
    %dma_start3A_241 = tpu.memref_squeeze %dma_start3A_240 : memref<1x80x144xf32, #tpu.memory_space<vmem>> -> memref<80x144xf32, #tpu.memory_space<vmem>>
    %dma_start3A_242 = arith.constant 0 : i32
    %dma_start3A_243 = tpu.memref_slice %arg14[%dma_start3A_236, %dma_start3A_242] : memref<3x80xi32, #tpu.memory_space<vmem>> -> memref<1x80xi32, #tpu.memory_space<vmem>>
    %dma_start3A_244 = tpu.memref_squeeze %dma_start3A_243 : memref<1x80xi32, #tpu.memory_space<vmem>> -> memref<80xi32, #tpu.memory_space<vmem>>
    %dma_start3A_245 = arith.constant 0 : i32
    %dma_start3A_246 = arith.constant 0 : i32
    %dma_start3A_247 = tpu.memref_slice %arg7[%dma_start3A_245, %dma_start3A_246] : memref<10000x144xf32, #tpu.memory_space<hbm>> -> memref<10000x144xf32, #tpu.memory_space<hbm>>
    tpu.enqueue_indirect_dma source(%dma_start3A_247 : memref<10000x144xf32, #tpu.memory_space<hbm>>) target(%dma_start3A_241 : memref<80x144xf32, #tpu.memory_space<vmem>>) offsets(%dma_start3A_244 : memref<80xi32, #tpu.memory_space<vmem>>) semaphore(%arg22 : memref<!tpu.dma_semaphore, #tpu.memory_space<semaphore_mem>>)
    %dma_start3A_248 = arith.constant 0 : i32
    %dma_start3A_249 = arith.constant 0 : i32
    %dma_start3A_250 = arith.constant 0 : i32
    %dma_start3A_251 = arith.constant 0 : i32
    %dma_start3A_252 = tpu.memref_slice %arg17[%dma_start3A_249, %dma_start3A_250, %dma_start3A_251] : memref<2x80x16xf32, #tpu.memory_space<vmem>> -> memref<1x80x16xf32, #tpu.memory_space<vmem>>
    %dma_start3A_253 = tpu.memref_squeeze %dma_start3A_252 : memref<1x80x16xf32, #tpu.memory_space<vmem>> -> memref<80x16xf32, #tpu.memory_space<vmem>>
    %dma_start3A_254 = arith.constant 0 : i32
    %dma_start3A_255 = tpu.memref_slice %arg15[%dma_start3A_248, %dma_start3A_254] : memref<3x80xi32, #tpu.memory_space<vmem>> -> memref<1x80xi32, #tpu.memory_space<vmem>>
    %dma_start3A_256 = tpu.memref_squeeze %dma_start3A_255 : memref<1x80xi32, #tpu.memory_space<vmem>> -> memref<80xi32, #tpu.memory_space<vmem>>
    %dma_start3A_257 = arith.constant 0 : i32
    %dma_start3A_258 = arith.constant 0 : i32
    %dma_start3A_259 = tpu.memref_slice %arg8[%dma_start3A_257, %dma_start3A_258] : memref<10000x16xf32, #tpu.memory_space<hbm>> -> memref<10000x16xf32, #tpu.memory_space<hbm>>
    tpu.enqueue_indirect_dma source(%dma_start3A_259 : memref<10000x16xf32, #tpu.memory_space<hbm>>) target(%dma_start3A_253 : memref<80x16xf32, #tpu.memory_space<vmem>>) offsets(%dma_start3A_256 : memref<80xi32, #tpu.memory_space<vmem>>) semaphore(%arg22 : memref<!tpu.dma_semaphore, #tpu.memory_space<semaphore_mem>>)
    %scan3A_260 = arith.constant 0 : i32
    %scan3A_261 = arith.constant 0 : i32
    %scan3A_262 = arith.constant 125 : i32
    %scan3A_263 = arith.addi %scan3A_261, %scan3A_262 : i32
    %scan3A_264 = arith.constant 1 : i32
    %scan3A_265 = scf.for %scan3A_281 = %scan3A_261 to %scan3A_263 step %scan3A_264 iter_args(%scan3A_282 = %scan3A_260) -> (i32)  : i32 {
      %jit3A = arith.constant 2 : i32
      %eq3A = arith.constant 0 : i32
      %eq3A_283 = arith.cmpi eq, %jit3A, %eq3A : i32
      %jit3A_284 = arith.constant 1 : i32
      %select_n3A_285 = arith.select %eq3A_283, %jit3A_284, %jit3A : i32
      %rem3A = arith.remsi %scan3A_281, %select_n3A_285 : i32
      %ne3A = arith.constant 0 : i32
      %ne3A_286 = arith.cmpi ne, %rem3A, %ne3A : i32
      %lt3A = arith.constant 0 : i32
      %lt3A_287 = arith.cmpi slt, %rem3A, %lt3A : i32
      %lt3A_288 = arith.constant 0 : i32
      %lt3A_289 = arith.cmpi slt, %select_n3A_285, %lt3A_288 : i32
      %ne3A_290 = arith.xori %lt3A_287, %lt3A_289 : i1
      %and3A = arith.andi %ne3A_290, %ne3A_286 : i1
      %add3A_291 = arith.addi %rem3A, %select_n3A_285 : i32
      %select_n3A_292 = arith.select %and3A, %add3A_291, %rem3A : i32
      %jit3A_293 = arith.constant 3 : i32
      %eq3A_294 = arith.constant 0 : i32
      %eq3A_295 = arith.cmpi eq, %jit3A_293, %eq3A_294 : i32
      %jit3A_296 = arith.constant 1 : i32
      %select_n3A_297 = arith.select %eq3A_295, %jit3A_296, %jit3A_293 : i32
      %rem3A_298 = arith.remsi %scan3A_281, %select_n3A_297 : i32
      %ne3A_299 = arith.constant 0 : i32
      %ne3A_300 = arith.cmpi ne, %rem3A_298, %ne3A_299 : i32
      %lt3A_301 = arith.constant 0 : i32
      %lt3A_302 = arith.cmpi slt, %rem3A_298, %lt3A_301 : i32
      %lt3A_303 = arith.constant 0 : i32
      %lt3A_304 = arith.cmpi slt, %select_n3A_297, %lt3A_303 : i32
      %ne3A_305 = arith.xori %lt3A_302, %lt3A_304 : i1
      %and3A_306 = arith.andi %ne3A_305, %ne3A_300 : i1
      %add3A_307 = arith.addi %rem3A_298, %select_n3A_297 : i32
      %select_n3A_308 = arith.select %and3A_306, %add3A_307, %rem3A_298 : i32
      %dma_wait3A_309 = arith.constant 0 : i32
      %dma_wait3A_310 = arith.constant 0 : i32
      %dma_wait3A_311 = tpu.memref_slice %arg16[%select_n3A_292, %dma_wait3A_309, %dma_wait3A_310] : memref<2x80x144xf32, #tpu.memory_space<vmem>> -> memref<1x80x144xf32, #tpu.memory_space<vmem>>
      %dma_wait3A_312 = tpu.memref_squeeze %dma_wait3A_311 : memref<1x80x144xf32, #tpu.memory_space<vmem>> -> memref<80x144xf32, #tpu.memory_space<vmem>>
      %dma_wait3A_313 = arith.constant 0 : i32
      %dma_wait3A_314 = tpu.memref_slice %arg14[%select_n3A_308, %dma_wait3A_313] : memref<3x80xi32, #tpu.memory_space<vmem>> -> memref<1x80xi32, #tpu.memory_space<vmem>>
      %dma_wait3A_315 = tpu.memref_squeeze %dma_wait3A_314 : memref<1x80xi32, #tpu.memory_space<vmem>> -> memref<80xi32, #tpu.memory_space<vmem>>
      %dma_wait3A_316 = arith.constant 0 : i32
      %dma_wait3A_317 = arith.constant 0 : i32
      %dma_wait3A_318 = tpu.memref_slice %arg7[%dma_wait3A_316, %dma_wait3A_317] : memref<10000x144xf32, #tpu.memory_space<hbm>> -> memref<10000x144xf32, #tpu.memory_space<hbm>>
      tpu.wait_indirect_dma semaphore(%arg22 : memref<!tpu.dma_semaphore, #tpu.memory_space<semaphore_mem>>) src(%dma_wait3A_318 : memref<10000x144xf32, #tpu.memory_space<hbm>>) dst(%dma_wait3A_312 : memref<80x144xf32, #tpu.memory_space<vmem>>)
      %jit3A_319 = arith.constant 3 : i32
      %eq3A_320 = arith.constant 0 : i32
      %eq3A_321 = arith.cmpi eq, %jit3A_319, %eq3A_320 : i32
      %jit3A_322 = arith.constant 1 : i32
      %select_n3A_323 = arith.select %eq3A_321, %jit3A_322, %jit3A_319 : i32
      %rem3A_324 = arith.remsi %scan3A_281, %select_n3A_323 : i32
      %ne3A_325 = arith.constant 0 : i32
      %ne3A_326 = arith.cmpi ne, %rem3A_324, %ne3A_325 : i32
      %lt3A_327 = arith.constant 0 : i32
      %lt3A_328 = arith.cmpi slt, %rem3A_324, %lt3A_327 : i32
      %lt3A_329 = arith.constant 0 : i32
      %lt3A_330 = arith.cmpi slt, %select_n3A_323, %lt3A_329 : i32
      %ne3A_331 = arith.xori %lt3A_328, %lt3A_330 : i1
      %and3A_332 = arith.andi %ne3A_331, %ne3A_326 : i1
      %add3A_333 = arith.addi %rem3A_324, %select_n3A_323 : i32
      %select_n3A_334 = arith.select %and3A_332, %add3A_333, %rem3A_324 : i32
      %dma_wait3A_335 = arith.constant 0 : i32
      %dma_wait3A_336 = arith.constant 0 : i32
      %dma_wait3A_337 = tpu.memref_slice %arg17[%select_n3A_292, %dma_wait3A_335, %dma_wait3A_336] : memref<2x80x16xf32, #tpu.memory_space<vmem>> -> memref<1x80x16xf32, #tpu.memory_space<vmem>>
      %dma_wait3A_338 = tpu.memref_squeeze %dma_wait3A_337 : memref<1x80x16xf32, #tpu.memory_space<vmem>> -> memref<80x16xf32, #tpu.memory_space<vmem>>
      %dma_wait3A_339 = arith.constant 0 : i32
      %dma_wait3A_340 = tpu.memref_slice %arg15[%select_n3A_334, %dma_wait3A_339] : memref<3x80xi32, #tpu.memory_space<vmem>> -> memref<1x80xi32, #tpu.memory_space<vmem>>
      %dma_wait3A_341 = tpu.memref_squeeze %dma_wait3A_340 : memref<1x80xi32, #tpu.memory_space<vmem>> -> memref<80xi32, #tpu.memory_space<vmem>>
      %dma_wait3A_342 = arith.constant 0 : i32
      %dma_wait3A_343 = arith.constant 0 : i32
      %dma_wait3A_344 = tpu.memref_slice %arg8[%dma_wait3A_342, %dma_wait3A_343] : memref<10000x16xf32, #tpu.memory_space<hbm>> -> memref<10000x16xf32, #tpu.memory_space<hbm>>
      tpu.wait_indirect_dma semaphore(%arg22 : memref<!tpu.dma_semaphore, #tpu.memory_space<semaphore_mem>>) src(%dma_wait3A_344 : memref<10000x16xf32, #tpu.memory_space<hbm>>) dst(%dma_wait3A_338 : memref<80x16xf32, #tpu.memory_space<vmem>>)
      %add3A_345 = arith.constant 2 : i32
      %add3A_346 = arith.addi %scan3A_281, %add3A_345 : i32
      %lt3A_347 = arith.constant 125 : i32
      %lt3A_348 = arith.cmpi slt, %add3A_346, %lt3A_347 : i32
      %convert_element_type3A = arith.extui %lt3A_348 : i1 to i32
      %cond3A = arith.constant 0 : i32
      %cond3A_349 = arith.cmpi ne, %convert_element_type3A, %cond3A : i32
      scf.if %cond3A_349 {
        %add3A_386 = arith.constant 2 : i32
        %add3A_387 = arith.addi %scan3A_281, %add3A_386 : i32
        %mul3A_388 = arith.constant 32 : i32
        %mul3A_389 = arith.muli %add3A_387, %mul3A_388 : i32
        %add3A_390 = arith.addi %add3A, %mul3A_389 : i32
        %mul3A_391 = arith.constant 80 : i32
        %mul3A_392 = arith.muli %add3A_390, %mul3A_391 : i32
        %jit3A_393 = arith.constant 3 : i32
        %eq3A_394 = arith.constant 0 : i32
        %eq3A_395 = arith.cmpi eq, %jit3A_393, %eq3A_394 : i32
        %jit3A_396 = arith.constant 1 : i32
        %select_n3A_397 = arith.select %eq3A_395, %jit3A_396, %jit3A_393 : i32
        %rem3A_398 = arith.remsi %add3A_387, %select_n3A_397 : i32
        %ne3A_399 = arith.constant 0 : i32
        %ne3A_400 = arith.cmpi ne, %rem3A_398, %ne3A_399 : i32
        %lt3A_401 = arith.constant 0 : i32
        %lt3A_402 = arith.cmpi slt, %rem3A_398, %lt3A_401 : i32
        %lt3A_403 = arith.constant 0 : i32
        %lt3A_404 = arith.cmpi slt, %select_n3A_397, %lt3A_403 : i32
        %ne3A_405 = arith.xori %lt3A_402, %lt3A_404 : i1
        %and3A_406 = arith.andi %ne3A_405, %ne3A_400 : i1
        %add3A_407 = arith.addi %rem3A_398, %select_n3A_397 : i32
        %select_n3A_408 = arith.select %and3A_406, %add3A_407, %rem3A_398 : i32
        %dma_start3A_409 = arith.constant 0 : i32
        %dma_start3A_410 = tpu.memref_slice %arg14[%select_n3A_408, %dma_start3A_409] : memref<3x80xi32, #tpu.memory_space<vmem>> -> memref<1x80xi32, #tpu.memory_space<vmem>>
        %dma_start3A_411 = tpu.memref_squeeze %dma_start3A_410 : memref<1x80xi32, #tpu.memory_space<vmem>> -> memref<80xi32, #tpu.memory_space<vmem>>
        %dma_start3A_412 = tpu.memref_slice %arg9[%mul3A_392] : memref<320000xi32, #tpu.memory_space<hbm>> -> memref<80xi32, #tpu.memory_space<hbm>>
        %dma_start3A_413 = arith.constant 0 : i32
        %dma_start3A_414 = tpu.memref_slice %arg14[%select_n3A_408, %dma_start3A_413] : memref<3x80xi32, #tpu.memory_space<vmem>> -> memref<1x80xi32, #tpu.memory_space<vmem>>
        %dma_start3A_415 = tpu.memref_squeeze %dma_start3A_414 : memref<1x80xi32, #tpu.memory_space<vmem>> -> memref<80xi32, #tpu.memory_space<vmem>>
        %dma_start3A_416 = tpu.memref_slice %arg9[%mul3A_392] : memref<320000xi32, #tpu.memory_space<hbm>> -> memref<80xi32, #tpu.memory_space<hbm>>
        tpu.enqueue_dma source(%dma_start3A_416 : memref<80xi32, #tpu.memory_space<hbm>>) target(%dma_start3A_415 : memref<80xi32, #tpu.memory_space<vmem>>) target_semaphore(%arg21 : memref<!tpu.dma_semaphore, #tpu.memory_space<semaphore_mem>>)
        %mul3A_417 = arith.constant 32 : i32
        %mul3A_418 = arith.muli %add3A_387, %mul3A_417 : i32
        %add3A_419 = arith.addi %add3A, %mul3A_418 : i32
        %mul3A_420 = arith.constant 80 : i32
        %mul3A_421 = arith.muli %add3A_419, %mul3A_420 : i32
        %jit3A_422 = arith.constant 3 : i32
        %eq3A_423 = arith.constant 0 : i32
        %eq3A_424 = arith.cmpi eq, %jit3A_422, %eq3A_423 : i32
        %jit3A_425 = arith.constant 1 : i32
        %select_n3A_426 = arith.select %eq3A_424, %jit3A_425, %jit3A_422 : i32
        %rem3A_427 = arith.remsi %add3A_387, %select_n3A_426 : i32
        %ne3A_428 = arith.constant 0 : i32
        %ne3A_429 = arith.cmpi ne, %rem3A_427, %ne3A_428 : i32
        %lt3A_430 = arith.constant 0 : i32
        %lt3A_431 = arith.cmpi slt, %rem3A_427, %lt3A_430 : i32
        %lt3A_432 = arith.constant 0 : i32
        %lt3A_433 = arith.cmpi slt, %select_n3A_426, %lt3A_432 : i32
        %ne3A_434 = arith.xori %lt3A_431, %lt3A_433 : i1
        %and3A_435 = arith.andi %ne3A_434, %ne3A_429 : i1
        %add3A_436 = arith.addi %rem3A_427, %select_n3A_426 : i32
        %select_n3A_437 = arith.select %and3A_435, %add3A_436, %rem3A_427 : i32
        %dma_start3A_438 = arith.constant 0 : i32
        %dma_start3A_439 = tpu.memref_slice %arg15[%select_n3A_437, %dma_start3A_438] : memref<3x80xi32, #tpu.memory_space<vmem>> -> memref<1x80xi32, #tpu.memory_space<vmem>>
        %dma_start3A_440 = tpu.memref_squeeze %dma_start3A_439 : memref<1x80xi32, #tpu.memory_space<vmem>> -> memref<80xi32, #tpu.memory_space<vmem>>
        %dma_start3A_441 = tpu.memref_slice %arg10[%mul3A_421] : memref<320000xi32, #tpu.memory_space<hbm>> -> memref<80xi32, #tpu.memory_space<hbm>>
        %dma_start3A_442 = arith.constant 0 : i32
        %dma_start3A_443 = tpu.memref_slice %arg15[%select_n3A_437, %dma_start3A_442] : memref<3x80xi32, #tpu.memory_space<vmem>> -> memref<1x80xi32, #tpu.memory_space<vmem>>
        %dma_start3A_444 = tpu.memref_squeeze %dma_start3A_443 : memref<1x80xi32, #tpu.memory_space<vmem>> -> memref<80xi32, #tpu.memory_space<vmem>>
        %dma_start3A_445 = tpu.memref_slice %arg10[%mul3A_421] : memref<320000xi32, #tpu.memory_space<hbm>> -> memref<80xi32, #tpu.memory_space<hbm>>
        tpu.enqueue_dma source(%dma_start3A_445 : memref<80xi32, #tpu.memory_space<hbm>>) target(%dma_start3A_444 : memref<80xi32, #tpu.memory_space<vmem>>) target_semaphore(%arg21 : memref<!tpu.dma_semaphore, #tpu.memory_space<semaphore_mem>>)
      } else {
      }
      %add3A_350 = arith.constant 1 : i32
      %add3A_351 = arith.addi %scan3A_281, %add3A_350 : i32
      %lt3A_352 = arith.constant 125 : i32
      %lt3A_353 = arith.cmpi slt, %add3A_351, %lt3A_352 : i32
      %convert_element_type3A_354 = arith.extui %lt3A_353 : i1 to i32
      %cond3A_355 = arith.constant 0 : i32
      %cond3A_356 = arith.cmpi ne, %convert_element_type3A_354, %cond3A_355 : i32
      scf.if %cond3A_356 {
        %add3A_386 = arith.constant 1 : i32
        %add3A_387 = arith.addi %scan3A_281, %add3A_386 : i32
        %mul3A_388 = arith.constant 32 : i32
        %mul3A_389 = arith.muli %add3A_387, %mul3A_388 : i32
        %add3A_390 = arith.addi %add3A, %mul3A_389 : i32
        %mul3A_391 = arith.constant 80 : i32
        %mul3A_392 = arith.muli %add3A_390, %mul3A_391 : i32
        %jit3A_393 = arith.constant 3 : i32
        %eq3A_394 = arith.constant 0 : i32
        %eq3A_395 = arith.cmpi eq, %jit3A_393, %eq3A_394 : i32
        %jit3A_396 = arith.constant 1 : i32
        %select_n3A_397 = arith.select %eq3A_395, %jit3A_396, %jit3A_393 : i32
        %rem3A_398 = arith.remsi %add3A_387, %select_n3A_397 : i32
        %ne3A_399 = arith.constant 0 : i32
        %ne3A_400 = arith.cmpi ne, %rem3A_398, %ne3A_399 : i32
        %lt3A_401 = arith.constant 0 : i32
        %lt3A_402 = arith.cmpi slt, %rem3A_398, %lt3A_401 : i32
        %lt3A_403 = arith.constant 0 : i32
        %lt3A_404 = arith.cmpi slt, %select_n3A_397, %lt3A_403 : i32
        %ne3A_405 = arith.xori %lt3A_402, %lt3A_404 : i1
        %and3A_406 = arith.andi %ne3A_405, %ne3A_400 : i1
        %add3A_407 = arith.addi %rem3A_398, %select_n3A_397 : i32
        %select_n3A_408 = arith.select %and3A_406, %add3A_407, %rem3A_398 : i32
        %dma_wait3A_409 = arith.constant 0 : i32
        %dma_wait3A_410 = tpu.memref_slice %arg14[%select_n3A_408, %dma_wait3A_409] : memref<3x80xi32, #tpu.memory_space<vmem>> -> memref<1x80xi32, #tpu.memory_space<vmem>>
        %dma_wait3A_411 = tpu.memref_squeeze %dma_wait3A_410 : memref<1x80xi32, #tpu.memory_space<vmem>> -> memref<80xi32, #tpu.memory_space<vmem>>
        %dma_wait3A_412 = tpu.memref_slice %arg9[%mul3A_392] : memref<320000xi32, #tpu.memory_space<hbm>> -> memref<80xi32, #tpu.memory_space<hbm>>
        %dma_wait3A_413 = arith.constant 0 : i32
        %dma_wait3A_414 = tpu.memref_slice %arg14[%select_n3A_408, %dma_wait3A_413] : memref<3x80xi32, #tpu.memory_space<vmem>> -> memref<1x80xi32, #tpu.memory_space<vmem>>
        %dma_wait3A_415 = tpu.memref_squeeze %dma_wait3A_414 : memref<1x80xi32, #tpu.memory_space<vmem>> -> memref<80xi32, #tpu.memory_space<vmem>>
        %dma_wait3A_416 = tpu.memref_slice %arg9[%mul3A_392] : memref<320000xi32, #tpu.memory_space<hbm>> -> memref<80xi32, #tpu.memory_space<hbm>>
        tpu.wait_dma2 semaphore(%arg21 : memref<!tpu.dma_semaphore, #tpu.memory_space<semaphore_mem>>) src(%dma_wait3A_416 : memref<80xi32, #tpu.memory_space<hbm>>) dst(%dma_wait3A_415 : memref<80xi32, #tpu.memory_space<vmem>>)
        %mul3A_417 = arith.constant 32 : i32
        %mul3A_418 = arith.muli %add3A_387, %mul3A_417 : i32
        %add3A_419 = arith.addi %add3A, %mul3A_418 : i32
        %mul3A_420 = arith.constant 80 : i32
        %mul3A_421 = arith.muli %add3A_419, %mul3A_420 : i32
        %jit3A_422 = arith.constant 3 : i32
        %eq3A_423 = arith.constant 0 : i32
        %eq3A_424 = arith.cmpi eq, %jit3A_422, %eq3A_423 : i32
        %jit3A_425 = arith.constant 1 : i32
        %select_n3A_426 = arith.select %eq3A_424, %jit3A_425, %jit3A_422 : i32
        %rem3A_427 = arith.remsi %add3A_387, %select_n3A_426 : i32
        %ne3A_428 = arith.constant 0 : i32
        %ne3A_429 = arith.cmpi ne, %rem3A_427, %ne3A_428 : i32
        %lt3A_430 = arith.constant 0 : i32
        %lt3A_431 = arith.cmpi slt, %rem3A_427, %lt3A_430 : i32
        %lt3A_432 = arith.constant 0 : i32
        %lt3A_433 = arith.cmpi slt, %select_n3A_426, %lt3A_432 : i32
        %ne3A_434 = arith.xori %lt3A_431, %lt3A_433 : i1
        %and3A_435 = arith.andi %ne3A_434, %ne3A_429 : i1
        %add3A_436 = arith.addi %rem3A_427, %select_n3A_426 : i32
        %select_n3A_437 = arith.select %and3A_435, %add3A_436, %rem3A_427 : i32
        %dma_wait3A_438 = arith.constant 0 : i32
        %dma_wait3A_439 = tpu.memref_slice %arg15[%select_n3A_437, %dma_wait3A_438] : memref<3x80xi32, #tpu.memory_space<vmem>> -> memref<1x80xi32, #tpu.memory_space<vmem>>
        %dma_wait3A_440 = tpu.memref_squeeze %dma_wait3A_439 : memref<1x80xi32, #tpu.memory_space<vmem>> -> memref<80xi32, #tpu.memory_space<vmem>>
        %dma_wait3A_441 = tpu.memref_slice %arg10[%mul3A_421] : memref<320000xi32, #tpu.memory_space<hbm>> -> memref<80xi32, #tpu.memory_space<hbm>>
        %dma_wait3A_442 = arith.constant 0 : i32
        %dma_wait3A_443 = tpu.memref_slice %arg15[%select_n3A_437, %dma_wait3A_442] : memref<3x80xi32, #tpu.memory_space<vmem>> -> memref<1x80xi32, #tpu.memory_space<vmem>>
        %dma_wait3A_444 = tpu.memref_squeeze %dma_wait3A_443 : memref<1x80xi32, #tpu.memory_space<vmem>> -> memref<80xi32, #tpu.memory_space<vmem>>
        %dma_wait3A_445 = tpu.memref_slice %arg10[%mul3A_421] : memref<320000xi32, #tpu.memory_space<hbm>> -> memref<80xi32, #tpu.memory_space<hbm>>
        tpu.wait_dma2 semaphore(%arg21 : memref<!tpu.dma_semaphore, #tpu.memory_space<semaphore_mem>>) src(%dma_wait3A_445 : memref<80xi32, #tpu.memory_space<hbm>>) dst(%dma_wait3A_444 : memref<80xi32, #tpu.memory_space<vmem>>)
        %add3A_446 = arith.constant 1 : i32
        %add3A_447 = arith.addi %scan3A_281, %add3A_446 : i32
        %sub3A = arith.constant 1 : i32
        %sub3A_448 = arith.subi %sub3A, %select_n3A_292 : i32
        %jit3A_449 = arith.constant 3 : i32
        %eq3A_450 = arith.constant 0 : i32
        %eq3A_451 = arith.cmpi eq, %jit3A_449, %eq3A_450 : i32
        %jit3A_452 = arith.constant 1 : i32
        %select_n3A_453 = arith.select %eq3A_451, %jit3A_452, %jit3A_449 : i32
        %rem3A_454 = arith.remsi %add3A_447, %select_n3A_453 : i32
        %ne3A_455 = arith.constant 0 : i32
        %ne3A_456 = arith.cmpi ne, %rem3A_454, %ne3A_455 : i32
        %lt3A_457 = arith.constant 0 : i32
        %lt3A_458 = arith.cmpi slt, %rem3A_454, %lt3A_457 : i32
        %lt3A_459 = arith.constant 0 : i32
        %lt3A_460 = arith.cmpi slt, %select_n3A_453, %lt3A_459 : i32
        %ne3A_461 = arith.xori %lt3A_458, %lt3A_460 : i1
        %and3A_462 = arith.andi %ne3A_461, %ne3A_456 : i1
        %add3A_463 = arith.addi %rem3A_454, %select_n3A_453 : i32
        %select_n3A_464 = arith.select %and3A_462, %add3A_463, %rem3A_454 : i32
        %dma_start3A_465 = arith.constant 0 : i32
        %dma_start3A_466 = arith.constant 0 : i32
        %dma_start3A_467 = tpu.memref_slice %arg16[%sub3A_448, %dma_start3A_465, %dma_start3A_466] : memref<2x80x144xf32, #tpu.memory_space<vmem>> -> memref<1x80x144xf32, #tpu.memory_space<vmem>>
        %dma_start3A_468 = tpu.memref_squeeze %dma_start3A_467 : memref<1x80x144xf32, #tpu.memory_space<vmem>> -> memref<80x144xf32, #tpu.memory_space<vmem>>
        %dma_start3A_469 = arith.constant 0 : i32
        %dma_start3A_470 = tpu.memref_slice %arg14[%select_n3A_464, %dma_start3A_469] : memref<3x80xi32, #tpu.memory_space<vmem>> -> memref<1x80xi32, #tpu.memory_space<vmem>>
        %dma_start3A_471 = tpu.memref_squeeze %dma_start3A_470 : memref<1x80xi32, #tpu.memory_space<vmem>> -> memref<80xi32, #tpu.memory_space<vmem>>
        %dma_start3A_472 = arith.constant 0 : i32
        %dma_start3A_473 = arith.constant 0 : i32
        %dma_start3A_474 = tpu.memref_slice %arg7[%dma_start3A_472, %dma_start3A_473] : memref<10000x144xf32, #tpu.memory_space<hbm>> -> memref<10000x144xf32, #tpu.memory_space<hbm>>
        tpu.enqueue_indirect_dma source(%dma_start3A_474 : memref<10000x144xf32, #tpu.memory_space<hbm>>) target(%dma_start3A_468 : memref<80x144xf32, #tpu.memory_space<vmem>>) offsets(%dma_start3A_471 : memref<80xi32, #tpu.memory_space<vmem>>) semaphore(%arg22 : memref<!tpu.dma_semaphore, #tpu.memory_space<semaphore_mem>>)
        %jit3A_475 = arith.constant 3 : i32
        %eq3A_476 = arith.constant 0 : i32
        %eq3A_477 = arith.cmpi eq, %jit3A_475, %eq3A_476 : i32
        %jit3A_478 = arith.constant 1 : i32
        %select_n3A_479 = arith.select %eq3A_477, %jit3A_478, %jit3A_475 : i32
        %rem3A_480 = arith.remsi %add3A_447, %select_n3A_479 : i32
        %ne3A_481 = arith.constant 0 : i32
        %ne3A_482 = arith.cmpi ne, %rem3A_480, %ne3A_481 : i32
        %lt3A_483 = arith.constant 0 : i32
        %lt3A_484 = arith.cmpi slt, %rem3A_480, %lt3A_483 : i32
        %lt3A_485 = arith.constant 0 : i32
        %lt3A_486 = arith.cmpi slt, %select_n3A_479, %lt3A_485 : i32
        %ne3A_487 = arith.xori %lt3A_484, %lt3A_486 : i1
        %and3A_488 = arith.andi %ne3A_487, %ne3A_482 : i1
        %add3A_489 = arith.addi %rem3A_480, %select_n3A_479 : i32
        %select_n3A_490 = arith.select %and3A_488, %add3A_489, %rem3A_480 : i32
        %dma_start3A_491 = arith.constant 0 : i32
        %dma_start3A_492 = arith.constant 0 : i32
        %dma_start3A_493 = tpu.memref_slice %arg17[%sub3A_448, %dma_start3A_491, %dma_start3A_492] : memref<2x80x16xf32, #tpu.memory_space<vmem>> -> memref<1x80x16xf32, #tpu.memory_space<vmem>>
        %dma_start3A_494 = tpu.memref_squeeze %dma_start3A_493 : memref<1x80x16xf32, #tpu.memory_space<vmem>> -> memref<80x16xf32, #tpu.memory_space<vmem>>
        %dma_start3A_495 = arith.constant 0 : i32
        %dma_start3A_496 = tpu.memref_slice %arg15[%select_n3A_490, %dma_start3A_495] : memref<3x80xi32, #tpu.memory_space<vmem>> -> memref<1x80xi32, #tpu.memory_space<vmem>>
        %dma_start3A_497 = tpu.memref_squeeze %dma_start3A_496 : memref<1x80xi32, #tpu.memory_space<vmem>> -> memref<80xi32, #tpu.memory_space<vmem>>
        %dma_start3A_498 = arith.constant 0 : i32
        %dma_start3A_499 = arith.constant 0 : i32
        %dma_start3A_500 = tpu.memref_slice %arg8[%dma_start3A_498, %dma_start3A_499] : memref<10000x16xf32, #tpu.memory_space<hbm>> -> memref<10000x16xf32, #tpu.memory_space<hbm>>
        tpu.enqueue_indirect_dma source(%dma_start3A_500 : memref<10000x16xf32, #tpu.memory_space<hbm>>) target(%dma_start3A_494 : memref<80x16xf32, #tpu.memory_space<vmem>>) offsets(%dma_start3A_497 : memref<80xi32, #tpu.memory_space<vmem>>) semaphore(%arg22 : memref<!tpu.dma_semaphore, #tpu.memory_space<semaphore_mem>>)
      } else {
      }
      %ge3A = arith.constant 1 : i32
      %ge3A_357 = arith.cmpi sge, %scan3A_281, %ge3A : i32
      %convert_element_type3A_358 = arith.extui %ge3A_357 : i1 to i32
      %cond3A_359 = arith.constant 0 : i32
      %cond3A_360 = arith.cmpi ne, %convert_element_type3A_358, %cond3A_359 : i32
      scf.if %cond3A_360 {
        %sub3A = arith.constant 1 : i32
        %sub3A_386 = arith.subi %scan3A_281, %sub3A : i32
        %jit3A_387 = arith.constant 3 : i32
        %eq3A_388 = arith.constant 0 : i32
        %eq3A_389 = arith.cmpi eq, %jit3A_387, %eq3A_388 : i32
        %jit3A_390 = arith.constant 1 : i32
        %select_n3A_391 = arith.select %eq3A_389, %jit3A_390, %jit3A_387 : i32
        %rem3A_392 = arith.remsi %sub3A_386, %select_n3A_391 : i32
        %ne3A_393 = arith.constant 0 : i32
        %ne3A_394 = arith.cmpi ne, %rem3A_392, %ne3A_393 : i32
        %lt3A_395 = arith.constant 0 : i32
        %lt3A_396 = arith.cmpi slt, %rem3A_392, %lt3A_395 : i32
        %lt3A_397 = arith.constant 0 : i32
        %lt3A_398 = arith.cmpi slt, %select_n3A_391, %lt3A_397 : i32
        %ne3A_399 = arith.xori %lt3A_396, %lt3A_398 : i1
        %and3A_400 = arith.andi %ne3A_399, %ne3A_394 : i1
        %add3A_401 = arith.addi %rem3A_392, %select_n3A_391 : i32
        %select_n3A_402 = arith.select %and3A_400, %add3A_401, %rem3A_392 : i32
        %dma_wait3A_403 = arith.constant 0 : i32
        %dma_wait3A_404 = tpu.memref_slice %arg15[%select_n3A_402, %dma_wait3A_403] : memref<3x80xi32, #tpu.memory_space<vmem>> -> memref<1x80xi32, #tpu.memory_space<vmem>>
        %dma_wait3A_405 = tpu.memref_squeeze %dma_wait3A_404 : memref<1x80xi32, #tpu.memory_space<vmem>> -> memref<80xi32, #tpu.memory_space<vmem>>
        %dma_wait3A_406 = arith.constant 0 : i32
        %dma_wait3A_407 = arith.constant 0 : i32
        %dma_wait3A_408 = tpu.memref_slice %arg20[%dma_wait3A_406, %dma_wait3A_407] : memref<10112x144xf32, #tpu.memory_space<vmem_shared>> -> memref<10112x144xf32, #tpu.memory_space<vmem_shared>>
        tpu.wait_indirect_dma semaphore(%arg23 : memref<!tpu.dma_semaphore, #tpu.memory_space<semaphore_mem>>) src(%arg18 : memref<80x144xf32, #tpu.memory_space<vmem>>) dst(%dma_wait3A_408 : memref<10112x144xf32, #tpu.memory_space<vmem_shared>>)
      } else {
      }
      %parallel_loop3A = arith.constant 0 : i32
      %parallel_loop3A_361 = arith.constant 80 : i32
      %parallel_loop3A_362 = arith.constant 1 : i32
      scf.for %parallel_loop3A_386 = %parallel_loop3A to %parallel_loop3A_361 step %parallel_loop3A_362  : i32 {
        %parallel_loop3A_387 = arith.index_cast %select_n3A_292 : i32 to index
        %parallel_loop3A_388 = arith.index_cast %parallel_loop3A_386 : i32 to index
        %parallel_loop3A_389 = arith.constant 128 : index
        %parallel_loop3A_390 = tpu.vector_load %arg16[%parallel_loop3A_387, %parallel_loop3A_388, %parallel_loop3A_389] {strides = array<i32>} : memref<2x80x144xf32, #tpu.memory_space<vmem>>, vector<1x1x16xf32>,
        %parallel_loop3A_391 = vector.shape_cast %parallel_loop3A_390 : vector<1x1x16xf32> to vector<16xf32>
        %parallel_loop3A_392 = arith.index_cast %select_n3A_292 : i32 to index
        %parallel_loop3A_393 = arith.index_cast %parallel_loop3A_386 : i32 to index
        %parallel_loop3A_394 = arith.constant 0 : index
        %parallel_loop3A_395 = tpu.vector_load %arg17[%parallel_loop3A_392, %parallel_loop3A_393, %parallel_loop3A_394] {strides = array<i32>} : memref<2x80x16xf32, #tpu.memory_space<vmem>>, vector<1x1x16xf32>,
        %parallel_loop3A_396 = vector.shape_cast %parallel_loop3A_395 : vector<1x1x16xf32> to vector<16xf32>
        %parallel_loop3A_397 = arith.addf %parallel_loop3A_391, %parallel_loop3A_396 : vector<16xf32>
        %parallel_loop3A_398 = arith.constant 0.000000e+00 : f32
        %parallel_loop3A_399 = vector.broadcast %parallel_loop3A_398 : f32 to vector<16xf32>
        %parallel_loop3A_400 = arith.cmpf ogt, %parallel_loop3A_397, %parallel_loop3A_399 : vector<16xf32>
        %parallel_loop3A_401 = arith.constant 2.000000e-01 : f32
        %parallel_loop3A_402 = vector.broadcast %parallel_loop3A_401 : f32 to vector<16xf32>
        %parallel_loop3A_403 = arith.mulf %parallel_loop3A_402, %parallel_loop3A_397 : vector<16xf32>
        %parallel_loop3A_404 = arith.select %parallel_loop3A_400, %parallel_loop3A_397, %parallel_loop3A_403 : vector<16xi1>, vector<16xf32>
        %parallel_loop3A_405 = arith.subf %parallel_loop3A_404, %select_n3A_156 : vector<16xf32>
        %parallel_loop3A_406 = math.exp %parallel_loop3A_405 : vector<16xf32>
        %parallel_loop3A_407 = arith.index_cast %parallel_loop3A_386 : i32 to index
        %parallel_loop3A_408 = arith.constant 128 : index
        %parallel_loop3A_409 = tpu.vector_load %arg18[%parallel_loop3A_407, %parallel_loop3A_408] {strides = array<i32>} : memref<80x144xf32, #tpu.memory_space<vmem>>, vector<1x16xf32>,
        %parallel_loop3A_410 = vector.shape_cast %parallel_loop3A_409 : vector<1x16xf32> to vector<16xf32>
        %parallel_loop3A_411 = vector.shape_cast %parallel_loop3A_406 : vector<16xf32> to vector<1x16xf32>
        tpu.vector_store %arg18[%parallel_loop3A_407, %parallel_loop3A_408], %parallel_loop3A_411 {strides = array<i32>} : memref<80x144xf32, #tpu.memory_space<vmem>>, vector<1x16xf32>,
        %parallel_loop3A_412 = arith.index_cast %select_n3A_292 : i32 to index
        %parallel_loop3A_413 = arith.index_cast %parallel_loop3A_386 : i32 to index
        %parallel_loop3A_414 = arith.constant 0 : index
        %parallel_loop3A_415 = tpu.vector_load %arg16[%parallel_loop3A_412, %parallel_loop3A_413, %parallel_loop3A_414] {strides = array<i32>} : memref<2x80x144xf32, #tpu.memory_space<vmem>>, vector<1x1x16xf32>,
        %parallel_loop3A_416 = vector.shape_cast %parallel_loop3A_415 : vector<1x1x16xf32> to vector<16xf32>
        %parallel_loop3A_417 = vector.extract_strided_slice %parallel_loop3A_406 {offsets = [0], sizes = [1], strides = [1]} : vector<16xf32> to vector<1xf32>
        %parallel_loop3A_418 = vector.extract %parallel_loop3A_417[0] : f32 from vector<1xf32>
        %parallel_loop3A_419 = vector.broadcast %parallel_loop3A_418 : f32 to vector<16xf32>
        %parallel_loop3A_420 = arith.mulf %parallel_loop3A_416, %parallel_loop3A_419 : vector<16xf32>
        %parallel_loop3A_421 = arith.index_cast %parallel_loop3A_386 : i32 to index
        %parallel_loop3A_422 = arith.constant 0 : index
        %parallel_loop3A_423 = tpu.vector_load %arg18[%parallel_loop3A_421, %parallel_loop3A_422] {strides = array<i32>} : memref<80x144xf32, #tpu.memory_space<vmem>>, vector<1x16xf32>,
        %parallel_loop3A_424 = vector.shape_cast %parallel_loop3A_423 : vector<1x16xf32> to vector<16xf32>
        %parallel_loop3A_425 = vector.shape_cast %parallel_loop3A_420 : vector<16xf32> to vector<1x16xf32>
        tpu.vector_store %arg18[%parallel_loop3A_421, %parallel_loop3A_422], %parallel_loop3A_425 {strides = array<i32>} : memref<80x144xf32, #tpu.memory_space<vmem>>, vector<1x16xf32>,
        %parallel_loop3A_426 = arith.index_cast %select_n3A_292 : i32 to index
        %parallel_loop3A_427 = arith.index_cast %parallel_loop3A_386 : i32 to index
        %parallel_loop3A_428 = arith.constant 16 : index
        %parallel_loop3A_429 = tpu.vector_load %arg16[%parallel_loop3A_426, %parallel_loop3A_427, %parallel_loop3A_428] {strides = array<i32>} : memref<2x80x144xf32, #tpu.memory_space<vmem>>, vector<1x1x16xf32>,
        %parallel_loop3A_430 = vector.shape_cast %parallel_loop3A_429 : vector<1x1x16xf32> to vector<16xf32>
        %parallel_loop3A_431 = vector.extract_strided_slice %parallel_loop3A_406 {offsets = [1], sizes = [1], strides = [1]} : vector<16xf32> to vector<1xf32>
        %parallel_loop3A_432 = vector.extract %parallel_loop3A_431[0] : f32 from vector<1xf32>
        %parallel_loop3A_433 = vector.broadcast %parallel_loop3A_432 : f32 to vector<16xf32>
        %parallel_loop3A_434 = arith.mulf %parallel_loop3A_430, %parallel_loop3A_433 : vector<16xf32>
        %parallel_loop3A_435 = arith.index_cast %parallel_loop3A_386 : i32 to index
        %parallel_loop3A_436 = arith.constant 16 : index
        %parallel_loop3A_437 = tpu.vector_load %arg18[%parallel_loop3A_435, %parallel_loop3A_436] {strides = array<i32>} : memref<80x144xf32, #tpu.memory_space<vmem>>, vector<1x16xf32>,
        %parallel_loop3A_438 = vector.shape_cast %parallel_loop3A_437 : vector<1x16xf32> to vector<16xf32>
        %parallel_loop3A_439 = vector.shape_cast %parallel_loop3A_434 : vector<16xf32> to vector<1x16xf32>
        tpu.vector_store %arg18[%parallel_loop3A_435, %parallel_loop3A_436], %parallel_loop3A_439 {strides = array<i32>} : memref<80x144xf32, #tpu.memory_space<vmem>>, vector<1x16xf32>,
        %parallel_loop3A_440 = arith.index_cast %select_n3A_292 : i32 to index
        %parallel_loop3A_441 = arith.index_cast %parallel_loop3A_386 : i32 to index
        %parallel_loop3A_442 = arith.constant 32 : index
        %parallel_loop3A_443 = tpu.vector_load %arg16[%parallel_loop3A_440, %parallel_loop3A_441, %parallel_loop3A_442] {strides = array<i32>} : memref<2x80x144xf32, #tpu.memory_space<vmem>>, vector<1x1x16xf32>,
        %parallel_loop3A_444 = vector.shape_cast %parallel_loop3A_443 : vector<1x1x16xf32> to vector<16xf32>
        %parallel_loop3A_445 = vector.extract_strided_slice %parallel_loop3A_406 {offsets = [2], sizes = [1], strides = [1]} : vector<16xf32> to vector<1xf32>
        %parallel_loop3A_446 = vector.extract %parallel_loop3A_445[0] : f32 from vector<1xf32>
        %parallel_loop3A_447 = vector.broadcast %parallel_loop3A_446 : f32 to vector<16xf32>
        %parallel_loop3A_448 = arith.mulf %parallel_loop3A_444, %parallel_loop3A_447 : vector<16xf32>
        %parallel_loop3A_449 = arith.index_cast %parallel_loop3A_386 : i32 to index
        %parallel_loop3A_450 = arith.constant 32 : index
        %parallel_loop3A_451 = tpu.vector_load %arg18[%parallel_loop3A_449, %parallel_loop3A_450] {strides = array<i32>} : memref<80x144xf32, #tpu.memory_space<vmem>>, vector<1x16xf32>,
        %parallel_loop3A_452 = vector.shape_cast %parallel_loop3A_451 : vector<1x16xf32> to vector<16xf32>
        %parallel_loop3A_453 = vector.shape_cast %parallel_loop3A_448 : vector<16xf32> to vector<1x16xf32>
        tpu.vector_store %arg18[%parallel_loop3A_449, %parallel_loop3A_450], %parallel_loop3A_453 {strides = array<i32>} : memref<80x144xf32, #tpu.memory_space<vmem>>, vector<1x16xf32>,
        %parallel_loop3A_454 = arith.index_cast %select_n3A_292 : i32 to index
        %parallel_loop3A_455 = arith.index_cast %parallel_loop3A_386 : i32 to index
        %parallel_loop3A_456 = arith.constant 48 : index
        %parallel_loop3A_457 = tpu.vector_load %arg16[%parallel_loop3A_454, %parallel_loop3A_455, %parallel_loop3A_456] {strides = array<i32>} : memref<2x80x144xf32, #tpu.memory_space<vmem>>, vector<1x1x16xf32>,
        %parallel_loop3A_458 = vector.shape_cast %parallel_loop3A_457 : vector<1x1x16xf32> to vector<16xf32>
        %parallel_loop3A_459 = vector.extract_strided_slice %parallel_loop3A_406 {offsets = [3], sizes = [1], strides = [1]} : vector<16xf32> to vector<1xf32>
        %parallel_loop3A_460 = vector.extract %parallel_loop3A_459[0] : f32 from vector<1xf32>
        %parallel_loop3A_461 = vector.broadcast %parallel_loop3A_460 : f32 to vector<16xf32>
        %parallel_loop3A_462 = arith.mulf %parallel_loop3A_458, %parallel_loop3A_461 : vector<16xf32>
        %parallel_loop3A_463 = arith.index_cast %parallel_loop3A_386 : i32 to index
        %parallel_loop3A_464 = arith.constant 48 : index
        %parallel_loop3A_465 = tpu.vector_load %arg18[%parallel_loop3A_463, %parallel_loop3A_464] {strides = array<i32>} : memref<80x144xf32, #tpu.memory_space<vmem>>, vector<1x16xf32>,
        %parallel_loop3A_466 = vector.shape_cast %parallel_loop3A_465 : vector<1x16xf32> to vector<16xf32>
        %parallel_loop3A_467 = vector.shape_cast %parallel_loop3A_462 : vector<16xf32> to vector<1x16xf32>
        tpu.vector_store %arg18[%parallel_loop3A_463, %parallel_loop3A_464], %parallel_loop3A_467 {strides = array<i32>} : memref<80x144xf32, #tpu.memory_space<vmem>>, vector<1x16xf32>,
        %parallel_loop3A_468 = arith.index_cast %select_n3A_292 : i32 to index
        %parallel_loop3A_469 = arith.index_cast %parallel_loop3A_386 : i32 to index
        %parallel_loop3A_470 = arith.constant 64 : index
        %parallel_loop3A_471 = tpu.vector_load %arg16[%parallel_loop3A_468, %parallel_loop3A_469, %parallel_loop3A_470] {strides = array<i32>} : memref<2x80x144xf32, #tpu.memory_space<vmem>>, vector<1x1x16xf32>,
        %parallel_loop3A_472 = vector.shape_cast %parallel_loop3A_471 : vector<1x1x16xf32> to vector<16xf32>
        %parallel_loop3A_473 = vector.extract_strided_slice %parallel_loop3A_406 {offsets = [4], sizes = [1], strides = [1]} : vector<16xf32> to vector<1xf32>
        %parallel_loop3A_474 = vector.extract %parallel_loop3A_473[0] : f32 from vector<1xf32>
        %parallel_loop3A_475 = vector.broadcast %parallel_loop3A_474 : f32 to vector<16xf32>
        %parallel_loop3A_476 = arith.mulf %parallel_loop3A_472, %parallel_loop3A_475 : vector<16xf32>
        %parallel_loop3A_477 = arith.index_cast %parallel_loop3A_386 : i32 to index
        %parallel_loop3A_478 = arith.constant 64 : index
        %parallel_loop3A_479 = tpu.vector_load %arg18[%parallel_loop3A_477, %parallel_loop3A_478] {strides = array<i32>} : memref<80x144xf32, #tpu.memory_space<vmem>>, vector<1x16xf32>,
        %parallel_loop3A_480 = vector.shape_cast %parallel_loop3A_479 : vector<1x16xf32> to vector<16xf32>
        %parallel_loop3A_481 = vector.shape_cast %parallel_loop3A_476 : vector<16xf32> to vector<1x16xf32>
        tpu.vector_store %arg18[%parallel_loop3A_477, %parallel_loop3A_478], %parallel_loop3A_481 {strides = array<i32>} : memref<80x144xf32, #tpu.memory_space<vmem>>, vector<1x16xf32>,
        %parallel_loop3A_482 = arith.index_cast %select_n3A_292 : i32 to index
        %parallel_loop3A_483 = arith.index_cast %parallel_loop3A_386 : i32 to index
        %parallel_loop3A_484 = arith.constant 80 : index
        %parallel_loop3A_485 = tpu.vector_load %arg16[%parallel_loop3A_482, %parallel_loop3A_483, %parallel_loop3A_484] {strides = array<i32>} : memref<2x80x144xf32, #tpu.memory_space<vmem>>, vector<1x1x16xf32>,
        %parallel_loop3A_486 = vector.shape_cast %parallel_loop3A_485 : vector<1x1x16xf32> to vector<16xf32>
        %parallel_loop3A_487 = vector.extract_strided_slice %parallel_loop3A_406 {offsets = [5], sizes = [1], strides = [1]} : vector<16xf32> to vector<1xf32>
        %parallel_loop3A_488 = vector.extract %parallel_loop3A_487[0] : f32 from vector<1xf32>
        %parallel_loop3A_489 = vector.broadcast %parallel_loop3A_488 : f32 to vector<16xf32>
        %parallel_loop3A_490 = arith.mulf %parallel_loop3A_486, %parallel_loop3A_489 : vector<16xf32>
        %parallel_loop3A_491 = arith.index_cast %parallel_loop3A_386 : i32 to index
        %parallel_loop3A_492 = arith.constant 80 : index
        %parallel_loop3A_493 = tpu.vector_load %arg18[%parallel_loop3A_491, %parallel_loop3A_492] {strides = array<i32>} : memref<80x144xf32, #tpu.memory_space<vmem>>, vector<1x16xf32>,
        %parallel_loop3A_494 = vector.shape_cast %parallel_loop3A_493 : vector<1x16xf32> to vector<16xf32>
        %parallel_loop3A_495 = vector.shape_cast %parallel_loop3A_490 : vector<16xf32> to vector<1x16xf32>
        tpu.vector_store %arg18[%parallel_loop3A_491, %parallel_loop3A_492], %parallel_loop3A_495 {strides = array<i32>} : memref<80x144xf32, #tpu.memory_space<vmem>>, vector<1x16xf32>,
        %parallel_loop3A_496 = arith.index_cast %select_n3A_292 : i32 to index
        %parallel_loop3A_497 = arith.index_cast %parallel_loop3A_386 : i32 to index
        %parallel_loop3A_498 = arith.constant 96 : index
        %parallel_loop3A_499 = tpu.vector_load %arg16[%parallel_loop3A_496, %parallel_loop3A_497, %parallel_loop3A_498] {strides = array<i32>} : memref<2x80x144xf32, #tpu.memory_space<vmem>>, vector<1x1x16xf32>,
        %parallel_loop3A_500 = vector.shape_cast %parallel_loop3A_499 : vector<1x1x16xf32> to vector<16xf32>
        %parallel_loop3A_501 = vector.extract_strided_slice %parallel_loop3A_406 {offsets = [6], sizes = [1], strides = [1]} : vector<16xf32> to vector<1xf32>
        %parallel_loop3A_502 = vector.extract %parallel_loop3A_501[0] : f32 from vector<1xf32>
        %parallel_loop3A_503 = vector.broadcast %parallel_loop3A_502 : f32 to vector<16xf32>
        %parallel_loop3A_504 = arith.mulf %parallel_loop3A_500, %parallel_loop3A_503 : vector<16xf32>
        %parallel_loop3A_505 = arith.index_cast %parallel_loop3A_386 : i32 to index
        %parallel_loop3A_506 = arith.constant 96 : index
        %parallel_loop3A_507 = tpu.vector_load %arg18[%parallel_loop3A_505, %parallel_loop3A_506] {strides = array<i32>} : memref<80x144xf32, #tpu.memory_space<vmem>>, vector<1x16xf32>,
        %parallel_loop3A_508 = vector.shape_cast %parallel_loop3A_507 : vector<1x16xf32> to vector<16xf32>
        %parallel_loop3A_509 = vector.shape_cast %parallel_loop3A_504 : vector<16xf32> to vector<1x16xf32>
        tpu.vector_store %arg18[%parallel_loop3A_505, %parallel_loop3A_506], %parallel_loop3A_509 {strides = array<i32>} : memref<80x144xf32, #tpu.memory_space<vmem>>, vector<1x16xf32>,
        %parallel_loop3A_510 = arith.index_cast %select_n3A_292 : i32 to index
        %parallel_loop3A_511 = arith.index_cast %parallel_loop3A_386 : i32 to index
        %parallel_loop3A_512 = arith.constant 112 : index
        %parallel_loop3A_513 = tpu.vector_load %arg16[%parallel_loop3A_510, %parallel_loop3A_511, %parallel_loop3A_512] {strides = array<i32>} : memref<2x80x144xf32, #tpu.memory_space<vmem>>, vector<1x1x16xf32>,
        %parallel_loop3A_514 = vector.shape_cast %parallel_loop3A_513 : vector<1x1x16xf32> to vector<16xf32>
        %parallel_loop3A_515 = vector.extract_strided_slice %parallel_loop3A_406 {offsets = [7], sizes = [1], strides = [1]} : vector<16xf32> to vector<1xf32>
        %parallel_loop3A_516 = vector.extract %parallel_loop3A_515[0] : f32 from vector<1xf32>
        %parallel_loop3A_517 = vector.broadcast %parallel_loop3A_516 : f32 to vector<16xf32>
        %parallel_loop3A_518 = arith.mulf %parallel_loop3A_514, %parallel_loop3A_517 : vector<16xf32>
        %parallel_loop3A_519 = arith.index_cast %parallel_loop3A_386 : i32 to index
        %parallel_loop3A_520 = arith.constant 112 : index
        %parallel_loop3A_521 = tpu.vector_load %arg18[%parallel_loop3A_519, %parallel_loop3A_520] {strides = array<i32>} : memref<80x144xf32, #tpu.memory_space<vmem>>, vector<1x16xf32>,
        %parallel_loop3A_522 = vector.shape_cast %parallel_loop3A_521 : vector<1x16xf32> to vector<16xf32>
        %parallel_loop3A_523 = vector.shape_cast %parallel_loop3A_518 : vector<16xf32> to vector<1x16xf32>
        tpu.vector_store %arg18[%parallel_loop3A_519, %parallel_loop3A_520], %parallel_loop3A_523 {strides = array<i32>} : memref<80x144xf32, #tpu.memory_space<vmem>>, vector<1x16xf32>,
      } {sc.loop_unroll_factor = 4 : i64, sc.parallel_access}
      %jit3A_363 = arith.constant 3 : i32
      %eq3A_364 = arith.constant 0 : i32
      %eq3A_365 = arith.cmpi eq, %jit3A_363, %eq3A_364 : i32
      %jit3A_366 = arith.constant 1 : i32
      %select_n3A_367 = arith.select %eq3A_365, %jit3A_366, %jit3A_363 : i32
      %rem3A_368 = arith.remsi %scan3A_281, %select_n3A_367 : i32
      %ne3A_369 = arith.constant 0 : i32
      %ne3A_370 = arith.cmpi ne, %rem3A_368, %ne3A_369 : i32
      %lt3A_371 = arith.constant 0 : i32
      %lt3A_372 = arith.cmpi slt, %rem3A_368, %lt3A_371 : i32
      %lt3A_373 = arith.constant 0 : i32
      %lt3A_374 = arith.cmpi slt, %select_n3A_367, %lt3A_373 : i32
      %ne3A_375 = arith.xori %lt3A_372, %lt3A_374 : i1
      %and3A_376 = arith.andi %ne3A_375, %ne3A_370 : i1
      %add3A_377 = arith.addi %rem3A_368, %select_n3A_367 : i32
      %select_n3A_378 = arith.select %and3A_376, %add3A_377, %rem3A_368 : i32
      %dma_start3A_379 = arith.constant 0 : i32
      %dma_start3A_380 = tpu.memref_slice %arg15[%select_n3A_378, %dma_start3A_379] : memref<3x80xi32, #tpu.memory_space<vmem>> -> memref<1x80xi32, #tpu.memory_space<vmem>>
      %dma_start3A_381 = tpu.memref_squeeze %dma_start3A_380 : memref<1x80xi32, #tpu.memory_space<vmem>> -> memref<80xi32, #tpu.memory_space<vmem>>
      %dma_start3A_382 = arith.constant 0 : i32
      %dma_start3A_383 = arith.constant 0 : i32
      %dma_start3A_384 = tpu.memref_slice %arg20[%dma_start3A_382, %dma_start3A_383] : memref<10112x144xf32, #tpu.memory_space<vmem_shared>> -> memref<10112x144xf32, #tpu.memory_space<vmem_shared>>
      tpu.enqueue_indirect_dma source(%arg18 : memref<80x144xf32, #tpu.memory_space<vmem>>) target(%dma_start3A_384 : memref<10112x144xf32, #tpu.memory_space<vmem_shared>>) offsets(%dma_start3A_381 : memref<80xi32, #tpu.memory_space<vmem>>) semaphore(%arg23 : memref<!tpu.dma_semaphore, #tpu.memory_space<semaphore_mem>>) {add = true}
      %scan3A_385 = arith.constant 0 : i32
      scf.yield %scan3A_385 : i32
    }
    %scan3A_266 = arith.constant 125 : i32
    %dma_wait3A_267 = arith.constant 1 : i32
    %dma_wait3A_268 = arith.constant 0 : i32
    %dma_wait3A_269 = tpu.memref_slice %arg15[%dma_wait3A_267, %dma_wait3A_268] : memref<3x80xi32, #tpu.memory_space<vmem>> -> memref<1x80xi32, #tpu.memory_space<vmem>>
    %dma_wait3A_270 = tpu.memref_squeeze %dma_wait3A_269 : memref<1x80xi32, #tpu.memory_space<vmem>> -> memref<80xi32, #tpu.memory_space<vmem>>
    %dma_wait3A_271 = arith.constant 0 : i32
    %dma_wait3A_272 = arith.constant 0 : i32
    %dma_wait3A_273 = tpu.memref_slice %arg20[%dma_wait3A_271, %dma_wait3A_272] : memref<10112x144xf32, #tpu.memory_space<vmem_shared>> -> memref<10112x144xf32, #tpu.memory_space<vmem_shared>>
    tpu.wait_indirect_dma semaphore(%arg23 : memref<!tpu.dma_semaphore, #tpu.memory_space<semaphore_mem>>) src(%arg18 : memref<80x144xf32, #tpu.memory_space<vmem>>) dst(%dma_wait3A_273 : memref<10112x144xf32, #tpu.memory_space<vmem_shared>>)
    %barrier3A_274 = arith.constant 0 : index
    tpu.barrier barrier_id(%barrier3A_274)
    %mul3A_275 = arith.constant 632 : i32
    %mul3A_276 = arith.muli %arg1, %mul3A_275 : i32
    %mul3A_277 = arith.constant 632 : i32
    %mul3A_278 = arith.muli %arg1, %mul3A_277 : i32
    %run_scoped3A_279 = arith.constant 1 : i32
    "tpu.region"() ({
      %run_scoped3A_281 = tpu.sem_alloc : memref<!tpu.dma_semaphore, #tpu.memory_space<semaphore_mem>>
      %dma_start3A_282 = arith.constant 0 : i32
      %dma_start3A_283 = tpu.memref_slice %arg13[%run_scoped3A_279, %arg0, %mul3A_278, %dma_start3A_282] : memref<2x2x10112x144xf32, #tpu.memory_space<hbm>> -> memref<1x1x632x144xf32, #tpu.memory_space<hbm>>
      %dma_start3A_284 = tpu.memref_squeeze %dma_start3A_283 : memref<1x1x632x144xf32, #tpu.memory_space<hbm>> -> memref<632x144xf32, #tpu.memory_space<hbm>>
      %dma_start3A_285 = arith.constant 0 : i32
      %dma_start3A_286 = tpu.memref_slice %arg20[%mul3A_276, %dma_start3A_285] : memref<10112x144xf32, #tpu.memory_space<vmem_shared>> -> memref<632x144xf32, #tpu.memory_space<vmem_shared>>
      tpu.enqueue_dma source(%dma_start3A_286 : memref<632x144xf32, #tpu.memory_space<vmem_shared>>) target(%dma_start3A_284 : memref<632x144xf32, #tpu.memory_space<hbm>>) target_semaphore(%run_scoped3A_281 : memref<!tpu.dma_semaphore, #tpu.memory_space<semaphore_mem>>)
      %dma_wait3A_287 = arith.constant 0 : i32
      %dma_wait3A_288 = tpu.memref_slice %arg13[%run_scoped3A_279, %arg0, %mul3A_278, %dma_wait3A_287] : memref<2x2x10112x144xf32, #tpu.memory_space<hbm>> -> memref<1x1x632x144xf32, #tpu.memory_space<hbm>>
      %dma_wait3A_289 = tpu.memref_squeeze %dma_wait3A_288 : memref<1x1x632x144xf32, #tpu.memory_space<hbm>> -> memref<632x144xf32, #tpu.memory_space<hbm>>
      %dma_wait3A_290 = arith.constant 0 : i32
      %dma_wait3A_291 = tpu.memref_slice %arg20[%mul3A_276, %dma_wait3A_290] : memref<10112x144xf32, #tpu.memory_space<vmem_shared>> -> memref<632x144xf32, #tpu.memory_space<vmem_shared>>
      tpu.wait_dma2 semaphore(%run_scoped3A_281 : memref<!tpu.dma_semaphore, #tpu.memory_space<semaphore_mem>>) src(%dma_wait3A_291 : memref<632x144xf32, #tpu.memory_space<vmem_shared>>) dst(%dma_wait3A_289 : memref<632x144xf32, #tpu.memory_space<hbm>>)
      tpu.yield
    }) : () -> ()
    %barrier3A_280 = arith.constant 0 : index
    tpu.barrier barrier_id(%barrier3A_280)
    return
  }
}

module attributes {stable_mosaic.version = 14 : i64} {
  func.func @_prep_body(%arg0: i32, %arg1: memref<1000x128xf32, #tpu.memory_space<vmem>>, %arg2: memref<128x144xf32, #tpu.memory_space<vmem>>, %arg3: memref<128x16xf32, #tpu.memory_space<vmem>>, %arg4: memref<1000x144xf32, #tpu.memory_space<vmem>>, %arg5: memref<1000x16xf32, #tpu.memory_space<vmem>>, %arg6: memref<2x16xf32, #tpu.memory_space<vmem>>) attributes {dimension_semantics = [#tpu.dimension_semantics<arbitrary>], iteration_bounds = array<i64: 10>, scalar_prefetch = 0 : i64, scratch_operands = 0 : i64, tpu.core_type = #tpu.core_type<tc>, window_params = [{transform_indices = @transform_0, window_bounds = array<i64: 1000, 128>}, {pipeline_mode = #tpu.pipeline_mode<synchronous>, transform_indices = @transform_1, window_bounds = array<i64: 128, 144>}, {pipeline_mode = #tpu.pipeline_mode<synchronous>, transform_indices = @transform_2, window_bounds = array<i64: 128, 16>}, {transform_indices = @transform_3, window_bounds = array<i64: 1000, 144>}, {transform_indices = @transform_4, window_bounds = array<i64: 1000, 16>}, {pipeline_mode = #tpu.pipeline_mode<synchronous>, transform_indices = @transform_5, window_bounds = array<i64: 2, 16>}]} {
    %get3A = arith.constant 0 : index
    %get3A_0 = arith.constant 0 : index
    %get3A_1 = vector.load %arg1[%get3A, %get3A_0] : memref<1000x128xf32, #tpu.memory_space<vmem>>, vector<1000x128xf32>
    %get3A_2 = arith.constant 0 : index
    %get3A_3 = arith.constant 0 : index
    %get3A_4 = vector.load %arg2[%get3A_2, %get3A_3] : memref<128x144xf32, #tpu.memory_space<vmem>>, vector<128x144xf32>
    %dot_general3A = arith.constant dense<0.000000e+00> : vector<1000x144xf32>
    %dot_general3A_5 = tpu.matmul %get3A_1, %get3A_4, %dot_general3A {dimension_numbers = #tpu.dot_dimension_numbers<[1], [0], [0], [1], [0, 0, 1, 1], [], []>, precision = #tpu.contract_precision<fp32>, transpose_lhs_hint = false} : vector<1000x128xf32>, vector<128x144xf32>, vector<1000x144xf32> -> vector<1000x144xf32>
    %get3A_6 = arith.constant 0 : index
    %get3A_7 = arith.constant 0 : index
    %get3A_8 = vector.load %arg3[%get3A_6, %get3A_7] : memref<128x16xf32, #tpu.memory_space<vmem>>, vector<128x16xf32>
    %dot_general3A_9 = arith.constant dense<0.000000e+00> : vector<1000x16xf32>
    %dot_general3A_10 = tpu.matmul %get3A_1, %get3A_8, %dot_general3A_9 {dimension_numbers = #tpu.dot_dimension_numbers<[1], [0], [0], [1], [0, 0, 1, 1], [], []>, precision = #tpu.contract_precision<fp32>, transpose_lhs_hint = false} : vector<1000x128xf32>, vector<128x16xf32>, vector<1000x16xf32> -> vector<1000x16xf32>
    %swap3A = arith.constant 0 : index
    %swap3A_11 = arith.constant 0 : index
    %swap3A_12 = vector.load %arg4[%swap3A, %swap3A_11] : memref<1000x144xf32, #tpu.memory_space<vmem>>, vector<1000x144xf32>
    tpu.vector_store %arg4[%swap3A, %swap3A_11], %dot_general3A_5 {strides = array<i32>} : memref<1000x144xf32, #tpu.memory_space<vmem>>, vector<1000x144xf32>,
    %swap3A_13 = arith.constant 0 : index
    %swap3A_14 = arith.constant 0 : index
    %swap3A_15 = vector.load %arg5[%swap3A_13, %swap3A_14] : memref<1000x16xf32, #tpu.memory_space<vmem>>, vector<1000x16xf32>
    tpu.vector_store %arg5[%swap3A_13, %swap3A_14], %dot_general3A_10 {strides = array<i32>} : memref<1000x16xf32, #tpu.memory_space<vmem>>, vector<1000x16xf32>,
    %slice3A = vector.extract_strided_slice %dot_general3A_5 {offsets = [0, 128], sizes = [1000, 16], strides = [1, 1]} : vector<1000x144xf32> to vector<1000x16xf32>
    %reduce_max3A = arith.constant dense<0xFF800000> : vector<16xf32>
    %reduce_max3A_16 = vector.multi_reduction <maximumf>, %slice3A, %reduce_max3A [0] : vector<1000x16xf32> to vector<16xf32>
    %broadcast_in_dim3A = vector.shape_cast %reduce_max3A_16 : vector<16xf32> to vector<1x16xf32>
    %reduce_max3A_17 = arith.constant dense<0xFF800000> : vector<16xf32>
    %reduce_max3A_18 = vector.multi_reduction <maximumf>, %dot_general3A_10, %reduce_max3A_17 [0] : vector<1000x16xf32> to vector<16xf32>
    %broadcast_in_dim3A_19 = vector.shape_cast %reduce_max3A_18 : vector<16xf32> to vector<1x16xf32>
    %concatenate3A = tpu.concatenate %broadcast_in_dim3A, %broadcast_in_dim3A_19 in 0 : vector<1x16xf32>, vector<1x16xf32> -> vector<2x16xf32>
    %eq3A = arith.constant 0 : i32
    %eq3A_20 = arith.cmpi eq, %arg0, %eq3A : i32
    %convert_element_type3A = arith.extui %eq3A_20 : i1 to i32
    %cond3A = arith.constant 0 : i32
    %cond3A_21 = arith.cmpi ne, %convert_element_type3A, %cond3A : i32
    scf.if %cond3A_21 {
      %swap3A_26 = arith.constant 0 : index
      %swap3A_27 = arith.constant 0 : index
      %swap3A_28 = vector.load %arg6[%swap3A_26, %swap3A_27] : memref<2x16xf32, #tpu.memory_space<vmem>>, vector<2x16xf32>
      tpu.vector_store %arg6[%swap3A_26, %swap3A_27], %concatenate3A {strides = array<i32>} : memref<2x16xf32, #tpu.memory_space<vmem>>, vector<2x16xf32>,
    } else {
    }
    %ne3A = arith.constant 0 : i32
    %ne3A_22 = arith.cmpi ne, %arg0, %ne3A : i32
    %convert_element_type3A_23 = arith.extui %ne3A_22 : i1 to i32
    %cond3A_24 = arith.constant 0 : i32
    %cond3A_25 = arith.cmpi ne, %convert_element_type3A_23, %cond3A_24 : i32
    scf.if %cond3A_25 {
      %get3A_26 = arith.constant 0 : index
      %get3A_27 = arith.constant 0 : index
      %get3A_28 = vector.load %arg6[%get3A_26, %get3A_27] : memref<2x16xf32, #tpu.memory_space<vmem>>, vector<2x16xf32>
      %max3A = arith.maximumf %get3A_28, %concatenate3A : vector<2x16xf32>
      %swap3A_29 = arith.constant 0 : index
      %swap3A_30 = arith.constant 0 : index
      %swap3A_31 = vector.load %arg6[%swap3A_29, %swap3A_30] : memref<2x16xf32, #tpu.memory_space<vmem>>, vector<2x16xf32>
      tpu.vector_store %arg6[%swap3A_29, %swap3A_30], %max3A {strides = array<i32>} : memref<2x16xf32, #tpu.memory_space<vmem>>, vector<2x16xf32>,
    } else {
    }
    return
  }
  func.func @transform_0(%arg0: i32) -> (i32, i32) {
    %c0_i32 = arith.constant 0 : i32
    %c0_i32_0 = arith.constant 0 : i32
    return %arg0, %c0_i32 : i32, i32
  }
  func.func @transform_1(%arg0: i32) -> (i32, i32) {
    %c0_i32 = arith.constant 0 : i32
    %c0_i32_0 = arith.constant 0 : i32
    %c0_i32_1 = arith.constant 0 : i32
    return %c0_i32, %c0_i32_0 : i32, i32
  }
  func.func @transform_2(%arg0: i32) -> (i32, i32) {
    %c0_i32 = arith.constant 0 : i32
    %c0_i32_0 = arith.constant 0 : i32
    %c0_i32_1 = arith.constant 0 : i32
    return %c0_i32, %c0_i32_0 : i32, i32
  }
  func.func @transform_3(%arg0: i32) -> (i32, i32) {
    %c0_i32 = arith.constant 0 : i32
    %c0_i32_0 = arith.constant 0 : i32
    return %arg0, %c0_i32 : i32, i32
  }
  func.func @transform_4(%arg0: i32) -> (i32, i32) {
    %c0_i32 = arith.constant 0 : i32
    %c0_i32_0 = arith.constant 0 : i32
    return %arg0, %c0_i32 : i32, i32
  }
  func.func @transform_5(%arg0: i32) -> (i32, i32) {
    %c0_i32 = arith.constant 0 : i32
    %c0_i32_0 = arith.constant 0 : i32
    %c0_i32_1 = arith.constant 0 : i32
    return %c0_i32, %c0_i32_0 : i32, i32
  }
}

module attributes {stable_mosaic.version = 14 : i64} {
  func.func @_finish_body(%arg0: i32, %arg1: memref<2x2x1000x144xf32, #tpu.memory_space<vmem>>, %arg2: memref<2x1x128xf32, #tpu.memory_space<vmem>>, %arg3: memref<16x128xf32, #tpu.memory_space<vmem>>, %arg4: memref<128x128xf32, #tpu.memory_space<vmem>>, %arg5: memref<1x128xf32, #tpu.memory_space<vmem>>, %arg6: memref<1x128xf32, #tpu.memory_space<vmem>>, %arg7: memref<1000x128xf32, #tpu.memory_space<vmem>>, %arg8: memref<1000x128xf32, #tpu.memory_space<vmem>>, %arg9: memref<2x1x128xf32, #tpu.memory_space<vmem>>) attributes {dimension_semantics = [#tpu.dimension_semantics<arbitrary>], iteration_bounds = array<i64: 10>, scalar_prefetch = 0 : i64, scratch_operands = 0 : i64, tpu.core_type = #tpu.core_type<tc>, window_params = [{transform_indices = @transform_0, window_bounds = array<i64: 2, 2, 1000, 144>}, {pipeline_mode = #tpu.pipeline_mode<synchronous>, transform_indices = @transform_1, window_bounds = array<i64: 2, 1, 128>}, {pipeline_mode = #tpu.pipeline_mode<synchronous>, transform_indices = @transform_2, window_bounds = array<i64: 16, 128>}, {pipeline_mode = #tpu.pipeline_mode<synchronous>, transform_indices = @transform_3, window_bounds = array<i64: 128, 128>}, {pipeline_mode = #tpu.pipeline_mode<synchronous>, transform_indices = @transform_4, window_bounds = array<i64: 1, 128>}, {pipeline_mode = #tpu.pipeline_mode<synchronous>, transform_indices = @transform_5, window_bounds = array<i64: 1, 128>}, {transform_indices = @transform_6, window_bounds = array<i64: 1000, 128>}, {transform_indices = @transform_7, window_bounds = array<i64: 1000, 128>}, {pipeline_mode = #tpu.pipeline_mode<synchronous>, transform_indices = @transform_8, window_bounds = array<i64: 2, 1, 128>}]} {
    %get3A = arith.constant 0 : index
    %get3A_0 = arith.constant 0 : index
    %get3A_1 = arith.constant 0 : index
    %get3A_2 = arith.constant 0 : index
    %get3A_3 = vector.load %arg1[%get3A, %get3A_0, %get3A_1, %get3A_2] : memref<2x2x1000x144xf32, #tpu.memory_space<vmem>>, vector<1x1x1000x144xf32>
    %get3A_4 = vector.shape_cast %get3A_3 : vector<1x1x1000x144xf32> to vector<1000x144xf32>
    %get3A_5 = arith.constant 0 : index
    %get3A_6 = arith.constant 1 : index
    %get3A_7 = arith.constant 0 : index
    %get3A_8 = arith.constant 0 : index
    %get3A_9 = vector.load %arg1[%get3A_5, %get3A_6, %get3A_7, %get3A_8] : memref<2x2x1000x144xf32, #tpu.memory_space<vmem>>, vector<1x1x1000x144xf32>
    %get3A_10 = vector.shape_cast %get3A_9 : vector<1x1x1000x144xf32> to vector<1000x144xf32>
    %add3A = arith.addf %get3A_4, %get3A_10 : vector<1000x144xf32>
    %slice3A = vector.extract_strided_slice %add3A {offsets = [0, 128], sizes = [1000, 16], strides = [1, 1]} : vector<1000x144xf32> to vector<1000x16xf32>
    %get3A_11 = arith.constant 0 : index
    %get3A_12 = arith.constant 0 : index
    %get3A_13 = vector.load %arg3[%get3A_11, %get3A_12] : memref<16x128xf32, #tpu.memory_space<vmem>>, vector<16x128xf32>
    %dot_general3A = arith.constant dense<0.000000e+00> : vector<1000x128xf32>
    %dot_general3A_14 = tpu.matmul %slice3A, %get3A_13, %dot_general3A {dimension_numbers = #tpu.dot_dimension_numbers<[1], [0], [0], [1], [0, 0, 1, 1], [], []>, precision = #tpu.contract_precision<fp32>, transpose_lhs_hint = false} : vector<1000x16xf32>, vector<16x128xf32>, vector<1000x128xf32> -> vector<1000x128xf32>
    %slice3A_15 = vector.extract_strided_slice %add3A {offsets = [0, 0], sizes = [1000, 128], strides = [1, 1]} : vector<1000x144xf32> to vector<1000x128xf32>
    %max3A = arith.constant 9.99999971E-10 : f32
    %max3A_16 = vector.broadcast %max3A : f32 to vector<1000x128xf32>
    %max3A_17 = arith.maximumf %dot_general3A_14, %max3A_16 : vector<1000x128xf32>
    %div3A = arith.divf %slice3A_15, %max3A_17 : vector<1000x128xf32>
    %get3A_18 = arith.constant 0 : index
    %get3A_19 = arith.constant 0 : index
    %get3A_20 = arith.constant 0 : index
    %get3A_21 = vector.load %arg2[%get3A_18, %get3A_19, %get3A_20] : memref<2x1x128xf32, #tpu.memory_space<vmem>>, vector<1x1x128xf32>
    %get3A_22 = vector.shape_cast %get3A_21 : vector<1x1x128xf32> to vector<1x128xf32>
    %add3A_23 = vector.broadcast %get3A_22 : vector<1x128xf32> to vector<1000x128xf32>
    %add3A_24 = arith.addf %div3A, %add3A_23 : vector<1000x128xf32>
    %gt3A = arith.constant 0.000000e+00 : f32
    %gt3A_25 = vector.broadcast %gt3A : f32 to vector<1000x128xf32>
    %gt3A_26 = arith.cmpf ogt, %add3A_24, %gt3A_25 : vector<1000x128xf32>
    %min3A = arith.constant 0.000000e+00 : f32
    %min3A_27 = vector.broadcast %min3A : f32 to vector<1000x128xf32>
    %min3A_28 = arith.minimumf %add3A_24, %min3A_27 : vector<1000x128xf32>
    %exp3A = math.exp %min3A_28 : vector<1000x128xf32>
    %sub3A = arith.constant 1.000000e+00 : f32
    %sub3A_29 = vector.broadcast %sub3A : f32 to vector<1000x128xf32>
    %sub3A_30 = arith.subf %exp3A, %sub3A_29 : vector<1000x128xf32>
    %select_n3A = arith.select %gt3A_26, %add3A_24, %sub3A_30 : vector<1000x128xi1>, vector<1000x128xf32>
    %swap3A = arith.constant 0 : index
    %swap3A_31 = arith.constant 0 : index
    %swap3A_32 = vector.load %arg7[%swap3A, %swap3A_31] : memref<1000x128xf32, #tpu.memory_space<vmem>>, vector<1000x128xf32>
    tpu.vector_store %arg7[%swap3A, %swap3A_31], %select_n3A {strides = array<i32>} : memref<1000x128xf32, #tpu.memory_space<vmem>>, vector<1000x128xf32>,
    %get3A_33 = arith.constant 0 : index
    %get3A_34 = arith.constant 0 : index
    %get3A_35 = vector.load %arg4[%get3A_33, %get3A_34] : memref<128x128xf32, #tpu.memory_space<vmem>>, vector<128x128xf32>
    %dot_general3A_36 = arith.constant dense<0.000000e+00> : vector<1000x128xf32>
    %dot_general3A_37 = tpu.matmul %select_n3A, %get3A_35, %dot_general3A_36 {dimension_numbers = #tpu.dot_dimension_numbers<[1], [0], [0], [1], [0, 0, 1, 1], [], []>, precision = #tpu.contract_precision<fp32>, transpose_lhs_hint = false} : vector<1000x128xf32>, vector<128x128xf32>, vector<1000x128xf32> -> vector<1000x128xf32>
    %get3A_38 = arith.constant 0 : index
    %get3A_39 = arith.constant 0 : index
    %get3A_40 = vector.load %arg5[%get3A_38, %get3A_39] : memref<1x128xf32, #tpu.memory_space<vmem>>, vector<1x128xf32>
    %add3A_41 = vector.broadcast %get3A_40 : vector<1x128xf32> to vector<1000x128xf32>
    %add3A_42 = arith.addf %dot_general3A_37, %add3A_41 : vector<1000x128xf32>
    %tanh3A = math.tanh %add3A_42 : vector<1000x128xf32>
    %get3A_43 = arith.constant 0 : index
    %get3A_44 = arith.constant 0 : index
    %get3A_45 = vector.load %arg6[%get3A_43, %get3A_44] : memref<1x128xf32, #tpu.memory_space<vmem>>, vector<1x128xf32>
    %mul3A = vector.broadcast %get3A_45 : vector<1x128xf32> to vector<1000x128xf32>
    %mul3A_46 = arith.mulf %tanh3A, %mul3A : vector<1000x128xf32>
    %reduce_sum3A = vector.shape_cast %mul3A_46 : vector<1000x128xf32> to vector<1x1000x128xf32>
    %reduce_sum3A_47 = arith.constant dense<0.000000e+00> : vector<1xf32>
    %reduce_sum3A_48 = vector.multi_reduction <add>, %reduce_sum3A, %reduce_sum3A_47 [1, 2] : vector<1x1000x128xf32> to vector<1xf32>
    %reduce_sum3A_49 = vector.shape_cast %reduce_sum3A_48 : vector<1xf32> to vector<1x1x1xf32>
    %reduce_sum3A_50 = vector.extract %reduce_sum3A_49[0, 0, 0] : f32 from vector<1x1x1xf32>
    %broadcast_in_dim3A = vector.broadcast %reduce_sum3A_50 : f32 to vector<1x1x128xf32>
    %get3A_51 = arith.constant 1 : index
    %get3A_52 = arith.constant 0 : index
    %get3A_53 = arith.constant 0 : index
    %get3A_54 = arith.constant 0 : index
    %get3A_55 = vector.load %arg1[%get3A_51, %get3A_52, %get3A_53, %get3A_54] : memref<2x2x1000x144xf32, #tpu.memory_space<vmem>>, vector<1x1x1000x144xf32>
    %get3A_56 = vector.shape_cast %get3A_55 : vector<1x1x1000x144xf32> to vector<1000x144xf32>
    %get3A_57 = arith.constant 1 : index
    %get3A_58 = arith.constant 1 : index
    %get3A_59 = arith.constant 0 : index
    %get3A_60 = arith.constant 0 : index
    %get3A_61 = vector.load %arg1[%get3A_57, %get3A_58, %get3A_59, %get3A_60] : memref<2x2x1000x144xf32, #tpu.memory_space<vmem>>, vector<1x1x1000x144xf32>
    %get3A_62 = vector.shape_cast %get3A_61 : vector<1x1x1000x144xf32> to vector<1000x144xf32>
    %add3A_63 = arith.addf %get3A_56, %get3A_62 : vector<1000x144xf32>
    %slice3A_64 = vector.extract_strided_slice %add3A_63 {offsets = [0, 128], sizes = [1000, 16], strides = [1, 1]} : vector<1000x144xf32> to vector<1000x16xf32>
    %get3A_65 = arith.constant 0 : index
    %get3A_66 = arith.constant 0 : index
    %get3A_67 = vector.load %arg3[%get3A_65, %get3A_66] : memref<16x128xf32, #tpu.memory_space<vmem>>, vector<16x128xf32>
    %dot_general3A_68 = arith.constant dense<0.000000e+00> : vector<1000x128xf32>
    %dot_general3A_69 = tpu.matmul %slice3A_64, %get3A_67, %dot_general3A_68 {dimension_numbers = #tpu.dot_dimension_numbers<[1], [0], [0], [1], [0, 0, 1, 1], [], []>, precision = #tpu.contract_precision<fp32>, transpose_lhs_hint = false} : vector<1000x16xf32>, vector<16x128xf32>, vector<1000x128xf32> -> vector<1000x128xf32>
    %slice3A_70 = vector.extract_strided_slice %add3A_63 {offsets = [0, 0], sizes = [1000, 128], strides = [1, 1]} : vector<1000x144xf32> to vector<1000x128xf32>
    %max3A_71 = arith.constant 9.99999971E-10 : f32
    %max3A_72 = vector.broadcast %max3A_71 : f32 to vector<1000x128xf32>
    %max3A_73 = arith.maximumf %dot_general3A_69, %max3A_72 : vector<1000x128xf32>
    %div3A_74 = arith.divf %slice3A_70, %max3A_73 : vector<1000x128xf32>
    %get3A_75 = arith.constant 1 : index
    %get3A_76 = arith.constant 0 : index
    %get3A_77 = arith.constant 0 : index
    %get3A_78 = vector.load %arg2[%get3A_75, %get3A_76, %get3A_77] : memref<2x1x128xf32, #tpu.memory_space<vmem>>, vector<1x1x128xf32>
    %get3A_79 = vector.shape_cast %get3A_78 : vector<1x1x128xf32> to vector<1x128xf32>
    %add3A_80 = vector.broadcast %get3A_79 : vector<1x128xf32> to vector<1000x128xf32>
    %add3A_81 = arith.addf %div3A_74, %add3A_80 : vector<1000x128xf32>
    %gt3A_82 = arith.constant 0.000000e+00 : f32
    %gt3A_83 = vector.broadcast %gt3A_82 : f32 to vector<1000x128xf32>
    %gt3A_84 = arith.cmpf ogt, %add3A_81, %gt3A_83 : vector<1000x128xf32>
    %min3A_85 = arith.constant 0.000000e+00 : f32
    %min3A_86 = vector.broadcast %min3A_85 : f32 to vector<1000x128xf32>
    %min3A_87 = arith.minimumf %add3A_81, %min3A_86 : vector<1000x128xf32>
    %exp3A_88 = math.exp %min3A_87 : vector<1000x128xf32>
    %sub3A_89 = arith.constant 1.000000e+00 : f32
    %sub3A_90 = vector.broadcast %sub3A_89 : f32 to vector<1000x128xf32>
    %sub3A_91 = arith.subf %exp3A_88, %sub3A_90 : vector<1000x128xf32>
    %select_n3A_92 = arith.select %gt3A_84, %add3A_81, %sub3A_91 : vector<1000x128xi1>, vector<1000x128xf32>
    %swap3A_93 = arith.constant 0 : index
    %swap3A_94 = arith.constant 0 : index
    %swap3A_95 = vector.load %arg8[%swap3A_93, %swap3A_94] : memref<1000x128xf32, #tpu.memory_space<vmem>>, vector<1000x128xf32>
    tpu.vector_store %arg8[%swap3A_93, %swap3A_94], %select_n3A_92 {strides = array<i32>} : memref<1000x128xf32, #tpu.memory_space<vmem>>, vector<1000x128xf32>,
    %get3A_96 = arith.constant 0 : index
    %get3A_97 = arith.constant 0 : index
    %get3A_98 = vector.load %arg4[%get3A_96, %get3A_97] : memref<128x128xf32, #tpu.memory_space<vmem>>, vector<128x128xf32>
    %dot_general3A_99 = arith.constant dense<0.000000e+00> : vector<1000x128xf32>
    %dot_general3A_100 = tpu.matmul %select_n3A_92, %get3A_98, %dot_general3A_99 {dimension_numbers = #tpu.dot_dimension_numbers<[1], [0], [0], [1], [0, 0, 1, 1], [], []>, precision = #tpu.contract_precision<fp32>, transpose_lhs_hint = false} : vector<1000x128xf32>, vector<128x128xf32>, vector<1000x128xf32> -> vector<1000x128xf32>
    %get3A_101 = arith.constant 0 : index
    %get3A_102 = arith.constant 0 : index
    %get3A_103 = vector.load %arg5[%get3A_101, %get3A_102] : memref<1x128xf32, #tpu.memory_space<vmem>>, vector<1x128xf32>
    %add3A_104 = vector.broadcast %get3A_103 : vector<1x128xf32> to vector<1000x128xf32>
    %add3A_105 = arith.addf %dot_general3A_100, %add3A_104 : vector<1000x128xf32>
    %tanh3A_106 = math.tanh %add3A_105 : vector<1000x128xf32>
    %get3A_107 = arith.constant 0 : index
    %get3A_108 = arith.constant 0 : index
    %get3A_109 = vector.load %arg6[%get3A_107, %get3A_108] : memref<1x128xf32, #tpu.memory_space<vmem>>, vector<1x128xf32>
    %mul3A_110 = vector.broadcast %get3A_109 : vector<1x128xf32> to vector<1000x128xf32>
    %mul3A_111 = arith.mulf %tanh3A_106, %mul3A_110 : vector<1000x128xf32>
    %reduce_sum3A_112 = vector.shape_cast %mul3A_111 : vector<1000x128xf32> to vector<1x1000x128xf32>
    %reduce_sum3A_113 = arith.constant dense<0.000000e+00> : vector<1xf32>
    %reduce_sum3A_114 = vector.multi_reduction <add>, %reduce_sum3A_112, %reduce_sum3A_113 [1, 2] : vector<1x1000x128xf32> to vector<1xf32>
    %reduce_sum3A_115 = vector.shape_cast %reduce_sum3A_114 : vector<1xf32> to vector<1x1x1xf32>
    %reduce_sum3A_116 = vector.extract %reduce_sum3A_115[0, 0, 0] : f32 from vector<1x1x1xf32>
    %broadcast_in_dim3A_117 = vector.broadcast %reduce_sum3A_116 : f32 to vector<1x1x128xf32>
    %concatenate3A = tpu.concatenate %broadcast_in_dim3A, %broadcast_in_dim3A_117 in 0 : vector<1x1x128xf32>, vector<1x1x128xf32> -> vector<2x1x128xf32>
    %eq3A = arith.constant 0 : i32
    %eq3A_118 = arith.cmpi eq, %arg0, %eq3A : i32
    %convert_element_type3A = arith.extui %eq3A_118 : i1 to i32
    %cond3A = arith.constant 0 : i32
    %cond3A_119 = arith.cmpi ne, %convert_element_type3A, %cond3A : i32
    scf.if %cond3A_119 {
      %swap3A_124 = arith.constant 0 : index
      %swap3A_125 = arith.constant 0 : index
      %swap3A_126 = arith.constant 0 : index
      %swap3A_127 = vector.load %arg9[%swap3A_124, %swap3A_125, %swap3A_126] : memref<2x1x128xf32, #tpu.memory_space<vmem>>, vector<2x1x128xf32>
      tpu.vector_store %arg9[%swap3A_124, %swap3A_125, %swap3A_126], %concatenate3A {strides = array<i32>} : memref<2x1x128xf32, #tpu.memory_space<vmem>>, vector<2x1x128xf32>,
    } else {
    }
    %ne3A = arith.constant 0 : i32
    %ne3A_120 = arith.cmpi ne, %arg0, %ne3A : i32
    %convert_element_type3A_121 = arith.extui %ne3A_120 : i1 to i32
    %cond3A_122 = arith.constant 0 : i32
    %cond3A_123 = arith.cmpi ne, %convert_element_type3A_121, %cond3A_122 : i32
    scf.if %cond3A_123 {
      %get3A_124 = arith.constant 0 : index
      %get3A_125 = arith.constant 0 : index
      %get3A_126 = arith.constant 0 : index
      %get3A_127 = vector.load %arg9[%get3A_124, %get3A_125, %get3A_126] : memref<2x1x128xf32, #tpu.memory_space<vmem>>, vector<2x1x128xf32>
      %add3A_128 = arith.addf %get3A_127, %concatenate3A : vector<2x1x128xf32>
      %swap3A_129 = arith.constant 0 : index
      %swap3A_130 = arith.constant 0 : index
      %swap3A_131 = arith.constant 0 : index
      %swap3A_132 = vector.load %arg9[%swap3A_129, %swap3A_130, %swap3A_131] : memref<2x1x128xf32, #tpu.memory_space<vmem>>, vector<2x1x128xf32>
      tpu.vector_store %arg9[%swap3A_129, %swap3A_130, %swap3A_131], %add3A_128 {strides = array<i32>} : memref<2x1x128xf32, #tpu.memory_space<vmem>>, vector<2x1x128xf32>,
    } else {
    }
    return
  }
  func.func @transform_0(%arg0: i32) -> (i32, i32, i32, i32) {
    %c0_i32 = arith.constant 0 : i32
    %c0_i32_0 = arith.constant 0 : i32
    %c0_i32_1 = arith.constant 0 : i32
    %c0_i32_2 = arith.constant 0 : i32
    return %c0_i32, %c0_i32_0, %arg0, %c0_i32_1 : i32, i32, i32, i32
  }
  func.func @transform_1(%arg0: i32) -> (i32, i32, i32) {
    %c0_i32 = arith.constant 0 : i32
    %c0_i32_0 = arith.constant 0 : i32
    %c0_i32_1 = arith.constant 0 : i32
    %c0_i32_2 = arith.constant 0 : i32
    return %c0_i32, %c0_i32_0, %c0_i32_1 : i32, i32, i32
  }
  func.func @transform_2(%arg0: i32) -> (i32, i32) {
    %c0_i32 = arith.constant 0 : i32
    %c0_i32_0 = arith.constant 0 : i32
    %c0_i32_1 = arith.constant 0 : i32
    return %c0_i32, %c0_i32_0 : i32, i32
  }
  func.func @transform_3(%arg0: i32) -> (i32, i32) {
    %c0_i32 = arith.constant 0 : i32
    %c0_i32_0 = arith.constant 0 : i32
    %c0_i32_1 = arith.constant 0 : i32
    return %c0_i32, %c0_i32_0 : i32, i32
  }
  func.func @transform_4(%arg0: i32) -> (i32, i32) {
    %c0_i32 = arith.constant 0 : i32
    %c0_i32_0 = arith.constant 0 : i32
    %c0_i32_1 = arith.constant 0 : i32
    return %c0_i32, %c0_i32_0 : i32, i32
  }
  func.func @transform_5(%arg0: i32) -> (i32, i32) {
    %c0_i32 = arith.constant 0 : i32
    %c0_i32_0 = arith.constant 0 : i32
    %c0_i32_1 = arith.constant 0 : i32
    return %c0_i32, %c0_i32_0 : i32, i32
  }
  func.func @transform_6(%arg0: i32) -> (i32, i32) {
    %c0_i32 = arith.constant 0 : i32
    %c0_i32_0 = arith.constant 0 : i32
    return %arg0, %c0_i32 : i32, i32
  }
  func.func @transform_7(%arg0: i32) -> (i32, i32) {
    %c0_i32 = arith.constant 0 : i32
    %c0_i32_0 = arith.constant 0 : i32
    return %arg0, %c0_i32 : i32, i32
  }
  func.func @transform_8(%arg0: i32) -> (i32, i32, i32) {
    %c0_i32 = arith.constant 0 : i32
    %c0_i32_0 = arith.constant 0 : i32
    %c0_i32_1 = arith.constant 0 : i32
    %c0_i32_2 = arith.constant 0 : i32
    return %c0_i32, %c0_i32_0, %c0_i32_1 : i32, i32, i32
  }
}

module attributes {stable_mosaic.version = 14 : i64} {
  func.func @_combine_body(%arg0: i32, %arg1: memref<1000x128xf32, #tpu.memory_space<vmem>>, %arg2: memref<1000x128xf32, #tpu.memory_space<vmem>>, %arg3: memref<2x1x128xf32, #tpu.memory_space<vmem>>, %arg4: memref<1000x128xf32, #tpu.memory_space<vmem>>) attributes {dimension_semantics = [#tpu.dimension_semantics<arbitrary>], iteration_bounds = array<i64: 10>, scalar_prefetch = 0 : i64, scratch_operands = 0 : i64, tpu.core_type = #tpu.core_type<tc>, window_params = [{transform_indices = @transform_0, window_bounds = array<i64: 1000, 128>}, {transform_indices = @transform_1, window_bounds = array<i64: 1000, 128>}, {pipeline_mode = #tpu.pipeline_mode<synchronous>, transform_indices = @transform_2, window_bounds = array<i64: 2, 1, 128>}, {transform_indices = @transform_3, window_bounds = array<i64: 1000, 128>}]} {
    %get3A = arith.constant 0 : index
    %get3A_0 = arith.constant 0 : index
    %get3A_1 = arith.constant 0 : index
    %get3A_2 = vector.load %arg3[%get3A, %get3A_0, %get3A_1] : memref<2x1x128xf32, #tpu.memory_space<vmem>>, vector<1x1x1xf32>
    %get3A_3 = vector.extract %get3A_2[0, 0, 0] : f32 from vector<1x1x1xf32>
    %div3A = arith.constant 1.000000e+04 : f32
    %div3A_4 = arith.divf %get3A_3, %div3A : f32
    %get3A_5 = arith.constant 1 : index
    %get3A_6 = arith.constant 0 : index
    %get3A_7 = arith.constant 0 : index
    %get3A_8 = vector.load %arg3[%get3A_5, %get3A_6, %get3A_7] : memref<2x1x128xf32, #tpu.memory_space<vmem>>, vector<1x1x1xf32>
    %get3A_9 = vector.extract %get3A_8[0, 0, 0] : f32 from vector<1x1x1xf32>
    %div3A_10 = arith.constant 1.000000e+04 : f32
    %div3A_11 = arith.divf %get3A_9, %div3A_10 : f32
    %max3A = arith.maximumf %div3A_4, %div3A_11 : f32
    %sub3A = arith.subf %div3A_4, %max3A : f32
    %exp3A = math.exp %sub3A : f32
    %sub3A_12 = arith.subf %div3A_11, %max3A : f32
    %exp3A_13 = math.exp %sub3A_12 : f32
    %add3A = arith.addf %exp3A, %exp3A_13 : f32
    %div3A_14 = arith.divf %exp3A, %add3A : f32
    %add3A_15 = arith.addf %exp3A, %exp3A_13 : f32
    %div3A_16 = arith.divf %exp3A_13, %add3A_15 : f32
    %get3A_17 = arith.constant 0 : index
    %get3A_18 = arith.constant 0 : index
    %get3A_19 = vector.load %arg1[%get3A_17, %get3A_18] : memref<1000x128xf32, #tpu.memory_space<vmem>>, vector<1000x128xf32>
    %mul3A = vector.broadcast %div3A_14 : f32 to vector<1000x128xf32>
    %mul3A_20 = arith.mulf %mul3A, %get3A_19 : vector<1000x128xf32>
    %get3A_21 = arith.constant 0 : index
    %get3A_22 = arith.constant 0 : index
    %get3A_23 = vector.load %arg2[%get3A_21, %get3A_22] : memref<1000x128xf32, #tpu.memory_space<vmem>>, vector<1000x128xf32>
    %mul3A_24 = vector.broadcast %div3A_16 : f32 to vector<1000x128xf32>
    %mul3A_25 = arith.mulf %mul3A_24, %get3A_23 : vector<1000x128xf32>
    %add3A_26 = arith.addf %mul3A_20, %mul3A_25 : vector<1000x128xf32>
    %swap3A = arith.constant 0 : index
    %swap3A_27 = arith.constant 0 : index
    %swap3A_28 = vector.load %arg4[%swap3A, %swap3A_27] : memref<1000x128xf32, #tpu.memory_space<vmem>>, vector<1000x128xf32>
    tpu.vector_store %arg4[%swap3A, %swap3A_27], %add3A_26 {strides = array<i32>} : memref<1000x128xf32, #tpu.memory_space<vmem>>, vector<1000x128xf32>,
    return
  }
  func.func @transform_0(%arg0: i32) -> (i32, i32) {
    %c0_i32 = arith.constant 0 : i32
    %c0_i32_0 = arith.constant 0 : i32
    return %arg0, %c0_i32 : i32, i32
  }
  func.func @transform_1(%arg0: i32) -> (i32, i32) {
    %c0_i32 = arith.constant 0 : i32
    %c0_i32_0 = arith.constant 0 : i32
    return %arg0, %c0_i32 : i32, i32
  }
  func.func @transform_2(%arg0: i32) -> (i32, i32, i32) {
    %c0_i32 = arith.constant 0 : i32
    %c0_i32_0 = arith.constant 0 : i32
    %c0_i32_1 = arith.constant 0 : i32
    %c0_i32_2 = arith.constant 0 : i32
    return %c0_i32, %c0_i32_0, %c0_i32_1 : i32, i32, i32
  }
  func.func @transform_3(%arg0: i32) -> (i32, i32) {
    %c0_i32 = arith.constant 0 : i32
    %c0_i32_0 = arith.constant 0 : i32
    return %arg0, %c0_i32 : i32, i32
  }
}

</mosaic_0001>

<sc_bundles>
// kernel: kernel.7.cloned.1.call-start
scs
__scs_entry_jumppad:
0x0: {  	(pc) =	sbr.rel $0x88, $3  }
0x1: {  	(tag) =	ssettag $0x0;
	lr =	simm.s32 $0x1  }
0x2: {  	[smem:$0x3F93] =	sst lr;
	_ =	strace $0xD0000000  }
0x3: {  	_ = 	snop  }
0x4: {  	_ = 	snop  }
0x5: {  	_ = 	snop  }
0x6: {  	_ = 	snop  }
0x7: {  	_ = 	snop  }
__scs_overlays_trampoline_lowered:
0x8: {  	[smem:$0x3FA2] =	sst s0  }
0x9: {  	[smem:$0x3FA3] =	sst s1  }
0xa: {  	[smem:$0x3FA4] =	sst s2  }
0xb: {  	[smem:$0x3FA5] =	sst s3  }
0xc: {  	[smem:$0x3FA6] =	sst s4  }
0xd: {  	[smem:$0x3FA7] =	sst s5  }
0xe: {  	[smem:$0x3FA8] =	sst s6  }
0xf: {  	[smem:$0x3FA9] =	sst s7  }
0x10: {  	[smem:$0x3FAA] =	sst s8  }
0x11: {  	[smem:$0x3FAB] =	sst s9;
	s0 =	simm.s32 @!p0 $0x0  }
0x12: {  	s1 =	sld [smem:$0x3F91];
	s0 =	simm.s32 @p0 $0x1  }
0x13: {  	[smem:$0x3FAC] =	sst s0;
	s0 =	simm.s32 @!p1 $0x0  }
0x14: {  	s2 =	sld [smem:$0x3F90];
	s0 =	simm.s32 @p1 $0x1  }
0x15: {  	[smem:$0x3FAD] =	sst s0;
	s0 =	simm.s32 @!p2 $0x0  }
0x16: {  	s3 =	sld [smem:$0x3FDB];
	s0 =	simm.s32 @p2 $0x1  }
0x17: {  	s4 =	simm.s32 $0x1BF5;
	[smem:$0x3FAF] =	sst s0  }
0x18: {  	s0 =	sld [smem:$0x3F92];
	_ =	swait.ge [sflag:s4], $0x0  }
0x19: {  	s7 =	sld [smem:$0x3F93]  }
0x1a: {  	s8 =	sadd.s32 $0xFFFFE003, lr  }
0x1b: {  	s9 =	sadd.s32 $0xFFFFFEF7, lr;
	s5 =	simm.s32 $0xFFFFFFFF;
	p2 =	slt.u32 s8, $0xFFFFF086  }
0x1c: {  	p1 =	slt.u32 s9, $0xF7A;
	s5 =	simm.s32 @!p2 $0x0  }
0x1d: {  	s5 =	simm.s32 @p1 $0x1;
	p0 =	seq.s32 s7, s2  }
0x1e: {  	s7 =	smul.u32 @!p0 $0xF7A, s2;
	p2 =	seq.s32 @!p0 s5, $0x0  }
0x1f: {  	s9 =	smul.u32 $0xF7A, s1;
	s8 =	simm.s32 @!p0 $0x1BF5;
	p2 =	por !p2, p0  }
0x20: {  	[sflag:s8] =	ssyncset.s32 @!p0 $0xFFFFF086;
	s6 =	sadd.s32 @!p0 s3, s7;
	s7 =	simm.s32 @!p0 $0x108  }
0x21: {  	s3 =	sadd.s32 s3, s9;
	s6 =	sadd.s32 @!p0 $0x88, s6;
	s7 =	simm.s32 @p2 $0x1082  }
0x22: {  	[simem:s7], [sflag:s8] =	dma.local @!p0 [hbm:s6], $0xF7A  }
0x23: {  	s9 =	sor.u32 $0xD0000000, s2;
	s6 =	simm.s32 $0x108;
	_ =	swait.ge @!p0 [sflag:s8], $0x0  }
0x24: {  	s3 =	sadd.s32 $0x88, s3;
	s6 =	simm.s32 @!p1 $0x1082;
	[sflag:s4] =	ssyncset.s32 $0xFFFFF086  }
0x25: {  	[simem:s6], [sflag:s4] =	dma.local [hbm:s3], $0xF7A  }
0x26: {  	[smem:$0x3F93] =	sst s1;
	(tag) =	ssettag s2;
	_ =	strace s9  }
0x27: {  	s1 =	sld [smem:$0x3FA3]  }
0x28: {  	s2 =	sld [smem:$0x3FA4]  }
0x29: {  	s4 =	sld [smem:$0x3FA6]  }
0x2a: {  	p0 =	seq.s32 s5, $0x0;
	s5 =	sld [smem:$0x3FA7]  }
0x2b: {  	s6 =	sld [smem:$0x3FA8]  }
0x2c: {  	s7 =	sld [smem:$0x3FA9]  }
0x2d: {  	s3 =	simm.s32 $0x108;
	s8 =	sld [smem:$0x3FAA]  }
0x2e: {  	s3 =	simm.s32 @!p0 $0x1082;
	s9 =	sld [smem:$0x3FAB]  }
0x2f: {  	lr =	sadd.s32 s0, s3;
	s0 =	sld [smem:$0x3FA2]  }
0x30: {  	s3 =	sld [smem:$0x3FA5]  }
0x31: {  	[smem:$0x3FAE] =	sst s10  }
0x32: {  	s10 =	sld [smem:$0x3FAC];
	_ =	sdelay $0x3  }
0x33: {  	p0 =	seq.s32 s10, $0x1;
	s10 =	sld [smem:$0x3FAE];
	_ =	sdelay $0x3  }
0x34: {  	[smem:$0x3FAE] =	sst s10  }
0x35: {  	s10 =	sld [smem:$0x3FAD];
	_ =	sdelay $0x3  }
0x36: {  	p1 =	seq.s32 s10, $0x1;
	s10 =	sld [smem:$0x3FAE];
	_ =	sdelay $0x3  }
0x37: {  	[smem:$0x3FAE] =	sst s10  }
0x38: {  	s10 =	sld [smem:$0x3FAF]  }
0x39: {  	_ = 	snop;
	(pc) =	sbr.ind lr, $3  }
0x3a: {  	_ = 	snop  }
0x3b: {  	_ = 	snop  }
0x3c: {  	p2 =	seq.s32 s10, $0x1;
	s10 =	sld [smem:$0x3FAE]  }
0x3d: {  	_ =	shalt  }
0x3e: {  	_ =	shalt  }
0x3f: {  	_ =	shalt  }
0x40: {  	_ =	shalt  }
0x41: {  	_ =	shalt  }
0x42: {  	_ =	shalt  }
0x43: {  	_ =	shalt  }
0x44: {  	_ =	shalt  }
0x45: {  	_ =	shalt  }
0x46: {  	_ =	shalt  }
0x47: {  	_ =	shalt  }
0x48: {  	_ =	shalt  }
0x49: {  	_ =	shalt  }
0x4a: {  	_ =	shalt  }
0x4b: {  	_ =	shalt  }
0x4c: {  	_ =	shalt  }
0x4d: {  	_ =	shalt  }
0x4e: {  	_ =	shalt  }
0x4f: {  	_ =	shalt  }
0x50: {  	_ =	shalt  }
0x51: {  	_ =	shalt  }
0x52: {  	_ =	shalt  }
0x53: {  	_ =	shalt  }
0x54: {  	_ =	shalt  }
0x55: {  	_ =	shalt  }
0x56: {  	_ =	shalt  }
0x57: {  	_ =	shalt  }
0x58: {  	_ =	shalt  }
0x59: {  	_ =	shalt  }
0x5a: {  	_ =	shalt  }
0x5b: {  	_ =	shalt  }
0x5c: {  	_ =	shalt  }
0x5d: {  	_ =	shalt  }
0x5e: {  	_ =	shalt  }
0x5f: {  	_ =	shalt  }
0x60: {  	_ =	shalt  }
0x61: {  	_ =	shalt  }
0x62: {  	_ =	shalt  }
0x63: {  	_ =	shalt  }
0x64: {  	_ =	shalt  }
0x65: {  	_ =	shalt  }
0x66: {  	_ =	shalt  }
0x67: {  	_ =	shalt  }
0x68: {  	_ =	shalt  }
0x69: {  	_ =	shalt  }
0x6a: {  	_ =	shalt  }
0x6b: {  	_ =	shalt  }
0x6c: {  	_ =	shalt  }
0x6d: {  	_ =	shalt  }
0x6e: {  	_ =	shalt  }
0x6f: {  	_ =	shalt  }
0x70: {  	_ =	shalt  }
0x71: {  	_ =	shalt  }
0x72: {  	_ =	shalt  }
0x73: {  	_ =	shalt  }
0x74: {  	_ =	shalt  }
0x75: {  	_ =	shalt  }
0x76: {  	_ =	shalt  }
0x77: {  	_ =	shalt  }
0x78: {  	_ =	shalt  }
0x79: {  	_ =	shalt  }
0x7a: {  	_ =	shalt  }
0x7b: {  	_ =	shalt  }
0x7c: {  	_ =	shalt  }
0x7d: {  	_ =	shalt  }
0x7e: {  	_ =	shalt  }
0x7f: {  	_ =	shalt  }
0x80: {  	_ =	shalt  }
0x81: {  	_ =	shalt  }
0x82: {  	_ =	shalt  }
0x83: {  	_ =	shalt  }
0x84: {  	_ =	shalt  }
0x85: {  	_ =	shalt  }
0x86: {  	_ =	shalt  }
0x87: {  	_ =	shalt  }
.Lfunc_end0:
.L_simem_size_0:
called_computation_lowered:
.L_overlay_start_0:
0x88: {  	s2 =	sld [smem:$0x3FD9]  }
0x89: {  	s3 =	sld [smem:$0x3FFE];
	_ =	sdelay $0x1  }
0x8a: {  	s1 =	srdreg.scid  }
0x8b: {  	s0 =	sand.u32 $0x1, s1  }
0x8c: {  	s17 =	sshll.u32 s0, $0xA;
	s2 =	sadd.s32 s3, s2  }
0x8d: {  	s2 =	sadd.s32 s2, s17  }
0x8e: {  	[smem:$0x3FBA] =	sst s2  }
0x8f: {  	_ = 	snop  }
0x90: {  	s2 =	sld [smem:$0x3FD0];
	(tm) =	ssettm $0x1  }
0x91: {  	s18 =	sld [smem:$0x3FFB];
	_ =	sdelay $0x3  }
0x92: {  	_ =	strace s18  }
0x93: {  	s3 =	sld [smem:$0x3FFC];
	_ =	sdelay $0x3  }
0x94: {  	_ =	strace s3  }
0x95: {  	s3 =	sld [smem:$0x3FFD];
	_ =	sdelay $0x3  }
0x96: {  	_ =	strace s3  }
0x97: {  	_ =	strace $0x8FFFFFFF  }
0x98: {  	s19 =	sld [smem:$0x3FDB];
	_ =	sdelay $0x1  }
0x99: {  	s4 =	simm.s32 $_scs_section_size  }
0x9a: {  	s5 =	simm.s32 $_size__tile_overlayer_lowered;
	s6 =	simm.s32 $_tile_overlayer_lowered  }
0x9b: {  	s22 =	simm.s32 $0x1BFF;
	s21 =	sshll.u32 s6, $0x1;
	s3 =	sadd.s32 s4, s19  }
0x9c: {  	s7 =	simm.s32 $0x0;
	s20 =	sshll.u32 s5, $0x1;
	s5 =	sadd.s32 s21, s3  }
0x9d: {  	[timem:s7], [sflag:s22] =	dma.local [hbm:s5], s20  }
0x9e: {  	_ =	swait.ge [sflag:s22], s20  }
0x9f: {  	s4 =	ssub.s32 $0x0, s20;
	[sflag:s22] =	ssyncset.done $0x0  }
0xa0: {  	[sflag:s22] =	ssyncadd.s32 s4;
	_ =	sdelay $0x1  }
0xa1: {  	s23 =	simm.s32 $0x1B8B  }
0xa2: {  	_ =	swait.ge [sflag:s23], $0x1  }
0xa3: {  	[sflag:s23] =	ssyncset.done $0x0  }
0xa4: {  	s25 =	simm.s32 $0x1B8E;
	s24 =	sld [smem:$0x3FFE];
	[sflag:s23] =	ssyncadd.s32 $0xFFFFFFFF  }
0xa5: {  	s26 =	simm.s32 $execute0_lowered;
	[smem:$0x3FD2] =	sst s25  }
0xa6: {  	s5 =	sshll.u32 s26, $0x1;
	_ =	strace $0x80000046;
	[dreg:$0x1] =	wrdreg $0xFFFFFFFF  }
0xa7: {  	s28 =	simm.s32 $_size_execute0_lowered;
	s3 =	sadd.s32 s3, s5;
	[dreg:$0x0] =	wrdreg $0x0  }
0xa8: {  	s5 =	sshll.u32 s28, $0x1;
	[dreg:$0x2] =	wrdreg s3  }
0xa9: {  	[dreg:$0x3] =	wrdreg s5  }
0xaa: {  	[dreg:$0x4] =	wrdreg $0xC0  }
0xab: {  	_ =	task [dreg:s7], $0x5FFFF  }
0xac: {  	[dreg:$0x1] =	wrdreg $0xFFFFFFFF  }
0xad: {  	[dreg:$0x0] =	wrdreg $0x60  }
0xae: {  	[dreg:$0x2] =	wrdreg s24  }
0xaf: {  	[dreg:$0x3] =	wrdreg s2  }
0xb0: {  	[dreg:$0x4] =	wrdreg $0x93000  }
0xb1: {  	[dreg:$0x5] =	wrdreg $0x9  }
0xb2: {  	_ =	task.clear_ibuf [dreg:s7], $0x6FFFF;
	_ =	strace $0x90000046  }
0xb3: {  	s29 =	simm.s32 $0x9;
	_ =	strace $0x80000048  }
0xb4: {  	_ =	swait.ge [sflag:s29], $0x1  }
0xb5: {  	[sflag:s29] =	ssyncadd.s32 $0xFFFFFFFF  }
0xb6: {  	_ =	strace $0x90000048  }
0xb7: {  	_ =	sfence  }
0xb8: {  	s30 =	sld [smem:$0x0];
	_ =	sdelay $0x2  }
0xb9: {  	s31 =	sshll.u32 s1, $0xD;
	s1 =	sshrl.u32 s1, $0x2  }
0xba: {  	s3 =	sand.u32 $0x4000, s31;
	s1 =	sadd.s32 s1, s30  }
0xbb: {  	s0 =	sor.u32 s3, s0;
	s1 =	sshll.u32 s1, $0x11  }
0xbc: {  	s0 =	sor.u32 s1, s0  }
0xbd: {  	s0 =	sadd.s32 $0x8F2B, s0  }
0xbe: {  	[sflag:s0] =	ssyncadd.remote.s32 $0x1  }
0xbf: {  	_ =	sfence.sel $0xFFFF  }
0xc0: {  	[dreg:$0x0] =	wrdreg $0xFFFFFFFF;
	(pc) =	sbr.abs _section_cstart, $3  }
0xc1: {  	[dreg:$0x1] =	wrdreg $0xFFFFFFFF  }
0xc2: {  	_ =	task.clear_ibuf [dreg:s7], $0x2FFFF;
	_ =	strace $0x9FFFFFFF  }
0xc3: {  	(tm) =	ssettm $0x7FFFFFFF  }
tec
execute0_lowered:
.L_overlay_start_1:
0x0: {  	(tag) =	ssettag $0x1  }
0x1: {  	s0 =	rddreg [dreg:$0x0]  }
0x2: {  	s1 =	rddreg [dreg:$0x1]  }
0x3: {  	s2 =	rddreg [dreg:$0x2];
	s3 =	simm.s32 $0x0  }
0x4: {  	s4 =	srdreg.scid;
	s17 =	stileid.u32;
	s30 =	simm.s32 $0x4  }
0x5: {  	s31 =	simm.s32 $0x2;
	[smem:$0x7FF] =	sst s3;
	s5 =	sadd.s32 $0x1200, s0  }
0x6: {  	s6 =	sadd.s32 $0x59200, s0;
	s7 =	sadd.s32 $0x77200, s0;
	s8 =	sadd.s32 $0x63400, s0  }
0x7: {  	s4 =	sand.u32 $0x1, s4;
	s24 =	smul.u32 $0x16380, s17;
	s9 =	sadd.s32 $0x2D200, s0  }
0x8: {  	s10 =	sadd.s32 $0x5E200, s0;
	s11 =	sadd.s32 $0x6D400, s0;
	s12 =	sadd.s32 $0x63600, s0  }
0x9: {  	s14 =	sadd.s32 $0x63200, s0;
	s25 =	sadd.s32 $0x81000, s0;
	s26 =	sshll.u32 s17, $0x1  }
0xa: {  	s17 =	sshll.u32 s17, $0x6;
	_ =	strace $0x80000047;
	[dreg:$0x4] =	wrdreg s8  }
0xb: {  	s13 =	smul.u32 $0x163800, s4;
	[dreg:$0x5] =	wrdreg s14;
	s15 =	sor.u32 s4, s26  }
0xc: {  	[dreg:$0x6] =	wrdreg s25;
	s16 =	ssub.s32 $0x2, s4;
	s18 =	smul.u32 $0xA, s15  }
0xd: {  	s17 =	sor.u32 $0x1C04, s17;
	s28 =	sshrl.u32 s16, $0x1;
	s8 =	sadd.s32 s24, s2  }
0xe: {  	s29 =	smul.u32 $0x50, s15;
	[dreg:$0x7] =	wrdreg s8;
	s20 =	sadd.s32 s7, s18  }
0xf: {  	s13 =	sadd.s32 s24, s13;
	s21 =	sadd.s32 s1, s18;
	[dreg:$0x8] =	wrdreg s20  }
0x10: {  	s4 =	ssub.s32 s16, s28;
	s23 =	sadd.s32 s11, s18;
	[dreg:$0x9] =	wrdreg s21  }
0x11: {  	s19 =	sshrl.u32 s29, $0x3;
	s24 =	sadd.s32 s12, s18;
	[dreg:$0xb] =	wrdreg s23  }
0x12: {  	s29 =	smax.u32 s4, $0x1;
	s8 =	sadd.s32 $0x140, s19;
	[dreg:$0xc] =	wrdreg s24  }
0x13: {  	s16 =	simm.s32 $0x3;
	[dreg:$0x12] =	wrdreg s29;
	s22 =	sadd.s32 s7, s8  }
0x14: {  	s13 =	sshrl.u32 s13, $0x3;
	s25 =	sadd.s32 s1, s8;
	[dreg:$0xa] =	wrdreg s22  }
0x15: {  	s4 =	simm.s32 $0x50;
	s26 =	sadd.s32 s11, s8;
	[dreg:$0xd] =	wrdreg s25  }
0x16: {  	s0 =	sadd.s32 s13, s0;
	s8 =	sadd.s32 s12, s8;
	[dreg:$0xe] =	wrdreg s26  }
0x17: {  	s18 =	simm.s32 $0x0;
	s28 =	sadd.s32 $0x83E00, s0;
	[dreg:$0xf] =	wrdreg s8  }
0x18: {  	s13 =	simm.s32 $0x1;
	s0 =	sadd.s32 $0xDCC00, s0;
	[dreg:$0x10] =	wrdreg s28  }
0x19: {  	[dreg:$0x11] =	wrdreg s0;
	s0 =	simm.s32 $0xF0;
	s8 =	simm.s32 $0x65E0  }
.LBB2_1:
0x1a: {  	s14 =	rddreg [dreg:$0x7]  }
0x1b: {  	s20 =	rddreg [dreg:$0x6];
	s19 =	sshrl.u32 s14, $0x3  }
0x1c: {  	[spmem:s19], [sflag:s17] =	dma.local [hbm:s20], $0x2C70  }
0x1d: {  	_ =	swait.ge [sflag:s30], $0x2C70  }
0x1e: {  	[sflag:s30] =	ssyncset.done $0x0  }
0x1f: {  	s20 =	simm.s32 $0x92E0;
	s21 =	rddreg [dreg:$0x4];
	[sflag:s30] =	ssyncadd.s32 $0xFFFFD390  }
0x20: {  	[tilespmem:s20], [sflag:$0x4] =	stream.linear.gather [hbm4b:s21+s3], $0x20, $0x38;
	[tilespmem:$0x1F680] =	vst v63  }
0x21: {  	_ =	swait.ge [sflag:s30], $0x20  }
0x22: {  	[sflag:s30] =	ssyncset.done $0x0  }
0x23: {  	[sflag:s30] =	ssyncadd.s32 $0xFFFFFFE0  }
0x24: {  	v0 =	vld [tilespmem:$0x92E0]  }
0x25: {  	v1 =	vld [tilespmem:$0x92F0];
	[bflag:$0x0] =	sbarrier.arrive $0xFFFF  }
0x26: {  	s22 =	rddreg [dreg:$0x8]  }
0x27: {  	[tilespmem:s3], [sflag:$0x1] =	stream.linear.gather [hbm4b:s22+s3], $0x50, $0x38;
	[tilespmem:$0x1F680] =	vst v63  }
0x28: {  	s23 =	rddreg [dreg:$0x9]  }
0x29: {  	[tilespmem:s0], [sflag:$0x1] =	stream.linear.gather [hbm4b:s23+s3], $0x50, $0x38;
	[tilespmem:$0x1F680] =	vst v63  }
0x2a: {  	s24 =	rddreg [dreg:$0xa]  }
0x2b: {  	[tilespmem:s4], [sflag:$0x1] =	stream.linear.gather [hbm4b:s24+s3], $0x50, $0x38;
	[tilespmem:$0x1F680] =	vst v63  }
0x2c: {  	s26 =	simm.s32 $0x140;
	s25 =	rddreg [dreg:$0xd]  }
0x2d: {  	[tilespmem:s26], [sflag:$0x1] =	stream.linear.gather [hbm4b:s25+s3], $0x50, $0x38;
	[tilespmem:$0x1F680] =	vst v63  }
0x2e: {  	_ =	swait.ge [sflag:s13], $0x50  }
0x2f: {  	[sflag:s13] =	ssyncset.done $0x0  }
0x30: {  	[sflag:s13] =	ssyncadd.s32 $0xFFFFFFB0  }
0x31: {  	_ =	swait.ge [sflag:s13], $0x50  }
0x32: {  	v0 =	vadd.f32 v1, v0;
	[sflag:s13] =	ssyncset.done $0x0  }
0x33: {  	s28 =	simm.s32 $0x1E0;
	[sflag:s13] =	ssyncadd.s32 $0xFFFFFFB0  }
0x34: {  	v1 =	vmul.f32 $2.000000030e-01, v0;
	[tilespmem:s28], [sflag:$0x2] =	stream.indirect.gather [hbm4b:s5+s4], $0x90, s3, s4, $0xb8;
	[tilespmem:$0x1F680] =	vst v63  }
0x35: {  	s29 =	simm.s32 $0x5BE0;
	s20 =	simm.s32 $0x0;
	vm0 =	vgt.f32 v0, $0.0e+00  }
0x36: {  	v0 =	vsel vm0, v0, v1;
	[tilespmem:s29], [sflag:$0x2] =	stream.indirect.gather [hbm4b:s6+s4], $0x10, s0, s4, $0xb8;
	[tilespmem:$0x1F680] =	vst v63  }
.LBB2_2:
0x37: {  	_ =	swait.ge [sflag:s31], $0x2D00;
	p0 =	sgt.u32 s20, $0x7A  }
.Ltmp0:
0x38: {  	[sflag:s31] =	ssyncset.done $0x0;
	(pc) =	sbr.rel @p0 .LBB2_4-.Ltmp0, $4  }
0x39: {  	[sflag:s31] =	ssyncadd.s32 $0xFFFFD300  }
0x3a: {  	_ =	swait.ge [sflag:s31], $0x500  }
0x3b: {  	[sflag:s31] =	ssyncset.done $0x0  }
0x3c: {  	s14 =	sand.u32 $0x1, s20;
	[sflag:s31] =	ssyncadd.s32 $0xFFFFFB00  }
0x3d: {  	s21 =	sadd.s32 $0x2, s20  }
0x3e: {  	s22 =	smul.u32 $0xAB, s21;
	_ =	sdelay $0x1  }
0x3f: {  	s22 =	sshrl.u32 s22, $0x9  }
0x40: {  	s22 =	sand.u32 $0x7F, s22  }
0x41: {  	s22 =	smul.u32 $0x3, s22;
	_ =	sdelay $0x1  }
0x42: {  	s22 =	ssub.s32 s21, s22;
	s21 =	sshll.u32 s21, $0x5  }
0x43: {  	s22 =	smul.u32 $0x50, s22;
	s21 =	sor.u32 s15, s21  }
0x44: {  	s21 =	smul.u32 $0xA, s21;
	_ =	sdelay $0x1  }
.Ltmp1:
0x45: {  	s22 =	sand.u32 $0xF0, s22;
	s23 =	sadd.s32 s7, s21;
	(pc) =	sbr.rel .LBB2_5-.Ltmp1, $4  }
0x46: {  	[tilespmem:s22], [sflag:$0x1] =	stream.linear.gather [hbm4b:s23+s3], $0x50, $0x38;
	[tilespmem:$0x1F680] =	vst v63  }
0x47: {  	s21 =	sadd.s32 s1, s21;
	s22 =	sadd.s32 $0xF0, s22  }
0x48: {  	[tilespmem:s22], [sflag:$0x1] =	stream.linear.gather [hbm4b:s21+s3], $0x50, $0x38;
	[tilespmem:$0x1F680] =	vst v63  }
0x49: {  	s21 =	sadd.s32 $0x1, s20  }
.LBB2_4:
0x4a: {  	p0 =	seq.s32 s20, $0x7C  }
.Ltmp2:
0x4b: {  	_ = 	snop;
	(pc) =	sbr.rel @p0 .LBB2_6-.Ltmp2, $2  }
0x4c: {  	_ =	sdelay $0x2  }
0x4d: {  	s21 =	simm.s32 $0x7C;
	s22 =	simm.s32 $0x7D  }
.LBB2_5:
0x4e: {  	s22 =	smul.u32 $0xAB, s21;
	_ =	sdelay $0x1  }
0x4f: {  	s22 =	sshrl.u32 s22, $0x9  }
0x50: {  	s22 =	sand.u32 $0x7F, s22  }
0x51: {  	_ =	swait.ge [sflag:s13], $0x50;
	s23 =	sxor.u32 $0x1, s14;
	s22 =	smul.u32 $0x3, s22  }
0x52: {  	p0 =	seq.s32 s20, $0x0;
	[sflag:s13] =	ssyncset.done $0x0;
	s24 =	smul.u32 $0xB400, s23  }
0x53: {  	s23 =	smul.u32 $0x1400, s23;
	[sflag:s13] =	ssyncadd.s32 $0xFFFFFFB0;
	s22 =	ssub.s32 s21, s22  }
0x54: {  	_ =	swait.ge [sflag:s13], $0x50;
	s24 =	sshrl.u32 s24, $0x2;
	s22 =	smul.u32 $0x50, s22  }
0x55: {  	s23 =	sshrl.u32 s23, $0x2;
	[sflag:s13] =	ssyncset.done $0x0;
	s24 =	sadd.s32 $0x1E0, s24  }
.Ltmp3:
0x56: {  	[sflag:s13] =	ssyncadd.s32 $0xFFFFFFB0;
	s22 =	sand.u32 $0xF0, s22;
	(pc) =	sbr.rel @p0 .LBB2_7-.Ltmp3, $4  }
0x57: {  	[tilespmem:s24], [sflag:$0x2] =	stream.indirect.gather [hbm4b:s5+s4], $0x90, s22, s4, $0xb8;
	[tilespmem:$0x1F680] =	vst v63  }
0x58: {  	s23 =	sadd.s32 $0x5BE0, s23;
	s22 =	sadd.s32 $0xF0, s22  }
0x59: {  	[tilespmem:s23], [sflag:$0x2] =	stream.indirect.gather [hbm4b:s6+s4], $0x10, s22, s4, $0xb8;
	[tilespmem:$0x1F680] =	vst v63  }
0x5a: {  	s22 =	smov.u32 s21  }
.LBB2_6:
0x5b: {  	_ =	swait.ge [sflag:s16], $0x2D00  }
0x5c: {  	[sflag:s16] =	ssyncset.done $0x0  }
0x5d: {  	s21 =	smov.u32 s22;
	[sflag:s16] =	ssyncadd.s32 $0xFFFFD300  }
.LBB2_7:
0x5e: {  	s22 =	smul.u32 $0x1400, s14  }
0x5f: {  	s26 =	smul.u32 $0xB400, s14  }
0x60: {  	s22 =	sshrl.u32 s22, $0x2  }
0x61: {  	s14 =	sshrl.u32 s26, $0x2;
	s22 =	sadd.s32 $0x5C00, s22  }
0x62: {  	s26 =	sadd.s32 $0x300, s14;
	v1 =	vld [tilespmem:s22+$0x10]  }
0x63: {  	v2 =	vld [tilespmem:s26+$0x110];
	_ =	sdelay $0x4  }
0x64: {  	v1 =	vadd.f32 v1, v2;
	_ =	sdelay $0x1  }
0x65: {  	v2 =	vmul.f32 $2.000000030e-01, v1  }
0x66: {  	vm0 =	vgt.f32 v1, $0.0e+00  }
0x67: {  	v1 =	vsel vm0, v1, v2  }
0x68: {  	v1 =	vsub.f32 v1, v0  }
0x69: {  	v3 =	vld [tilespmem:s26+$0xFFFFFFF0]  }
0x6a: {  	v2 =	vld [tilespmem:s22+$0xFFFFFFF0];
	v1 =	vmul.f32 $1.442695020e+00, v1;
	_ =	sdelay $0x1  }
0x6b: {  	v4 =	vld [tilespmem:s26+$0xFFFFFF60];
	(erf) = vpow2.f32 v1  }
0x6c: {  	v5 =	vld [tilespmem:s26+$0x80]  }
0x6d: {  	v1 =	vld [tilespmem:s22+$0x0]  }
0x6e: {  	v6 =	vld [tilespmem:s22+$0xFFFFFFE0];
	v2 =	vadd.f32 v2, v3;
	_ =	sdelay $0x1  }
0x6f: {  	v3 =	vmul.f32 $2.000000030e-01, v2;
	_ =	sdelay $0x1  }
0x70: {  	vm0 =	vgt.f32 v2, $0.0e+00;
	v1 =	vadd.f32 v1, v5  }
0x71: {  	v4 =	vadd.f32 v6, v4;
	v2 =	vsel vm0, v2, v3  }
0x72: {  	s25 =	simm.s32 $0x6700;
	v2 =	vsub.f32 v2, v0;
	v5 =	vmul.f32 $2.000000030e-01, v1;
	v3 =	vpop (erf)  }
0x73: {  	v6 =	vmul.f32 $2.000000030e-01, v4;
	vm0 =	vgt.f32 v1, $0.0e+00;
	[tilespmem:s25+$0x110] =	vst v3  }
0x74: {  	v2 =	vmul.f32 $1.442695020e+00, v2;
	v1 =	vsel vm0, v1, v5;
	vm0 =	vgt.f32 v4, $0.0e+00;
	v5 =	vld [tilespmem:s26+$0x90]  }
0x75: {  	v1 =	vsub.f32 v1, v0;
	v4 =	vsel vm0, v4, v6  }
0x76: {  	(erf) = vpow2.f32 v2;
	v2 =	vsub.f32 v4, v0  }
0x77: {  	v4 =	vbroadcast v3, $0x0;
	v1 =	vmul.f32 $1.442695020e+00, v1  }
0x78: {  	v2 =	vmul.f32 $1.442695020e+00, v2  }
0x79: {  	(erf) = vpow2.f32 v1;
	v4 =	vmul.f32 v4, v5  }
0x7a: {  	(erf) = vpow2.f32 v2  }
0x7b: {  	[tilespmem:s25+$0x90] =	vst v4  }
0x7c: {  	v1 =	vld [tilespmem:s26+$0xA0]  }
0x7d: {  	s14 =	sadd.s32 $0x40, s22  }
0x7e: {  	s22 =	sadd.s32 $0x240, s26;
	v2 =	vld [tilespmem:s14+$0x10]  }
0x7f: {  	v5 =	vbroadcast v3, $0x1;
	v4 =	vld [tilespmem:s22+$0x110];
	v12 =	vpop (erf)  }
0x80: {  	[tilespmem:s25+$0xFFFFFFF0] =	vst v12  }
0x81: {  	v6 =	vld [tilespmem:s26+$0xFFFFFF70];
	v1 =	vmul.f32 v5, v1  }
0x82: {  	v8 =	vpop (erf)  }
0x83: {  	v13 =	vpop (erf);
	[tilespmem:s25+$0xA0] =	vst v1  }
0x84: {  	[tilespmem:s25+$0xFFFFFF60] =	vst v13;
	v1 =	vadd.f32 v2, v4;
	v2 =	vbroadcast v12, $0x0;
	v4 =	vld [tilespmem:s26+$0xB0]  }
0x85: {  	[tilespmem:s25+$0x80] =	vst v8;
	v9 =	vld [tilespmem:s26+$0xFFFFFEE0]  }
0x86: {  	v7 =	vmul.f32 $2.000000030e-01, v1;
	v2 =	vmul.f32 v2, v6;
	v6 =	vld [tilespmem:s26+$0x0]  }
0x87: {  	v11 =	vbroadcast v3, $0x2;
	vm0 =	vgt.f32 v1, $0.0e+00  }
0x88: {  	v1 =	vsel vm0, v1, v7;
	[tilespmem:s25+$0xFFFFFF70] =	vst v2;
	v2 =	vbroadcast v13, $0x0  }
0x89: {  	v15 =	vbroadcast v8, $0x0;
	v1 =	vsub.f32 v1, v0;
	v7 =	vld [tilespmem:s26+$0xFFFFFF80];
	v4 =	vmul.f32 v11, v4  }
0x8a: {  	v14 =	vld [tilespmem:s14+$0x0];
	v2 =	vmul.f32 v2, v9  }
0x8b: {  	v11 =	vld [tilespmem:s22+$0x80];
	v1 =	vmul.f32 $1.442695020e+00, v1;
	v6 =	vmul.f32 v15, v6;
	[tilespmem:s25+$0xB0] =	vst v4  }
0x8c: {  	v9 =	vld [tilespmem:s14+$0xFFFFFFF0];
	v4 =	vbroadcast v12, $0x1;
	[tilespmem:s25+$0xFFFFFEE0] =	vst v2  }
0x8d: {  	(erf) = vpow2.f32 v1;
	[tilespmem:s25+$0x0] =	vst v6;
	v1 =	vld [tilespmem:s26+$0xFFFFFEF0]  }
0x8e: {  	v2 =	vmul.f32 v4, v7;
	v4 =	vld [tilespmem:s26+$0x10]  }
0x8f: {  	v6 =	vld [tilespmem:s22+$0xFFFFFFF0]  }
0x90: {  	v10 =	vld [tilespmem:s14+$0xFFFFFFE0];
	[tilespmem:s25+$0xFFFFFF80] =	vst v2  }
0x91: {  	v17 =	vbroadcast v8, $0x1;
	v2 =	vbroadcast v13, $0x1;
	v7 =	vld [tilespmem:s26+$0xFFFFFF90]  }
0x92: {  	v5 =	vld [tilespmem:s22+$0xFFFFFF60]  }
0x93: {  	v1 =	vmul.f32 v2, v1;
	v2 =	vmul.f32 v17, v4;
	v4 =	vadd.f32 v14, v11  }
0x94: {  	v15 =	vld [tilespmem:s26+$0xC0];
	v6 =	vadd.f32 v9, v6;
	v11 =	vbroadcast v12, $0x2  }
0x95: {  	v18 =	vbroadcast v3, $0x3;
	[tilespmem:s25+$0x10] =	vst v2;
	v2 =	vmul.f32 $2.000000030e-01, v4  }
0x96: {  	[tilespmem:s25+$0xFFFFFEF0] =	vst v1;
	v17 =	vmul.f32 $2.000000030e-01, v6;
	vm0 =	vgt.f32 v4, $0.0e+00;
	v7 =	vmul.f32 v11, v7;
	v11 =	vld [tilespmem:s26+$0x20]  }
0x97: {  	s23 =	simm.s32 $0x6940;
	v5 =	vadd.f32 v10, v5;
	v9 =	vld [tilespmem:s26+$0xFFFFFF00];
	v1 =	vpop (erf);
	v2 =	vsel vm0, v4, v2;
	vm0 =	vgt.f32 v6, $0.0e+00  }
0x98: {  	v16 =	vbroadcast v8, $0x2;
	[tilespmem:s23+$0x110] =	vst v1;
	v6 =	vsel vm0, v6, v17  }
0x99: {  	v15 =	vmul.f32 v15, v18;
	v18 =	vmul.f32 $2.000000030e-01, v5;
	v4 =	vld [tilespmem:s22+$0x90];
	v6 =	vsub.f32 v6, v0  }
0x9a: {  	v14 =	vbroadcast v13, $0x2;
	[tilespmem:s25+$0xFFFFFF90] =	vst v7;
	v2 =	vsub.f32 v2, v0;
	v17 =	vbroadcast v1, $0x0  }
0x9b: {  	vm1 =	vgt.f32 v5, $0.0e+00;
	[tilespmem:s25+$0xC0] =	vst v15;
	v7 =	vld [tilespmem:s26+$0xFFFFFFA0];
	v6 =	vmul.f32 $1.442695020e+00, v6;
	v11 =	vmul.f32 v16, v11  }
0x9c: {  	s29 =	sadd.s32 $0x40, s14;
	v5 =	vsel vm1, v5, v18;
	v18 =	vld [tilespmem:s26+$0xD0];
	v2 =	vmul.f32 $1.442695020e+00, v2;
	v9 =	vmul.f32 v14, v9  }
0x9d: {  	v19 =	vld [tilespmem:s29+$0x10];
	v10 =	vbroadcast v12, $0x3;
	(erf) = vpow2.f32 v6;
	[tilespmem:s25+$0x20] =	vst v11  }
0x9e: {  	v5 =	vsub.f32 v5, v0;
	[tilespmem:s25+$0xFFFFFF00] =	vst v9;
	v4 =	vmul.f32 v17, v4;
	(erf) = vpow2.f32 v2;
	v2 =	vld [tilespmem:s26+$0x30]  }
0x9f: {  	s24 =	sadd.s32 $0x240, s22;
	v9 =	vbroadcast v3, $0x4;
	v6 =	vld [tilespmem:s26+$0xFFFFFF10]  }
0xa0: {  	v20 =	vld [tilespmem:s24+$0x110];
	v5 =	vmul.f32 $1.442695020e+00, v5;
	v7 =	vmul.f32 v7, v10;
	[tilespmem:s23+$0x90] =	vst v4  }
0xa1: {  	v16 =	vmul.f32 v18, v9;
	v9 =	vbroadcast v8, $0x3;
	v4 =	vld [tilespmem:s22+$0xA0]  }
0xa2: {  	v15 =	vld [tilespmem:s29+$0xFFFFFFE0];
	(erf) = vpow2.f32 v5;
	[tilespmem:s25+$0xFFFFFFA0] =	vst v7;
	v7 =	vbroadcast v13, $0x3  }
0xa3: {  	v10 =	vld [tilespmem:s26+$0xFFFFFFB0];
	v2 =	vmul.f32 v2, v9  }
0xa4: {  	v14 =	vld [tilespmem:s24+$0xFFFFFF60];
	v11 =	vbroadcast v1, $0x1;
	v6 =	vmul.f32 v6, v7  }
0xa5: {  	v21 =	vbroadcast v3, $0x6;
	v17 =	vld [tilespmem:s29+$0x0];
	[tilespmem:s25+$0xD0] =	vst v16  }
0xa6: {  	v31 =	vld [tilespmem:s26+$0xE0];
	v7 =	vbroadcast v12, $0x4;
	[tilespmem:s25+$0xFFFFFF10] =	vst v6;
	v4 =	vmul.f32 v11, v4  }
0xa7: {  	v24 =	vbroadcast v3, $0x5;
	v28 =	vbroadcast v12, $0x5;
	v22 =	vld [tilespmem:s26+$0xFFFFFF20];
	[tilespmem:s25+$0x30] =	vst v2;
	v2 =	vpop (erf)  }
0xa8: {  	v27 =	vbroadcast v8, $0x6;
	v10 =	vmul.f32 v10, v7;
	v23 =	vld [tilespmem:s26+$0x40];
	[tilespmem:s23+$0xFFFFFFF0] =	vst v2  }
0xa9: {  	v30 =	vbroadcast v8, $0x4;
	v5 =	vbroadcast v3, $0x7;
	v16 =	vadd.f32 v19, v20;
	[tilespmem:s23+$0xA0] =	vst v4;
	v26 =	vld [tilespmem:s22+$0xFFFFFF70]  }
0xaa: {  	v19 =	vbroadcast v1, $0x2;
	v20 =	vbroadcast v13, $0x4;
	v25 =	vld [tilespmem:s22+$0xB0];
	[tilespmem:s25+$0xFFFFFFB0] =	vst v10;
	v4 =	vpop (erf)  }
0xab: {  	v58 =	vmul.f32 $2.000000030e-01, v16;
	v6 =	vbroadcast v13, $0x7;
	v29 =	vld [tilespmem:s26+$0xFFFFFFC0];
	v3 =	vpop (erf);
	[tilespmem:s23+$0x80] =	vst v4  }
0xac: {  	v32 =	vbroadcast v2, $0x0;
	v20 =	vmul.f32 v22, v20;
	[tilespmem:s23+$0xFFFFFF60] =	vst v3;
	v33 =	vld [tilespmem:s22+$0x0]  }
0xad: {  	vm0 =	vgt.f32 v16, $0.0e+00;
	v11 =	vbroadcast v12, $0x7;
	v23 =	vmul.f32 v23, v30;
	v34 =	vld [tilespmem:s22+$0xFFFFFEE0]  }
0xae: {  	v18 =	vld [tilespmem:s24+$0x80];
	v16 =	vsel vm0, v16, v58;
	v7 =	vbroadcast v8, $0x7;
	[tilespmem:s25+$0xFFFFFF20] =	vst v20;
	v26 =	vmul.f32 v32, v26  }
0xaf: {  	v16 =	vsub.f32 v16, v0;
	v22 =	vld [tilespmem:s29+$0xFFFFFFF0];
	v59 =	vbroadcast v4, $0x0;
	[tilespmem:s25+$0x40] =	vst v23;
	v19 =	vmul.f32 v19, v25  }
0xb0: {  	v23 =	vbroadcast v3, $0x0;
	v25 =	vld [tilespmem:s26+$0xFFFFFF30];
	[tilespmem:s23+$0xFFFFFF70] =	vst v26;
	v26 =	vmul.f32 v29, v28  }
0xb1: {  	v16 =	vmul.f32 $1.442695020e+00, v16;
	v20 =	vld [tilespmem:s26+$0x50];
	[tilespmem:s23+$0xB0] =	vst v19;
	v29 =	vmul.f32 v59, v33  }
0xb2: {  	v24 =	vmul.f32 v31, v24;
	v28 =	vld [tilespmem:s22+$0xFFFFFF80];
	v23 =	vmul.f32 v23, v34;
	[tilespmem:s25+$0xFFFFFFC0] =	vst v26  }
0xb3: {  	v8 =	vbroadcast v8, $0x5;
	(erf) = vpow2.f32 v16;
	[tilespmem:s23+$0x0] =	vst v29;
	v26 =	vld [tilespmem:s26+$0xFFFFFFD0]  }
0xb4: {  	v19 =	vbroadcast v13, $0x6;
	v13 =	vbroadcast v13, $0x5;
	[tilespmem:s23+$0xFFFFFEE0] =	vst v23;
	v16 =	vld [tilespmem:s22+$0x10]  }
0xb5: {  	v29 =	vbroadcast v12, $0x6;
	v12 =	vbroadcast v2, $0x1;
	v23 =	vld [tilespmem:s22+$0xFFFFFEF0]  }
0xb6: {  	v63 =	vadd.f32 v17, v18;
	[tilespmem:s25+$0xE0] =	vst v24;
	v18 =	vbroadcast v2, $0x3;
	v60 =	vld [tilespmem:s22+$0xC0];
	v13 =	vmul.f32 v25, v13  }
0xb7: {  	v61 =	vbroadcast v4, $0x1;
	v25 =	vld [tilespmem:s26+$0xF0];
	v24 =	vmul.f32 v12, v28  }
0xb8: {  	v8 =	vmul.f32 v20, v8;
	[tilespmem:s25+$0xFFFFFF30] =	vst v13;
	v13 =	vbroadcast v3, $0x1;
	v28 =	vld [tilespmem:s24+$0xFFFFFFF0]  }
0xb9: {  	[tilespmem:s23+$0xFFFFFF80] =	vst v24;
	v24 =	vld [tilespmem:s26+$0xFFFFFF40];
	v20 =	vmul.f32 v26, v29;
	v16 =	vmul.f32 v61, v16  }
0xba: {  	[tilespmem:s25+$0x50] =	vst v8;
	v29 =	vbroadcast v1, $0x3;
	v26 =	vld [tilespmem:s22+$0xFFFFFF90];
	v8 =	vmul.f32 v13, v23  }
0xbb: {  	v9 =	vbroadcast v4, $0x2;
	v10 =	vbroadcast v3, $0x2;
	v62 =	vld [tilespmem:s26+$0x60];
	[tilespmem:s25+$0xFFFFFFD0] =	vst v20  }
0xbc: {  	v12 =	vbroadcast v1, $0x4;
	[tilespmem:s23+$0x10] =	vst v16;
	v17 =	vmul.f32 v60, v29;
	v23 =	vld [tilespmem:s26+$0xFFFFFFE0]  }
0xbd: {  	v14 =	vadd.f32 v15, v14;
	v21 =	vmul.f32 v25, v21;
	v25 =	vbroadcast v2, $0x2;
	[tilespmem:s23+$0xFFFFFEF0] =	vst v8;
	v20 =	vld [tilespmem:s22+$0x20]  }
0xbe: {  	s28 =	simm.s32 $0x6B80;
	v16 =	vadd.f32 v22, v28;
	v28 =	vmul.f32 $2.000000030e-01, v63;
	v22 =	vld [tilespmem:s22+$0xFFFFFF00];
	[tilespmem:s23+$0xC0] =	vst v17;
	v8 =	vpop (erf);
	v19 =	vmul.f32 v24, v19  }
0xbf: {  	vm0 =	vgt.f32 v63, $0.0e+00;
	v13 =	vbroadcast v3, $0x3;
	v17 =	vld [tilespmem:s22+$0xD0];
	[tilespmem:s28+$0x110] =	vst v8;
	v29 =	vmul.f32 v25, v26  }
0xc0: {  	v15 =	vsel vm0, v63, v28;
	v26 =	vmul.f32 $2.000000030e-01, v16;
	v25 =	vmul.f32 v62, v27;
	v24 =	vld [tilespmem:s24+$0x90];
	[tilespmem:s25+$0xFFFFFF40] =	vst v19  }
0xc1: {  	s14 =	simm.s32 $0x8;
	vm0 =	vgt.f32 v16, $0.0e+00;
	v27 =	vmul.f32 $2.000000030e-01, v14;
	v15 =	vsub.f32 v15, v0;
	[tilespmem:s23+$0xFFFFFF90] =	vst v29;
	v19 =	vld [tilespmem:s26+$0xFFFFFF50]  }
.LBB2_8:
0xc2: {  	s14 =	sadd.s32 $0x4, s14;
	vm1 =	vgt.f32 v14, $0.0e+00;
	v16 =	vsel vm0, v16, v26;
	v26 =	vld [tilespmem:s22+$0xFFFFFFA0];
	v11 =	vmul.f32 v23, v11;
	[tilespmem:s25+$0x60] =	vst v25  }
0xc3: {  	v23 =	vbroadcast v8, $0x0;
	p0 =	slt.u32 s14, $0x4C;
	v14 =	vsel vm1, v14, v27;
	v16 =	vsub.f32 v16, v0;
	v25 =	vld [tilespmem:s26+$0x70];
	[tilespmem:s25+$0xF0] =	vst v21  }
0xc4: {  	v27 =	vmul.f32 $1.442695020e+00, v15;
	v10 =	vmul.f32 v10, v22;
	v21 =	vsub.f32 v14, v0;
	[tilespmem:s25+$0xFFFFFFE0] =	vst v11;
	v11 =	vld [tilespmem:s26+$0x100];
	s26 =	smov.u32 s22;
	s22 =	smov.u32 s24;
	s24 =	sadd.s32 $0x240, s24  }
0xc5: {  	s29 =	sadd.s32 $0x40, s29;
	v9 =	vmul.f32 v9, v20;
	v14 =	vld [tilespmem:s24+$0xFFFFFF60];
	v16 =	vmul.f32 $1.442695020e+00, v16  }
0xc6: {  	v15 =	vld [tilespmem:s29+$0xFFFFFFE0];
	v20 =	vmul.f32 $1.442695020e+00, v21;
	v21 =	vmul.f32 v23, v24;
	[tilespmem:s23+$0xFFFFFF00] =	vst v10  }
0xc7: {  	(erf) = vpow2.f32 v16;
	v10 =	vld [tilespmem:s26+$0xFFFFFF10];
	v16 =	vmul.f32 v26, v18;
	[tilespmem:s23+$0x20] =	vst v9  }
0xc8: {  	[tilespmem:s28+$0x90] =	vst v21;
	(erf) = vpow2.f32 v27;
	v9 =	vld [tilespmem:s26+$0x30];
	v7 =	vmul.f32 v25, v7  }
0xc9: {  	v18 =	vld [tilespmem:s22+$0xA0];
	(erf) = vpow2.f32 v20;
	[tilespmem:s23+$0xFFFFFFA0] =	vst v16;
	v11 =	vmul.f32 v11, v5  }
0xca: {  	v12 =	vmul.f32 v17, v12;
	v6 =	vmul.f32 v19, v6;
	v20 =	vld [tilespmem:s26+$0xFFFFFFB0];
	[tilespmem:s25+$0x70] =	vst v7  }
0xcb: {  	v5 =	vbroadcast v1, $0x7;
	v7 =	vbroadcast v4, $0x3;
	v16 =	vld [tilespmem:s29+$0x0];
	[tilespmem:s25+$0x100] =	vst v11  }
0xcc: {  	v11 =	vbroadcast v8, $0x1;
	v17 =	vld [tilespmem:s24+$0x80];
	v10 =	vmul.f32 v10, v13;
	[tilespmem:s25+$0xFFFFFF50] =	vst v6;
	s25 =	smov.u32 s23;
	s23 =	smov.u32 s28  }
0xcd: {  	v23 =	vbroadcast v2, $0x4;
	v13 =	vld [tilespmem:s29+$0x10];
	v7 =	vmul.f32 v9, v7  }
0xce: {  	v21 =	vld [tilespmem:s24+$0x110];
	v9 =	vmul.f32 v11, v18;
	[tilespmem:s25+$0xFFFFFF10] =	vst v10;
	v18 =	vbroadcast v1, $0x6  }
0xcf: {  	v6 =	vbroadcast v3, $0x7;
	v22 =	vld [tilespmem:s26+$0xFFFFFF20];
	v10 =	vmul.f32 v20, v23;
	[tilespmem:s25+$0x30] =	vst v7  }
0xd0: {  	v7 =	vbroadcast v4, $0x7;
	v23 =	vbroadcast v1, $0x5;
	v1 =	vmov v8;
	[tilespmem:s28+$0xA0] =	vst v9;
	v19 =	vpop (erf);
	v20 =	vld [tilespmem:s26+$0x40]  }
0xd1: {  	v25 =	vbroadcast v4, $0x6;
	v11 =	vbroadcast v2, $0x7;
	[tilespmem:s28+$0xFFFFFFF0] =	vst v19;
	v8 =	vld [tilespmem:s22+$0xB0];
	v24 =	vpop (erf)  }
0xd2: {  	v28 =	vbroadcast v2, $0x5;
	v26 =	vld [tilespmem:s22+$0xFFFFFF70];
	v9 =	vbroadcast v24, $0x2;
	v27 =	vpop (erf);
	[tilespmem:s25+$0xFFFFFFB0] =	vst v10  }
0xd3: {  	v30 =	vbroadcast v4, $0x4;
	v10 =	vbroadcast v27, $0x2;
	v29 =	vld [tilespmem:s26+$0xFFFFFFC0];
	[tilespmem:s25+$0xD0] =	vst v12  }
0xd4: {  	v12 =	vadd.f32 v13, v21;
	v13 =	vbroadcast v1, $0x2;
	v21 =	vbroadcast v3, $0x4;
	[tilespmem:s28+$0x80] =	vst v24;
	v31 =	vld [tilespmem:s26+$0xE0]  }
0xd5: {  	v32 =	vbroadcast v19, $0x0;
	[tilespmem:s28+$0xFFFFFF60] =	vst v27;
	v33 =	vld [tilespmem:s22+$0x0];
	v20 =	vmul.f32 v20, v30  }
0xd6: {  	vm0 =	vgt.f32 v12, $0.0e+00;
	v30 =	vmul.f32 $2.000000030e-01, v12;
	v21 =	vmul.f32 v22, v21;
	v34 =	vld [tilespmem:s22+$0xFFFFFEE0]  }
0xd7: {  	v22 =	vld [tilespmem:s29+$0xFFFFFFF0];
	v26 =	vmul.f32 v32, v26;
	v32 =	vbroadcast v24, $0x0;
	[tilespmem:s25+$0x40] =	vst v20  }
0xd8: {  	v8 =	vmul.f32 v13, v8;
	v12 =	vsel vm0, v12, v30;
	v20 =	vbroadcast v27, $0x0;
	[tilespmem:s25+$0xFFFFFF20] =	vst v21;
	v13 =	vld [tilespmem:s26+$0x50]  }
0xd9: {  	v12 =	vsub.f32 v12, v0;
	[tilespmem:s28+$0xFFFFFF70] =	vst v26;
	v21 =	vld [tilespmem:s26+$0xFFFFFF30];
	v26 =	vmul.f32 v29, v28;
	v23 =	vmul.f32 v31, v23  }
0xda: {  	v30 =	vbroadcast v3, $0x6;
	v28 =	vld [tilespmem:s22+$0xFFFFFF80];
	v29 =	vmul.f32 v32, v33;
	[tilespmem:s28+$0xB0] =	vst v8  }
0xdb: {  	v8 =	vmul.f32 $1.442695020e+00, v12;
	v12 =	vmul.f32 v20, v34;
	v20 =	vld [tilespmem:s22+$0xC0];
	[tilespmem:s25+$0xFFFFFFC0] =	vst v26  }
0xdc: {  	v31 =	vbroadcast v2, $0x6;
	v2 =	vmovc v19;
	v26 =	vbroadcast v3, $0x5;
	v3 =	vmov v27;
	[tilespmem:s28+$0x0] =	vst v29;
	v29 =	vld [tilespmem:s26+$0xFFFFFFD0]  }
0xdd: {  	(erf) = vpow2.f32 v8;
	[tilespmem:s28+$0xFFFFFEE0] =	vst v12;
	v8 =	vbroadcast v2, $0x1;
	v19 =	vld [tilespmem:s22+$0x10]  }
0xde: {  	v27 =	vld [tilespmem:s22+$0xFFFFFEF0];
	v21 =	vmul.f32 v21, v26;
	v26 =	vbroadcast v4, $0x5;
	[tilespmem:s25+$0xE0] =	vst v23;
	v4 =	vmov v24  }
0xdf: {  	v12 =	vbroadcast v1, $0x4;
	v8 =	vmul.f32 v8, v28;
	v24 =	vld [tilespmem:s26+$0xF0]  }
0xe0: {  	v23 =	vbroadcast v4, $0x1;
	v28 =	vld [tilespmem:s24+$0xFFFFFFF0];
	[tilespmem:s25+$0xFFFFFF30] =	vst v21;
	v13 =	vmul.f32 v13, v26  }
0xe1: {  	v21 =	vbroadcast v3, $0x1;
	[tilespmem:s28+$0xFFFFFF80] =	vst v8;
	v26 =	vld [tilespmem:s26+$0xFFFFFF40];
	v8 =	vmul.f32 v29, v31  }
0xe2: {  	v29 =	vld [tilespmem:s22+$0xFFFFFF90];
	v19 =	vmul.f32 v23, v19;
	v23 =	vbroadcast v1, $0x3;
	[tilespmem:s25+$0x50] =	vst v13  }
0xe3: {  	v13 =	vbroadcast v3, $0x3;
	v27 =	vmul.f32 v21, v27;
	[tilespmem:s25+$0xFFFFFFD0] =	vst v8;
	v31 =	vld [tilespmem:s26+$0x60]  }
0xe4: {  	v32 =	vadd.f32 v16, v17;
	[tilespmem:s28+$0x10] =	vst v19;
	v17 =	vmul.f32 v20, v23;
	v23 =	vld [tilespmem:s26+$0xFFFFFFE0];
	v21 =	vmul.f32 v24, v18  }
.Ltmp4:
0xe5: {  	v19 =	vbroadcast v2, $0x2;
	v18 =	vbroadcast v2, $0x3;
	[tilespmem:s28+$0xFFFFFEF0] =	vst v27;
	v20 =	vld [tilespmem:s22+$0x20];
	(pc) =	sbr.rel @p0 .LBB2_8-.Ltmp4, $4  }
0xe6: {  	v24 =	vmul.f32 $2.000000030e-01, v32;
	v16 =	vadd.f32 v22, v28;
	s28 =	sadd.s32 $0x240, s28;
	v8 =	vpop (erf);
	v22 =	vld [tilespmem:s22+$0xFFFFFF00];
	[tilespmem:s23+$0xC0] =	vst v17;
	v27 =	vmul.f32 v26, v30  }
0xe7: {  	v14 =	vadd.f32 v15, v14;
	vm0 =	vgt.f32 v32, $0.0e+00;
	[tilespmem:s28+$0x110] =	vst v8;
	v19 =	vmul.f32 v19, v29;
	v17 =	vld [tilespmem:s22+$0xD0]  }
0xe8: {  	v15 =	vsel vm0, v32, v24;
	v26 =	vmul.f32 $2.000000030e-01, v16;
	v24 =	vld [tilespmem:s24+$0x90];
	[tilespmem:s25+$0xFFFFFF40] =	vst v27;
	v25 =	vmul.f32 v31, v25  }
0xe9: {  	vm0 =	vgt.f32 v16, $0.0e+00;
	v15 =	vsub.f32 v15, v0;
	v27 =	vmul.f32 $2.000000030e-01, v14;
	[tilespmem:s23+$0xFFFFFF90] =	vst v19;
	v19 =	vld [tilespmem:s26+$0xFFFFFF50]  }
0xea: {  	v16 =	vsel vm0, v16, v26  }
0xeb: {  	v16 =	vsub.f32 v16, v0  }
0xec: {  	vm15 =	vgt.f32 v14, $0.0e+00  }
0xed: {  	v14 =	vsel vm15, v14, v27;
	v16 =	vmul.f32 $1.442695020e+00, v16  }
0xee: {  	v15 =	vmul.f32 $1.442695020e+00, v15;
	v14 =	vsub.f32 v14, v0  }
0xef: {  	(erf) = vpow2.f32 v16  }
0xf0: {  	v14 =	vmul.f32 $1.442695020e+00, v14;
	(erf) = vpow2.f32 v15;
	_ =	sdelay $0x1  }
0xf1: {  	(erf) = vpow2.f32 v14;
	_ =	sdelay $0x5  }
0xf2: {  	v16 =	vpop (erf)  }
0xf3: {  	[tilespmem:s28+$0xFFFFFFF0] =	vst v16;
	v15 =	vpop (erf)  }
0xf4: {  	v54 =	vld [tilespmem:s24+$0xFFFFFF70];
	[tilespmem:s28+$0x80] =	vst v15  }
0xf5: {  	v14 =	vpop (erf);
	v55 =	vld [tilespmem:s24+$0x0]  }
0xf6: {  	[tilespmem:s28+$0xFFFFFF60] =	vst v14  }
0xf7: {  	v28 =	vbroadcast v16, $0x0;
	v29 =	vld [tilespmem:s24+$0xFFFFFEE0]  }
0xf8: {  	v30 =	vbroadcast v15, $0x0  }
0xf9: {  	v56 =	vbroadcast v8, $0x0;
	v26 =	vmul.f32 v28, v54  }
0xfa: {  	v57 =	vbroadcast v14, $0x0;
	v27 =	vmul.f32 v30, v55  }
0xfb: {  	v24 =	vmul.f32 v56, v24;
	[tilespmem:s28+$0xFFFFFF70] =	vst v26  }
0xfc: {  	v58 =	vmul.f32 v57, v29;
	v26 =	vld [tilespmem:s24+$0xFFFFFF80];
	[tilespmem:s28+$0x0] =	vst v27  }
0xfd: {  	[tilespmem:s28+$0x90] =	vst v24;
	v59 =	vld [tilespmem:s24+$0x10]  }
0xfe: {  	v60 =	vld [tilespmem:s24+$0xA0];
	[tilespmem:s28+$0xFFFFFEE0] =	vst v58  }
0xff: {  	v61 =	vbroadcast v16, $0x1;
	v62 =	vld [tilespmem:s24+$0xFFFFFEF0]  }
0x100: {  	v11 =	vmul.f32 v23, v11;
	[tilespmem:s25+$0x60] =	vst v25;
	v63 =	vbroadcast v15, $0x1  }
0x101: {  	[tilespmem:s25+$0xF0] =	vst v21;
	v30 =	vbroadcast v8, $0x1;
	v31 =	vmul.f32 v61, v26  }
0x102: {  	[tilespmem:s25+$0xFFFFFFE0] =	vst v11;
	v33 =	vbroadcast v14, $0x1;
	v23 =	vmul.f32 v63, v59  }
0x103: {  	v34 =	vld [tilespmem:s26+$0x70];
	v21 =	vmul.f32 v30, v60;
	[tilespmem:s28+$0xFFFFFF80] =	vst v31  }
0x104: {  	v11 =	vmul.f32 v33, v62;
	v25 =	vld [tilespmem:s24+$0xFFFFFF90];
	[tilespmem:s28+$0x10] =	vst v23  }
0x105: {  	v9 =	vmul.f32 v9, v20;
	[tilespmem:s28+$0xA0] =	vst v21;
	v35 =	vld [tilespmem:s24+$0x20]  }
0x106: {  	v10 =	vmul.f32 v10, v22;
	v36 =	vld [tilespmem:s24+$0xB0];
	[tilespmem:s28+$0xFFFFFEF0] =	vst v11  }
0x107: {  	[tilespmem:s23+$0x20] =	vst v9;
	v6 =	vmul.f32 v19, v6;
	v38 =	vbroadcast v16, $0x2;
	v39 =	vld [tilespmem:s24+$0xFFFFFF00]  }
0x108: {  	v32 =	vld [tilespmem:s22+$0xFFFFFFA0];
	[tilespmem:s23+$0xFFFFFF00] =	vst v10;
	v7 =	vmul.f32 v34, v7;
	v41 =	vbroadcast v15, $0x2  }
0x109: {  	v43 =	vbroadcast v8, $0x2;
	v45 =	vld [tilespmem:s22+$0xFFFFFF10];
	[tilespmem:s25+$0xFFFFFF50] =	vst v6;
	v11 =	vmul.f32 v38, v25  }
0x10a: {  	v40 =	vld [tilespmem:s26+$0x100];
	[tilespmem:s25+$0x70] =	vst v7;
	v44 =	vbroadcast v14, $0x2;
	v9 =	vmul.f32 v41, v35  }
0x10b: {  	v42 =	vld [tilespmem:s22+$0x30];
	v10 =	vmul.f32 v43, v36;
	[tilespmem:s28+$0xFFFFFF90] =	vst v11  }
0x10c: {  	v7 =	vmul.f32 v44, v39;
	v47 =	vld [tilespmem:s24+$0xFFFFFFA0];
	[tilespmem:s28+$0x20] =	vst v9  }
0x10d: {  	v37 =	vmul.f32 v32, v18;
	[tilespmem:s28+$0xB0] =	vst v10;
	v9 =	vld [tilespmem:s24+$0x30]  }
0x10e: {  	v46 =	vbroadcast v4, $0x3;
	v13 =	vmul.f32 v45, v13;
	v49 =	vld [tilespmem:s24+$0xC0];
	[tilespmem:s28+$0xFFFFFF00] =	vst v7  }
0x10f: {  	v5 =	vmul.f32 v40, v5;
	[tilespmem:s23+$0xFFFFFFA0] =	vst v37;
	v50 =	vbroadcast v16, $0x3;
	v7 =	vld [tilespmem:s24+$0xFFFFFF10]  }
0x110: {  	v48 =	vmul.f32 v42, v46;
	v51 =	vld [tilespmem:s22+$0xFFFFFFB0];
	[tilespmem:s23+$0xFFFFFF10] =	vst v13;
	v52 =	vbroadcast v15, $0x3  }
0x111: {  	[tilespmem:s25+$0x100] =	vst v5;
	v54 =	vbroadcast v8, $0x3;
	v57 =	vld [tilespmem:s22+$0xFFFFFF20];
	v5 =	vmul.f32 v47, v50  }
0x112: {  	[tilespmem:s23+$0x30] =	vst v48;
	v55 =	vbroadcast v14, $0x3;
	v9 =	vmul.f32 v9, v52  }
0x113: {  	v56 =	vbroadcast v2, $0x4;
	v53 =	vld [tilespmem:s22+$0x40];
	v11 =	vmul.f32 v49, v54;
	[tilespmem:s28+$0xFFFFFFA0] =	vst v5  }
0x114: {  	v62 =	vbroadcast v3, $0x4;
	v7 =	vmul.f32 v7, v55;
	v59 =	vld [tilespmem:s24+$0xFFFFFFB0];
	[tilespmem:s28+$0x30] =	vst v9  }
0x115: {  	v60 =	vmul.f32 v51, v56;
	[tilespmem:s28+$0xC0] =	vst v11;
	v61 =	vld [tilespmem:s24+$0x40]  }
0x116: {  	v58 =	vbroadcast v4, $0x4;
	v11 =	vmul.f32 v57, v62;
	v63 =	vld [tilespmem:s24+$0xD0];
	[tilespmem:s28+$0xFFFFFF10] =	vst v7  }
0x117: {  	v18 =	vmul.f32 v17, v12;
	[tilespmem:s23+$0xFFFFFFB0] =	vst v60;
	v21 =	vbroadcast v16, $0x4;
	v22 =	vld [tilespmem:s24+$0xFFFFFF20]  }
0x118: {  	v24 =	vbroadcast v15, $0x4;
	v23 =	vld [tilespmem:s22+$0xFFFFFFC0];
	[tilespmem:s23+$0xFFFFFF20] =	vst v11;
	v5 =	vmul.f32 v53, v58  }
0x119: {  	[tilespmem:s23+$0xD0] =	vst v18;
	v26 =	vbroadcast v8, $0x4;
	v30 =	vld [tilespmem:s22+$0xFFFFFF30];
	v9 =	vmul.f32 v59, v21  }
0x11a: {  	v28 =	vbroadcast v14, $0x4;
	v27 =	vld [tilespmem:s22+$0xE0];
	[tilespmem:s23+$0x40] =	vst v5;
	v5 =	vmul.f32 v61, v24  }
0x11b: {  	v29 =	vbroadcast v2, $0x5;
	v6 =	vmul.f32 v63, v26;
	v25 =	vld [tilespmem:s22+$0x50];
	[tilespmem:s28+$0xFFFFFFB0] =	vst v9  }
0x11c: {  	v35 =	vbroadcast v3, $0x5;
	v11 =	vmul.f32 v22, v28;
	v32 =	vld [tilespmem:s24+$0xFFFFFFC0];
	[tilespmem:s28+$0x40] =	vst v5  }
0x11d: {  	v33 =	vbroadcast v1, $0x5;
	v10 =	vmul.f32 v23, v29;
	[tilespmem:s28+$0xD0] =	vst v6;
	v34 =	vld [tilespmem:s24+$0x50]  }
0x11e: {  	v31 =	vbroadcast v4, $0x5;
	v12 =	vmul.f32 v30, v35;
	v36 =	vld [tilespmem:s24+$0xE0];
	[tilespmem:s28+$0xFFFFFF20] =	vst v11  }
0x11f: {  	v37 =	vbroadcast v16, $0x5;
	[tilespmem:s23+$0xFFFFFFC0] =	vst v10;
	v5 =	vmul.f32 v27, v33;
	v11 =	vld [tilespmem:s24+$0xFFFFFF30]  }
0x120: {  	v39 =	vbroadcast v15, $0x5;
	v38 =	vld [tilespmem:s22+$0xFFFFFFD0];
	[tilespmem:s23+$0xFFFFFF30] =	vst v12;
	v7 =	vmul.f32 v25, v31  }
0x121: {  	v41 =	vbroadcast v8, $0x5;
	v45 =	vld [tilespmem:s22+$0xFFFFFF40];
	[tilespmem:s23+$0xE0] =	vst v5;
	v10 =	vmul.f32 v32, v37  }
0x122: {  	v43 =	vbroadcast v14, $0x5;
	[tilespmem:s23+$0x50] =	vst v7;
	v42 =	vld [tilespmem:s22+$0xF0];
	v6 =	vmul.f32 v34, v39  }
0x123: {  	v44 =	vbroadcast v2, $0x6;
	v9 =	vmul.f32 v36, v41;
	v40 =	vld [tilespmem:s22+$0x60];
	[tilespmem:s28+$0xFFFFFFC0] =	vst v10  }
0x124: {  	v50 =	vbroadcast v3, $0x6;
	v11 =	vmul.f32 v11, v43;
	v47 =	vld [tilespmem:s24+$0xFFFFFFD0];
	[tilespmem:s28+$0x50] =	vst v6  }
0x125: {  	v48 =	vbroadcast v1, $0x6;
	v7 =	vmul.f32 v38, v44;
	[tilespmem:s28+$0xE0] =	vst v9;
	v49 =	vld [tilespmem:s24+$0x60]  }
0x126: {  	v46 =	vbroadcast v4, $0x6;
	v12 =	vmul.f32 v45, v50;
	v51 =	vld [tilespmem:s24+$0xF0];
	[tilespmem:s28+$0xFFFFFF30] =	vst v11  }
0x127: {  	v52 =	vbroadcast v16, $0x6;
	[tilespmem:s23+$0xFFFFFFD0] =	vst v7;
	v6 =	vmul.f32 v42, v48;
	v11 =	vld [tilespmem:s24+$0xFFFFFF40]  }
0x128: {  	v54 =	vbroadcast v15, $0x6;
	v53 =	vld [tilespmem:s22+$0xFFFFFFE0];
	[tilespmem:s23+$0xFFFFFF40] =	vst v12;
	v5 =	vmul.f32 v40, v46  }
0x129: {  	v56 =	vbroadcast v8, $0x6;
	v59 =	vld [tilespmem:s22+$0xFFFFFF50];
	[tilespmem:s23+$0xF0] =	vst v6;
	v7 =	vmul.f32 v47, v52  }
0x12a: {  	s14 =	smul.u32 $0xAB, s20;
	v58 =	vbroadcast v14, $0x6;
	[tilespmem:s23+$0x60] =	vst v5;
	v57 =	vld [tilespmem:s22+$0x100];
	v5 =	vmul.f32 v49, v54  }
0x12b: {  	v2 =	vbroadcast v2, $0x7;
	v55 =	vld [tilespmem:s22+$0x70];
	v6 =	vmul.f32 v51, v56;
	[tilespmem:s28+$0xFFFFFFD0] =	vst v7  }
0x12c: {  	s14 =	sshrl.u32 s14, $0x9;
	v3 =	vbroadcast v3, $0x7;
	v61 =	vmul.f32 v11, v58;
	v7 =	vld [tilespmem:s24+$0xFFFFFFE0];
	[tilespmem:s28+$0x60] =	vst v5  }
0x12d: {  	s14 =	sand.u32 $0x7F, s14;
	v1 =	vbroadcast v1, $0x7;
	v2 =	vmul.f32 v53, v2;
	[tilespmem:s28+$0xF0] =	vst v6;
	v5 =	vld [tilespmem:s24+$0x70]  }
0x12e: {  	s14 =	smul.u32 $0x3, s14;
	v60 =	vbroadcast v4, $0x7;
	v3 =	vmul.f32 v59, v3;
	v6 =	vld [tilespmem:s24+$0x100];
	[tilespmem:s28+$0xFFFFFF40] =	vst v61  }
0x12f: {  	[tilespmem:s23+$0xFFFFFFE0] =	vst v2;
	v2 =	vbroadcast v16, $0x7;
	v1 =	vmul.f32 v57, v1;
	v10 =	vld [tilespmem:s24+$0xFFFFFF50]  }
0x130: {  	s14 =	ssub.s32 s20, s14;
	v62 =	vbroadcast v15, $0x7;
	[tilespmem:s23+$0xFFFFFF50] =	vst v3;
	v4 =	vmul.f32 v55, v60  }
0x131: {  	s14 =	sand.u32 $0xFF, s14;
	v63 =	vbroadcast v8, $0x7;
	[tilespmem:s23+$0x100] =	vst v1;
	v1 =	vmul.f32 v7, v2  }
0x132: {  	p0 =	slt.u32 s21, $0x7D;
	s14 =	smul.u32 $0x140, s14;
	[tilespmem:s23+$0x70] =	vst v4;
	v2 =	vbroadcast v14, $0x7;
	v3 =	vmul.f32 v5, v62  }
.Ltmp5:
0x133: {  	[tilespmem:s28+$0xFFFFFFE0] =	vst v1;
	v1 =	vmul.f32 v6, v63;
	(pc) =	sbr.rel @p0 .LBB2_2-.Ltmp5, $4  }
0x134: {  	v2 =	vmul.f32 v10, v2;
	[tilespmem:s28+$0x70] =	vst v3  }
0x135: {  	s14 =	sshrl.u32 s14, $0x2;
	[tilespmem:s28+$0x100] =	vst v1  }
0x136: {  	s20 =	smov.u32 s21;
	s14 =	sadd.s32 $0xF0, s14;
	[tilespmem:s28+$0xFFFFFF50] =	vst v2  }
0x137: {  	[spmem:s2] =	stream.indirect.scatter.add.f32 [tilespmem:s8], [sflag:$0x3], $0x90, s14, s4, $0xb8;
	[tilespmem:$0x1F680] =	vst v63  }
0x138: {  	_ =	swait.ge [sflag:s16], $0x2D00  }
0x139: {  	[sflag:s16] =	ssyncset.done $0x0  }
0x13a: {  	[sflag:s16] =	ssyncadd.s32 $0xFFFFD300  }
0x13b: {  	[bflag:$0x0] =	sbarrier.arrive $0xFFFF  }
0x13c: {  	s14 =	rddreg [dreg:$0x10]  }
0x13d: {  	[hbm:s14], [sflag:s17] =	dma.local [spmem:s19], $0x2C70  }
0x13e: {  	_ =	swait.ge [sflag:s30], $0x2C70  }
0x13f: {  	[sflag:s30] =	ssyncset.done $0x0  }
0x140: {  	[sflag:s30] =	ssyncadd.s32 $0xFFFFD390  }
0x141: {  	[bflag:$0x0] =	sbarrier.arrive $0xFFFF  }
0x142: {  	s28 =	rddreg [dreg:$0x6]  }
0x143: {  	[spmem:s19], [sflag:s17] =	dma.local [hbm:s28], $0x2C70  }
0x144: {  	_ =	swait.ge [sflag:s30], $0x2C70  }
0x145: {  	s20 =	simm.s32 $0x0;
	[sflag:s30] =	ssyncset.done $0x0  }
0x146: {  	s21 =	simm.s32 $0x92E0;
	s29 =	rddreg [dreg:$0x5];
	[sflag:s30] =	ssyncadd.s32 $0xFFFFD390  }
0x147: {  	[tilespmem:s21], [sflag:$0x4] =	stream.linear.gather [hbm4b:s29+s20], $0x20, $0x38;
	[tilespmem:$0x1F680] =	vst v63  }
0x148: {  	_ =	swait.ge [sflag:s30], $0x20  }
0x149: {  	[sflag:s30] =	ssyncset.done $0x0  }
0x14a: {  	[sflag:s30] =	ssyncadd.s32 $0xFFFFFFE0  }
0x14b: {  	v0 =	vld [tilespmem:$0x92E0]  }
0x14c: {  	v1 =	vld [tilespmem:$0x92F0];
	[bflag:$0x0] =	sbarrier.arrive $0xFFFF  }
0x14d: {  	s22 =	rddreg [dreg:$0xb]  }
0x14e: {  	[tilespmem:s20], [sflag:$0x1] =	stream.linear.gather [hbm4b:s22+s20], $0x50, $0x38;
	[tilespmem:$0x1F680] =	vst v63  }
0x14f: {  	s23 =	rddreg [dreg:$0xc]  }
0x150: {  	[tilespmem:s0], [sflag:$0x1] =	stream.linear.gather [hbm4b:s23+s20], $0x50, $0x38;
	[tilespmem:$0x1F680] =	vst v63  }
0x151: {  	s24 =	rddreg [dreg:$0xe]  }
0x152: {  	[tilespmem:s4], [sflag:$0x1] =	stream.linear.gather [hbm4b:s24+s20], $0x50, $0x38;
	[tilespmem:$0x1F680] =	vst v63  }
0x153: {  	s26 =	simm.s32 $0x140;
	s25 =	rddreg [dreg:$0xf]  }
0x154: {  	[tilespmem:s26], [sflag:$0x1] =	stream.linear.gather [hbm4b:s25+s20], $0x50, $0x38;
	[tilespmem:$0x1F680] =	vst v63  }
0x155: {  	_ =	swait.ge [sflag:s13], $0x50  }
0x156: {  	[sflag:s13] =	ssyncset.done $0x0  }
0x157: {  	[sflag:s13] =	ssyncadd.s32 $0xFFFFFFB0  }
0x158: {  	_ =	swait.ge [sflag:s13], $0x50  }
0x159: {  	v0 =	vadd.f32 v1, v0;
	[sflag:s13] =	ssyncset.done $0x0  }
0x15a: {  	s28 =	simm.s32 $0x1E0;
	[sflag:s13] =	ssyncadd.s32 $0xFFFFFFB0  }
0x15b: {  	v1 =	vmul.f32 $2.000000030e-01, v0;
	[tilespmem:s28], [sflag:$0x2] =	stream.indirect.gather [hbm4b:s9+s4], $0x90, s20, s4, $0xb8;
	[tilespmem:$0x1F680] =	vst v63  }
0x15c: {  	s29 =	simm.s32 $0x5BE0;
	vm0 =	vgt.f32 v0, $0.0e+00  }
0x15d: {  	v0 =	vsel vm0, v0, v1;
	[tilespmem:s29], [sflag:$0x2] =	stream.indirect.gather [hbm4b:s10+s4], $0x10, s0, s4, $0xb8;
	[tilespmem:$0x1F680] =	vst v63  }
.LBB2_11:
0x15e: {  	_ =	swait.ge [sflag:s31], $0x2D00;
	p0 =	sgt.u32 s20, $0x7A  }
.Ltmp6:
0x15f: {  	[sflag:s31] =	ssyncset.done $0x0;
	(pc) =	sbr.rel @p0 .LBB2_13-.Ltmp6, $4  }
0x160: {  	[sflag:s31] =	ssyncadd.s32 $0xFFFFD300  }
0x161: {  	_ =	swait.ge [sflag:s31], $0x500  }
0x162: {  	[sflag:s31] =	ssyncset.done $0x0  }
0x163: {  	s14 =	sand.u32 $0x1, s20;
	[sflag:s31] =	ssyncadd.s32 $0xFFFFFB00  }
0x164: {  	s21 =	sadd.s32 $0x2, s20  }
0x165: {  	s22 =	smul.u32 $0xAB, s21;
	_ =	sdelay $0x1  }
0x166: {  	s22 =	sshrl.u32 s22, $0x9  }
0x167: {  	s22 =	sand.u32 $0x7F, s22  }
0x168: {  	s22 =	smul.u32 $0x3, s22;
	_ =	sdelay $0x1  }
0x169: {  	s22 =	ssub.s32 s21, s22;
	s21 =	sshll.u32 s21, $0x5  }
0x16a: {  	s22 =	smul.u32 $0x50, s22;
	s21 =	sor.u32 s15, s21  }
0x16b: {  	s21 =	smul.u32 $0xA, s21;
	_ =	sdelay $0x1  }
.Ltmp7:
0x16c: {  	s22 =	sand.u32 $0xF0, s22;
	s23 =	sadd.s32 s11, s21;
	(pc) =	sbr.rel .LBB2_14-.Ltmp7, $4  }
0x16d: {  	[tilespmem:s22], [sflag:$0x1] =	stream.linear.gather [hbm4b:s23+s3], $0x50, $0x38;
	[tilespmem:$0x1F680] =	vst v63  }
0x16e: {  	s21 =	sadd.s32 s12, s21;
	s22 =	sadd.s32 $0xF0, s22  }
0x16f: {  	[tilespmem:s22], [sflag:$0x1] =	stream.linear.gather [hbm4b:s21+s3], $0x50, $0x38;
	[tilespmem:$0x1F680] =	vst v63  }
0x170: {  	s21 =	sadd.s32 $0x1, s20  }
.LBB2_13:
0x171: {  	p0 =	seq.s32 s20, $0x7C  }
.Ltmp8:
0x172: {  	_ = 	snop;
	(pc) =	sbr.rel @p0 .LBB2_15-.Ltmp8, $2  }
0x173: {  	_ =	sdelay $0x2  }
0x174: {  	s21 =	simm.s32 $0x7C;
	s22 =	simm.s32 $0x7D  }
.LBB2_14:
0x175: {  	s22 =	smul.u32 $0xAB, s21;
	_ =	sdelay $0x1  }
0x176: {  	s22 =	sshrl.u32 s22, $0x9  }
0x177: {  	s22 =	sand.u32 $0x7F, s22  }
0x178: {  	_ =	swait.ge [sflag:s13], $0x50;
	s23 =	sxor.u32 $0x1, s14;
	s22 =	smul.u32 $0x3, s22  }
0x179: {  	p0 =	seq.s32 s20, $0x0;
	[sflag:s13] =	ssyncset.done $0x0;
	s24 =	smul.u32 $0xB400, s23  }
0x17a: {  	s23 =	smul.u32 $0x1400, s23;
	[sflag:s13] =	ssyncadd.s32 $0xFFFFFFB0;
	s22 =	ssub.s32 s21, s22  }
0x17b: {  	_ =	swait.ge [sflag:s13], $0x50;
	s24 =	sshrl.u32 s24, $0x2;
	s22 =	smul.u32 $0x50, s22  }
0x17c: {  	s23 =	sshrl.u32 s23, $0x2;
	[sflag:s13] =	ssyncset.done $0x0;
	s24 =	sadd.s32 $0x1E0, s24  }
.Ltmp9:
0x17d: {  	[sflag:s13] =	ssyncadd.s32 $0xFFFFFFB0;
	s22 =	sand.u32 $0xF0, s22;
	(pc) =	sbr.rel @p0 .LBB2_16-.Ltmp9, $4  }
0x17e: {  	[tilespmem:s24], [sflag:$0x2] =	stream.indirect.gather [hbm4b:s9+s4], $0x90, s22, s4, $0xb8;
	[tilespmem:$0x1F680] =	vst v63  }
0x17f: {  	s23 =	sadd.s32 $0x5BE0, s23;
	s22 =	sadd.s32 $0xF0, s22  }
0x180: {  	[tilespmem:s23], [sflag:$0x2] =	stream.indirect.gather [hbm4b:s10+s4], $0x10, s22, s4, $0xb8;
	[tilespmem:$0x1F680] =	vst v63  }
0x181: {  	s22 =	smov.u32 s21  }
.LBB2_15:
0x182: {  	_ =	swait.ge [sflag:s16], $0x2D00  }
0x183: {  	[sflag:s16] =	ssyncset.done $0x0  }
0x184: {  	s21 =	smov.u32 s22;
	[sflag:s16] =	ssyncadd.s32 $0xFFFFD300  }
.LBB2_16:
0x185: {  	s22 =	smul.u32 $0x1400, s14  }
0x186: {  	s26 =	smul.u32 $0xB400, s14  }
0x187: {  	s22 =	sshrl.u32 s22, $0x2  }
0x188: {  	s14 =	sshrl.u32 s26, $0x2;
	s22 =	sadd.s32 $0x5C00, s22  }
0x189: {  	s26 =	sadd.s32 $0x300, s14;
	v1 =	vld [tilespmem:s22+$0x10]  }
0x18a: {  	v2 =	vld [tilespmem:s26+$0x110];
	_ =	sdelay $0x4  }
0x18b: {  	v1 =	vadd.f32 v1, v2;
	_ =	sdelay $0x1  }
0x18c: {  	v2 =	vmul.f32 $2.000000030e-01, v1  }
0x18d: {  	vm0 =	vgt.f32 v1, $0.0e+00  }
0x18e: {  	v1 =	vsel vm0, v1, v2  }
0x18f: {  	v1 =	vsub.f32 v1, v0  }
0x190: {  	v3 =	vld [tilespmem:s26+$0xFFFFFFF0]  }
0x191: {  	v2 =	vld [tilespmem:s22+$0xFFFFFFF0];
	v1 =	vmul.f32 $1.442695020e+00, v1;
	_ =	sdelay $0x1  }
0x192: {  	v4 =	vld [tilespmem:s26+$0xFFFFFF60];
	(erf) = vpow2.f32 v1  }
0x193: {  	v5 =	vld [tilespmem:s26+$0x80]  }
0x194: {  	v1 =	vld [tilespmem:s22+$0x0]  }
0x195: {  	v6 =	vld [tilespmem:s22+$0xFFFFFFE0];
	v2 =	vadd.f32 v2, v3;
	_ =	sdelay $0x1  }
0x196: {  	v3 =	vmul.f32 $2.000000030e-01, v2;
	_ =	sdelay $0x1  }
0x197: {  	vm0 =	vgt.f32 v2, $0.0e+00;
	v1 =	vadd.f32 v1, v5  }
0x198: {  	v4 =	vadd.f32 v6, v4;
	v2 =	vsel vm0, v2, v3  }
0x199: {  	s25 =	simm.s32 $0x6700;
	v2 =	vsub.f32 v2, v0;
	v5 =	vmul.f32 $2.000000030e-01, v1;
	v3 =	vpop (erf)  }
0x19a: {  	v6 =	vmul.f32 $2.000000030e-01, v4;
	vm0 =	vgt.f32 v1, $0.0e+00;
	[tilespmem:s25+$0x110] =	vst v3  }
0x19b: {  	v2 =	vmul.f32 $1.442695020e+00, v2;
	v1 =	vsel vm0, v1, v5;
	vm0 =	vgt.f32 v4, $0.0e+00;
	v5 =	vld [tilespmem:s26+$0x90]  }
0x19c: {  	v1 =	vsub.f32 v1, v0;
	v4 =	vsel vm0, v4, v6  }
0x19d: {  	(erf) = vpow2.f32 v2;
	v2 =	vsub.f32 v4, v0  }
0x19e: {  	v4 =	vbroadcast v3, $0x0;
	v1 =	vmul.f32 $1.442695020e+00, v1  }
0x19f: {  	v2 =	vmul.f32 $1.442695020e+00, v2  }
0x1a0: {  	(erf) = vpow2.f32 v1;
	v4 =	vmul.f32 v4, v5  }
0x1a1: {  	(erf) = vpow2.f32 v2  }
0x1a2: {  	[tilespmem:s25+$0x90] =	vst v4  }
0x1a3: {  	v1 =	vld [tilespmem:s26+$0xA0]  }
0x1a4: {  	s14 =	sadd.s32 $0x40, s22  }
0x1a5: {  	s22 =	sadd.s32 $0x240, s26;
	v2 =	vld [tilespmem:s14+$0x10]  }
0x1a6: {  	v5 =	vbroadcast v3, $0x1;
	v4 =	vld [tilespmem:s22+$0x110];
	v12 =	vpop (erf)  }
0x1a7: {  	[tilespmem:s25+$0xFFFFFFF0] =	vst v12  }
0x1a8: {  	v6 =	vld [tilespmem:s26+$0xFFFFFF70];
	v1 =	vmul.f32 v5, v1  }
0x1a9: {  	v8 =	vpop (erf)  }
0x1aa: {  	v13 =	vpop (erf);
	[tilespmem:s25+$0xA0] =	vst v1  }
0x1ab: {  	[tilespmem:s25+$0xFFFFFF60] =	vst v13;
	v1 =	vadd.f32 v2, v4;
	v2 =	vbroadcast v12, $0x0;
	v4 =	vld [tilespmem:s26+$0xB0]  }
0x1ac: {  	[tilespmem:s25+$0x80] =	vst v8;
	v9 =	vld [tilespmem:s26+$0xFFFFFEE0]  }
0x1ad: {  	v7 =	vmul.f32 $2.000000030e-01, v1;
	v2 =	vmul.f32 v2, v6;
	v6 =	vld [tilespmem:s26+$0x0]  }
0x1ae: {  	v11 =	vbroadcast v3, $0x2;
	vm0 =	vgt.f32 v1, $0.0e+00  }
0x1af: {  	v1 =	vsel vm0, v1, v7;
	[tilespmem:s25+$0xFFFFFF70] =	vst v2;
	v2 =	vbroadcast v13, $0x0  }
0x1b0: {  	v15 =	vbroadcast v8, $0x0;
	v1 =	vsub.f32 v1, v0;
	v7 =	vld [tilespmem:s26+$0xFFFFFF80];
	v4 =	vmul.f32 v11, v4  }
0x1b1: {  	v14 =	vld [tilespmem:s14+$0x0];
	v2 =	vmul.f32 v2, v9  }
0x1b2: {  	v11 =	vld [tilespmem:s22+$0x80];
	v1 =	vmul.f32 $1.442695020e+00, v1;
	v6 =	vmul.f32 v15, v6;
	[tilespmem:s25+$0xB0] =	vst v4  }
0x1b3: {  	v9 =	vld [tilespmem:s14+$0xFFFFFFF0];
	v4 =	vbroadcast v12, $0x1;
	[tilespmem:s25+$0xFFFFFEE0] =	vst v2  }
0x1b4: {  	(erf) = vpow2.f32 v1;
	[tilespmem:s25+$0x0] =	vst v6;
	v1 =	vld [tilespmem:s26+$0xFFFFFEF0]  }
0x1b5: {  	v2 =	vmul.f32 v4, v7;
	v4 =	vld [tilespmem:s26+$0x10]  }
0x1b6: {  	v6 =	vld [tilespmem:s22+$0xFFFFFFF0]  }
0x1b7: {  	v10 =	vld [tilespmem:s14+$0xFFFFFFE0];
	[tilespmem:s25+$0xFFFFFF80] =	vst v2  }
0x1b8: {  	v17 =	vbroadcast v8, $0x1;
	v2 =	vbroadcast v13, $0x1;
	v7 =	vld [tilespmem:s26+$0xFFFFFF90]  }
0x1b9: {  	v5 =	vld [tilespmem:s22+$0xFFFFFF60]  }
0x1ba: {  	v1 =	vmul.f32 v2, v1;
	v2 =	vmul.f32 v17, v4;
	v4 =	vadd.f32 v14, v11  }
0x1bb: {  	v15 =	vld [tilespmem:s26+$0xC0];
	v6 =	vadd.f32 v9, v6;
	v11 =	vbroadcast v12, $0x2  }
0x1bc: {  	v18 =	vbroadcast v3, $0x3;
	[tilespmem:s25+$0x10] =	vst v2;
	v2 =	vmul.f32 $2.000000030e-01, v4  }
0x1bd: {  	[tilespmem:s25+$0xFFFFFEF0] =	vst v1;
	v17 =	vmul.f32 $2.000000030e-01, v6;
	vm0 =	vgt.f32 v4, $0.0e+00;
	v7 =	vmul.f32 v11, v7;
	v11 =	vld [tilespmem:s26+$0x20]  }
0x1be: {  	s23 =	simm.s32 $0x6940;
	v5 =	vadd.f32 v10, v5;
	v9 =	vld [tilespmem:s26+$0xFFFFFF00];
	v1 =	vpop (erf);
	v2 =	vsel vm0, v4, v2;
	vm0 =	vgt.f32 v6, $0.0e+00  }
0x1bf: {  	v16 =	vbroadcast v8, $0x2;
	[tilespmem:s23+$0x110] =	vst v1;
	v6 =	vsel vm0, v6, v17  }
0x1c0: {  	v15 =	vmul.f32 v15, v18;
	v18 =	vmul.f32 $2.000000030e-01, v5;
	v4 =	vld [tilespmem:s22+$0x90];
	v6 =	vsub.f32 v6, v0  }
0x1c1: {  	v14 =	vbroadcast v13, $0x2;
	[tilespmem:s25+$0xFFFFFF90] =	vst v7;
	v2 =	vsub.f32 v2, v0;
	v17 =	vbroadcast v1, $0x0  }
0x1c2: {  	vm1 =	vgt.f32 v5, $0.0e+00;
	[tilespmem:s25+$0xC0] =	vst v15;
	v7 =	vld [tilespmem:s26+$0xFFFFFFA0];
	v6 =	vmul.f32 $1.442695020e+00, v6;
	v11 =	vmul.f32 v16, v11  }
0x1c3: {  	s29 =	sadd.s32 $0x40, s14;
	v5 =	vsel vm1, v5, v18;
	v18 =	vld [tilespmem:s26+$0xD0];
	v2 =	vmul.f32 $1.442695020e+00, v2;
	v9 =	vmul.f32 v14, v9  }
0x1c4: {  	v19 =	vld [tilespmem:s29+$0x10];
	v10 =	vbroadcast v12, $0x3;
	(erf) = vpow2.f32 v6;
	[tilespmem:s25+$0x20] =	vst v11  }
0x1c5: {  	v5 =	vsub.f32 v5, v0;
	[tilespmem:s25+$0xFFFFFF00] =	vst v9;
	v4 =	vmul.f32 v17, v4;
	(erf) = vpow2.f32 v2;
	v2 =	vld [tilespmem:s26+$0x30]  }
0x1c6: {  	s24 =	sadd.s32 $0x240, s22;
	v9 =	vbroadcast v3, $0x4;
	v6 =	vld [tilespmem:s26+$0xFFFFFF10]  }
0x1c7: {  	v20 =	vld [tilespmem:s24+$0x110];
	v5 =	vmul.f32 $1.442695020e+00, v5;
	v7 =	vmul.f32 v7, v10;
	[tilespmem:s23+$0x90] =	vst v4  }
0x1c8: {  	v16 =	vmul.f32 v18, v9;
	v9 =	vbroadcast v8, $0x3;
	v4 =	vld [tilespmem:s22+$0xA0]  }
0x1c9: {  	v15 =	vld [tilespmem:s29+$0xFFFFFFE0];
	(erf) = vpow2.f32 v5;
	[tilespmem:s25+$0xFFFFFFA0] =	vst v7;
	v7 =	vbroadcast v13, $0x3  }
0x1ca: {  	v10 =	vld [tilespmem:s26+$0xFFFFFFB0];
	v2 =	vmul.f32 v2, v9  }
0x1cb: {  	v14 =	vld [tilespmem:s24+$0xFFFFFF60];
	v11 =	vbroadcast v1, $0x1;
	v6 =	vmul.f32 v6, v7  }
0x1cc: {  	v21 =	vbroadcast v3, $0x6;
	v17 =	vld [tilespmem:s29+$0x0];
	[tilespmem:s25+$0xD0] =	vst v16  }
0x1cd: {  	v31 =	vld [tilespmem:s26+$0xE0];
	v7 =	vbroadcast v12, $0x4;
	[tilespmem:s25+$0xFFFFFF10] =	vst v6;
	v4 =	vmul.f32 v11, v4  }
0x1ce: {  	v24 =	vbroadcast v3, $0x5;
	v28 =	vbroadcast v12, $0x5;
	v22 =	vld [tilespmem:s26+$0xFFFFFF20];
	[tilespmem:s25+$0x30] =	vst v2;
	v2 =	vpop (erf)  }
0x1cf: {  	v27 =	vbroadcast v8, $0x6;
	v10 =	vmul.f32 v10, v7;
	v23 =	vld [tilespmem:s26+$0x40];
	[tilespmem:s23+$0xFFFFFFF0] =	vst v2  }
0x1d0: {  	v30 =	vbroadcast v8, $0x4;
	v5 =	vbroadcast v3, $0x7;
	v16 =	vadd.f32 v19, v20;
	[tilespmem:s23+$0xA0] =	vst v4;
	v26 =	vld [tilespmem:s22+$0xFFFFFF70]  }
0x1d1: {  	v19 =	vbroadcast v1, $0x2;
	v20 =	vbroadcast v13, $0x4;
	v25 =	vld [tilespmem:s22+$0xB0];
	[tilespmem:s25+$0xFFFFFFB0] =	vst v10;
	v4 =	vpop (erf)  }
0x1d2: {  	v58 =	vmul.f32 $2.000000030e-01, v16;
	v6 =	vbroadcast v13, $0x7;
	v29 =	vld [tilespmem:s26+$0xFFFFFFC0];
	v3 =	vpop (erf);
	[tilespmem:s23+$0x80] =	vst v4  }
0x1d3: {  	v32 =	vbroadcast v2, $0x0;
	v20 =	vmul.f32 v22, v20;
	[tilespmem:s23+$0xFFFFFF60] =	vst v3;
	v33 =	vld [tilespmem:s22+$0x0]  }
0x1d4: {  	vm0 =	vgt.f32 v16, $0.0e+00;
	v11 =	vbroadcast v12, $0x7;
	v23 =	vmul.f32 v23, v30;
	v34 =	vld [tilespmem:s22+$0xFFFFFEE0]  }
0x1d5: {  	v18 =	vld [tilespmem:s24+$0x80];
	v16 =	vsel vm0, v16, v58;
	v7 =	vbroadcast v8, $0x7;
	[tilespmem:s25+$0xFFFFFF20] =	vst v20;
	v26 =	vmul.f32 v32, v26  }
0x1d6: {  	v16 =	vsub.f32 v16, v0;
	v22 =	vld [tilespmem:s29+$0xFFFFFFF0];
	v59 =	vbroadcast v4, $0x0;
	[tilespmem:s25+$0x40] =	vst v23;
	v19 =	vmul.f32 v19, v25  }
0x1d7: {  	v23 =	vbroadcast v3, $0x0;
	v25 =	vld [tilespmem:s26+$0xFFFFFF30];
	[tilespmem:s23+$0xFFFFFF70] =	vst v26;
	v26 =	vmul.f32 v29, v28  }
0x1d8: {  	v16 =	vmul.f32 $1.442695020e+00, v16;
	v20 =	vld [tilespmem:s26+$0x50];
	[tilespmem:s23+$0xB0] =	vst v19;
	v29 =	vmul.f32 v59, v33  }
0x1d9: {  	v24 =	vmul.f32 v31, v24;
	v28 =	vld [tilespmem:s22+$0xFFFFFF80];
	v23 =	vmul.f32 v23, v34;
	[tilespmem:s25+$0xFFFFFFC0] =	vst v26  }
0x1da: {  	v8 =	vbroadcast v8, $0x5;
	(erf) = vpow2.f32 v16;
	[tilespmem:s23+$0x0] =	vst v29;
	v26 =	vld [tilespmem:s26+$0xFFFFFFD0]  }
0x1db: {  	v19 =	vbroadcast v13, $0x6;
	v13 =	vbroadcast v13, $0x5;
	[tilespmem:s23+$0xFFFFFEE0] =	vst v23;
	v16 =	vld [tilespmem:s22+$0x10]  }
0x1dc: {  	v29 =	vbroadcast v12, $0x6;
	v12 =	vbroadcast v2, $0x1;
	v23 =	vld [tilespmem:s22+$0xFFFFFEF0]  }
0x1dd: {  	v63 =	vadd.f32 v17, v18;
	[tilespmem:s25+$0xE0] =	vst v24;
	v18 =	vbroadcast v2, $0x3;
	v60 =	vld [tilespmem:s22+$0xC0];
	v13 =	vmul.f32 v25, v13  }
0x1de: {  	v61 =	vbroadcast v4, $0x1;
	v25 =	vld [tilespmem:s26+$0xF0];
	v24 =	vmul.f32 v12, v28  }
0x1df: {  	v8 =	vmul.f32 v20, v8;
	[tilespmem:s25+$0xFFFFFF30] =	vst v13;
	v13 =	vbroadcast v3, $0x1;
	v28 =	vld [tilespmem:s24+$0xFFFFFFF0]  }
0x1e0: {  	[tilespmem:s23+$0xFFFFFF80] =	vst v24;
	v24 =	vld [tilespmem:s26+$0xFFFFFF40];
	v20 =	vmul.f32 v26, v29;
	v16 =	vmul.f32 v61, v16  }
0x1e1: {  	[tilespmem:s25+$0x50] =	vst v8;
	v29 =	vbroadcast v1, $0x3;
	v26 =	vld [tilespmem:s22+$0xFFFFFF90];
	v8 =	vmul.f32 v13, v23  }
0x1e2: {  	v9 =	vbroadcast v4, $0x2;
	v10 =	vbroadcast v3, $0x2;
	v62 =	vld [tilespmem:s26+$0x60];
	[tilespmem:s25+$0xFFFFFFD0] =	vst v20  }
0x1e3: {  	v12 =	vbroadcast v1, $0x4;
	[tilespmem:s23+$0x10] =	vst v16;
	v17 =	vmul.f32 v60, v29;
	v23 =	vld [tilespmem:s26+$0xFFFFFFE0]  }
0x1e4: {  	v14 =	vadd.f32 v15, v14;
	v21 =	vmul.f32 v25, v21;
	v25 =	vbroadcast v2, $0x2;
	[tilespmem:s23+$0xFFFFFEF0] =	vst v8;
	v20 =	vld [tilespmem:s22+$0x20]  }
0x1e5: {  	s28 =	simm.s32 $0x6B80;
	v16 =	vadd.f32 v22, v28;
	v28 =	vmul.f32 $2.000000030e-01, v63;
	v22 =	vld [tilespmem:s22+$0xFFFFFF00];
	[tilespmem:s23+$0xC0] =	vst v17;
	v8 =	vpop (erf);
	v19 =	vmul.f32 v24, v19  }
0x1e6: {  	vm0 =	vgt.f32 v63, $0.0e+00;
	v13 =	vbroadcast v3, $0x3;
	v17 =	vld [tilespmem:s22+$0xD0];
	[tilespmem:s28+$0x110] =	vst v8;
	v29 =	vmul.f32 v25, v26  }
0x1e7: {  	v15 =	vsel vm0, v63, v28;
	v26 =	vmul.f32 $2.000000030e-01, v16;
	v25 =	vmul.f32 v62, v27;
	v24 =	vld [tilespmem:s24+$0x90];
	[tilespmem:s25+$0xFFFFFF40] =	vst v19  }
0x1e8: {  	s14 =	simm.s32 $0x8;
	vm0 =	vgt.f32 v16, $0.0e+00;
	v27 =	vmul.f32 $2.000000030e-01, v14;
	v15 =	vsub.f32 v15, v0;
	[tilespmem:s23+$0xFFFFFF90] =	vst v29;
	v19 =	vld [tilespmem:s26+$0xFFFFFF50]  }
.LBB2_17:
0x1e9: {  	s14 =	sadd.s32 $0x4, s14;
	vm1 =	vgt.f32 v14, $0.0e+00;
	v16 =	vsel vm0, v16, v26;
	v26 =	vld [tilespmem:s22+$0xFFFFFFA0];
	v11 =	vmul.f32 v23, v11;
	[tilespmem:s25+$0x60] =	vst v25  }
0x1ea: {  	v23 =	vbroadcast v8, $0x0;
	p0 =	slt.u32 s14, $0x4C;
	v14 =	vsel vm1, v14, v27;
	v16 =	vsub.f32 v16, v0;
	v25 =	vld [tilespmem:s26+$0x70];
	[tilespmem:s25+$0xF0] =	vst v21  }
0x1eb: {  	v27 =	vmul.f32 $1.442695020e+00, v15;
	v10 =	vmul.f32 v10, v22;
	v21 =	vsub.f32 v14, v0;
	[tilespmem:s25+$0xFFFFFFE0] =	vst v11;
	v11 =	vld [tilespmem:s26+$0x100];
	s26 =	smov.u32 s22;
	s22 =	smov.u32 s24;
	s24 =	sadd.s32 $0x240, s24  }
0x1ec: {  	s29 =	sadd.s32 $0x40, s29;
	v9 =	vmul.f32 v9, v20;
	v14 =	vld [tilespmem:s24+$0xFFFFFF60];
	v16 =	vmul.f32 $1.442695020e+00, v16  }
0x1ed: {  	v15 =	vld [tilespmem:s29+$0xFFFFFFE0];
	v20 =	vmul.f32 $1.442695020e+00, v21;
	v21 =	vmul.f32 v23, v24;
	[tilespmem:s23+$0xFFFFFF00] =	vst v10  }
0x1ee: {  	(erf) = vpow2.f32 v16;
	v10 =	vld [tilespmem:s26+$0xFFFFFF10];
	v16 =	vmul.f32 v26, v18;
	[tilespmem:s23+$0x20] =	vst v9  }
0x1ef: {  	[tilespmem:s28+$0x90] =	vst v21;
	(erf) = vpow2.f32 v27;
	v9 =	vld [tilespmem:s26+$0x30];
	v7 =	vmul.f32 v25, v7  }
0x1f0: {  	v18 =	vld [tilespmem:s22+$0xA0];
	(erf) = vpow2.f32 v20;
	[tilespmem:s23+$0xFFFFFFA0] =	vst v16;
	v11 =	vmul.f32 v11, v5  }
0x1f1: {  	v12 =	vmul.f32 v17, v12;
	v6 =	vmul.f32 v19, v6;
	v20 =	vld [tilespmem:s26+$0xFFFFFFB0];
	[tilespmem:s25+$0x70] =	vst v7  }
0x1f2: {  	v5 =	vbroadcast v1, $0x7;
	v7 =	vbroadcast v4, $0x3;
	v16 =	vld [tilespmem:s29+$0x0];
	[tilespmem:s25+$0x100] =	vst v11  }
0x1f3: {  	v11 =	vbroadcast v8, $0x1;
	v17 =	vld [tilespmem:s24+$0x80];
	v10 =	vmul.f32 v10, v13;
	[tilespmem:s25+$0xFFFFFF50] =	vst v6;
	s25 =	smov.u32 s23;
	s23 =	smov.u32 s28  }
0x1f4: {  	v23 =	vbroadcast v2, $0x4;
	v13 =	vld [tilespmem:s29+$0x10];
	v7 =	vmul.f32 v9, v7  }
0x1f5: {  	v21 =	vld [tilespmem:s24+$0x110];
	v9 =	vmul.f32 v11, v18;
	[tilespmem:s25+$0xFFFFFF10] =	vst v10;
	v18 =	vbroadcast v1, $0x6  }
0x1f6: {  	v6 =	vbroadcast v3, $0x7;
	v22 =	vld [tilespmem:s26+$0xFFFFFF20];
	v10 =	vmul.f32 v20, v23;
	[tilespmem:s25+$0x30] =	vst v7  }
0x1f7: {  	v7 =	vbroadcast v4, $0x7;
	v23 =	vbroadcast v1, $0x5;
	v1 =	vmov v8;
	[tilespmem:s28+$0xA0] =	vst v9;
	v19 =	vpop (erf);
	v20 =	vld [tilespmem:s26+$0x40]  }
0x1f8: {  	v25 =	vbroadcast v4, $0x6;
	v11 =	vbroadcast v2, $0x7;
	[tilespmem:s28+$0xFFFFFFF0] =	vst v19;
	v8 =	vld [tilespmem:s22+$0xB0];
	v24 =	vpop (erf)  }
0x1f9: {  	v28 =	vbroadcast v2, $0x5;
	v26 =	vld [tilespmem:s22+$0xFFFFFF70];
	v9 =	vbroadcast v24, $0x2;
	v27 =	vpop (erf);
	[tilespmem:s25+$0xFFFFFFB0] =	vst v10  }
0x1fa: {  	v30 =	vbroadcast v4, $0x4;
	v10 =	vbroadcast v27, $0x2;
	v29 =	vld [tilespmem:s26+$0xFFFFFFC0];
	[tilespmem:s25+$0xD0] =	vst v12  }
0x1fb: {  	v12 =	vadd.f32 v13, v21;
	v13 =	vbroadcast v1, $0x2;
	v21 =	vbroadcast v3, $0x4;
	[tilespmem:s28+$0x80] =	vst v24;
	v31 =	vld [tilespmem:s26+$0xE0]  }
0x1fc: {  	v32 =	vbroadcast v19, $0x0;
	[tilespmem:s28+$0xFFFFFF60] =	vst v27;
	v33 =	vld [tilespmem:s22+$0x0];
	v20 =	vmul.f32 v20, v30  }
0x1fd: {  	vm0 =	vgt.f32 v12, $0.0e+00;
	v30 =	vmul.f32 $2.000000030e-01, v12;
	v21 =	vmul.f32 v22, v21;
	v34 =	vld [tilespmem:s22+$0xFFFFFEE0]  }
0x1fe: {  	v22 =	vld [tilespmem:s29+$0xFFFFFFF0];
	v26 =	vmul.f32 v32, v26;
	v32 =	vbroadcast v24, $0x0;
	[tilespmem:s25+$0x40] =	vst v20  }
0x1ff: {  	v8 =	vmul.f32 v13, v8;
	v12 =	vsel vm0, v12, v30;
	v20 =	vbroadcast v27, $0x0;
	[tilespmem:s25+$0xFFFFFF20] =	vst v21;
	v13 =	vld [tilespmem:s26+$0x50]  }
0x200: {  	v12 =	vsub.f32 v12, v0;
	[tilespmem:s28+$0xFFFFFF70] =	vst v26;
	v21 =	vld [tilespmem:s26+$0xFFFFFF30];
	v26 =	vmul.f32 v29, v28;
	v23 =	vmul.f32 v31, v23  }
0x201: {  	v30 =	vbroadcast v3, $0x6;
	v28 =	vld [tilespmem:s22+$0xFFFFFF80];
	v29 =	vmul.f32 v32, v33;
	[tilespmem:s28+$0xB0] =	vst v8  }
0x202: {  	v8 =	vmul.f32 $1.442695020e+00, v12;
	v12 =	vmul.f32 v20, v34;
	v20 =	vld [tilespmem:s22+$0xC0];
	[tilespmem:s25+$0xFFFFFFC0] =	vst v26  }
0x203: {  	v31 =	vbroadcast v2, $0x6;
	v2 =	vmovc v19;
	v26 =	vbroadcast v3, $0x5;
	v3 =	vmov v27;
	[tilespmem:s28+$0x0] =	vst v29;
	v29 =	vld [tilespmem:s26+$0xFFFFFFD0]  }
0x204: {  	(erf) = vpow2.f32 v8;
	[tilespmem:s28+$0xFFFFFEE0] =	vst v12;
	v8 =	vbroadcast v2, $0x1;
	v19 =	vld [tilespmem:s22+$0x10]  }
0x205: {  	v27 =	vld [tilespmem:s22+$0xFFFFFEF0];
	v21 =	vmul.f32 v21, v26;
	v26 =	vbroadcast v4, $0x5;
	[tilespmem:s25+$0xE0] =	vst v23;
	v4 =	vmov v24  }
0x206: {  	v12 =	vbroadcast v1, $0x4;
	v8 =	vmul.f32 v8, v28;
	v24 =	vld [tilespmem:s26+$0xF0]  }
0x207: {  	v23 =	vbroadcast v4, $0x1;
	v28 =	vld [tilespmem:s24+$0xFFFFFFF0];
	[tilespmem:s25+$0xFFFFFF30] =	vst v21;
	v13 =	vmul.f32 v13, v26  }
0x208: {  	v21 =	vbroadcast v3, $0x1;
	[tilespmem:s28+$0xFFFFFF80] =	vst v8;
	v26 =	vld [tilespmem:s26+$0xFFFFFF40];
	v8 =	vmul.f32 v29, v31  }
0x209: {  	v29 =	vld [tilespmem:s22+$0xFFFFFF90];
	v19 =	vmul.f32 v23, v19;
	v23 =	vbroadcast v1, $0x3;
	[tilespmem:s25+$0x50] =	vst v13  }
0x20a: {  	v13 =	vbroadcast v3, $0x3;
	v27 =	vmul.f32 v21, v27;
	[tilespmem:s25+$0xFFFFFFD0] =	vst v8;
	v31 =	vld [tilespmem:s26+$0x60]  }
0x20b: {  	v32 =	vadd.f32 v16, v17;
	[tilespmem:s28+$0x10] =	vst v19;
	v17 =	vmul.f32 v20, v23;
	v23 =	vld [tilespmem:s26+$0xFFFFFFE0];
	v21 =	vmul.f32 v24, v18  }
.Ltmp10:
0x20c: {  	v19 =	vbroadcast v2, $0x2;
	v18 =	vbroadcast v2, $0x3;
	[tilespmem:s28+$0xFFFFFEF0] =	vst v27;
	v20 =	vld [tilespmem:s22+$0x20];
	(pc) =	sbr.rel @p0 .LBB2_17-.Ltmp10, $4  }
0x20d: {  	v24 =	vmul.f32 $2.000000030e-01, v32;
	v16 =	vadd.f32 v22, v28;
	s28 =	sadd.s32 $0x240, s28;
	v8 =	vpop (erf);
	v22 =	vld [tilespmem:s22+$0xFFFFFF00];
	[tilespmem:s23+$0xC0] =	vst v17;
	v27 =	vmul.f32 v26, v30  }
0x20e: {  	v14 =	vadd.f32 v15, v14;
	vm0 =	vgt.f32 v32, $0.0e+00;
	[tilespmem:s28+$0x110] =	vst v8;
	v19 =	vmul.f32 v19, v29;
	v17 =	vld [tilespmem:s22+$0xD0]  }
0x20f: {  	v15 =	vsel vm0, v32, v24;
	v26 =	vmul.f32 $2.000000030e-01, v16;
	v24 =	vld [tilespmem:s24+$0x90];
	[tilespmem:s25+$0xFFFFFF40] =	vst v27;
	v25 =	vmul.f32 v31, v25  }
0x210: {  	vm0 =	vgt.f32 v16, $0.0e+00;
	v15 =	vsub.f32 v15, v0;
	v27 =	vmul.f32 $2.000000030e-01, v14;
	[tilespmem:s23+$0xFFFFFF90] =	vst v19;
	v19 =	vld [tilespmem:s26+$0xFFFFFF50]  }
0x211: {  	v16 =	vsel vm0, v16, v26  }
0x212: {  	v16 =	vsub.f32 v16, v0  }
0x213: {  	vm15 =	vgt.f32 v14, $0.0e+00  }
0x214: {  	v14 =	vsel vm15, v14, v27;
	v16 =	vmul.f32 $1.442695020e+00, v16  }
0x215: {  	v15 =	vmul.f32 $1.442695020e+00, v15;
	v14 =	vsub.f32 v14, v0  }
0x216: {  	(erf) = vpow2.f32 v16  }
0x217: {  	v14 =	vmul.f32 $1.442695020e+00, v14;
	(erf) = vpow2.f32 v15;
	_ =	sdelay $0x1  }
0x218: {  	(erf) = vpow2.f32 v14;
	_ =	sdelay $0x5  }
0x219: {  	v16 =	vpop (erf)  }
0x21a: {  	[tilespmem:s28+$0xFFFFFFF0] =	vst v16;
	v15 =	vpop (erf)  }
0x21b: {  	v54 =	vld [tilespmem:s24+$0xFFFFFF70];
	[tilespmem:s28+$0x80] =	vst v15  }
0x21c: {  	v14 =	vpop (erf);
	v55 =	vld [tilespmem:s24+$0x0]  }
0x21d: {  	[tilespmem:s28+$0xFFFFFF60] =	vst v14  }
0x21e: {  	v28 =	vbroadcast v16, $0x0;
	v29 =	vld [tilespmem:s24+$0xFFFFFEE0]  }
0x21f: {  	v30 =	vbroadcast v15, $0x0  }
0x220: {  	v56 =	vbroadcast v8, $0x0;
	v26 =	vmul.f32 v28, v54  }
0x221: {  	v57 =	vbroadcast v14, $0x0;
	v27 =	vmul.f32 v30, v55  }
0x222: {  	v24 =	vmul.f32 v56, v24;
	[tilespmem:s28+$0xFFFFFF70] =	vst v26  }
0x223: {  	v58 =	vmul.f32 v57, v29;
	v26 =	vld [tilespmem:s24+$0xFFFFFF80];
	[tilespmem:s28+$0x0] =	vst v27  }
0x224: {  	[tilespmem:s28+$0x90] =	vst v24;
	v59 =	vld [tilespmem:s24+$0x10]  }
0x225: {  	v60 =	vld [tilespmem:s24+$0xA0];
	[tilespmem:s28+$0xFFFFFEE0] =	vst v58  }
0x226: {  	v61 =	vbroadcast v16, $0x1;
	v62 =	vld [tilespmem:s24+$0xFFFFFEF0]  }
0x227: {  	v11 =	vmul.f32 v23, v11;
	[tilespmem:s25+$0x60] =	vst v25;
	v63 =	vbroadcast v15, $0x1  }
0x228: {  	[tilespmem:s25+$0xF0] =	vst v21;
	v30 =	vbroadcast v8, $0x1;
	v31 =	vmul.f32 v61, v26  }
0x229: {  	[tilespmem:s25+$0xFFFFFFE0] =	vst v11;
	v33 =	vbroadcast v14, $0x1;
	v23 =	vmul.f32 v63, v59  }
0x22a: {  	v34 =	vld [tilespmem:s26+$0x70];
	v21 =	vmul.f32 v30, v60;
	[tilespmem:s28+$0xFFFFFF80] =	vst v31  }
0x22b: {  	v11 =	vmul.f32 v33, v62;
	v25 =	vld [tilespmem:s24+$0xFFFFFF90];
	[tilespmem:s28+$0x10] =	vst v23  }
0x22c: {  	v9 =	vmul.f32 v9, v20;
	[tilespmem:s28+$0xA0] =	vst v21;
	v35 =	vld [tilespmem:s24+$0x20]  }
0x22d: {  	v10 =	vmul.f32 v10, v22;
	v36 =	vld [tilespmem:s24+$0xB0];
	[tilespmem:s28+$0xFFFFFEF0] =	vst v11  }
0x22e: {  	[tilespmem:s23+$0x20] =	vst v9;
	v6 =	vmul.f32 v19, v6;
	v38 =	vbroadcast v16, $0x2;
	v39 =	vld [tilespmem:s24+$0xFFFFFF00]  }
0x22f: {  	v32 =	vld [tilespmem:s22+$0xFFFFFFA0];
	[tilespmem:s23+$0xFFFFFF00] =	vst v10;
	v7 =	vmul.f32 v34, v7;
	v41 =	vbroadcast v15, $0x2  }
0x230: {  	v43 =	vbroadcast v8, $0x2;
	v45 =	vld [tilespmem:s22+$0xFFFFFF10];
	[tilespmem:s25+$0xFFFFFF50] =	vst v6;
	v11 =	vmul.f32 v38, v25  }
0x231: {  	v40 =	vld [tilespmem:s26+$0x100];
	[tilespmem:s25+$0x70] =	vst v7;
	v44 =	vbroadcast v14, $0x2;
	v9 =	vmul.f32 v41, v35  }
0x232: {  	v42 =	vld [tilespmem:s22+$0x30];
	v10 =	vmul.f32 v43, v36;
	[tilespmem:s28+$0xFFFFFF90] =	vst v11  }
0x233: {  	v7 =	vmul.f32 v44, v39;
	v47 =	vld [tilespmem:s24+$0xFFFFFFA0];
	[tilespmem:s28+$0x20] =	vst v9  }
0x234: {  	v37 =	vmul.f32 v32, v18;
	[tilespmem:s28+$0xB0] =	vst v10;
	v9 =	vld [tilespmem:s24+$0x30]  }
0x235: {  	v46 =	vbroadcast v4, $0x3;
	v13 =	vmul.f32 v45, v13;
	v49 =	vld [tilespmem:s24+$0xC0];
	[tilespmem:s28+$0xFFFFFF00] =	vst v7  }
0x236: {  	v5 =	vmul.f32 v40, v5;
	[tilespmem:s23+$0xFFFFFFA0] =	vst v37;
	v50 =	vbroadcast v16, $0x3;
	v7 =	vld [tilespmem:s24+$0xFFFFFF10]  }
0x237: {  	v48 =	vmul.f32 v42, v46;
	v51 =	vld [tilespmem:s22+$0xFFFFFFB0];
	[tilespmem:s23+$0xFFFFFF10] =	vst v13;
	v52 =	vbroadcast v15, $0x3  }
0x238: {  	[tilespmem:s25+$0x100] =	vst v5;
	v54 =	vbroadcast v8, $0x3;
	v57 =	vld [tilespmem:s22+$0xFFFFFF20];
	v5 =	vmul.f32 v47, v50  }
0x239: {  	[tilespmem:s23+$0x30] =	vst v48;
	v55 =	vbroadcast v14, $0x3;
	v9 =	vmul.f32 v9, v52  }
0x23a: {  	v56 =	vbroadcast v2, $0x4;
	v53 =	vld [tilespmem:s22+$0x40];
	v11 =	vmul.f32 v49, v54;
	[tilespmem:s28+$0xFFFFFFA0] =	vst v5  }
0x23b: {  	v62 =	vbroadcast v3, $0x4;
	v7 =	vmul.f32 v7, v55;
	v59 =	vld [tilespmem:s24+$0xFFFFFFB0];
	[tilespmem:s28+$0x30] =	vst v9  }
0x23c: {  	v60 =	vmul.f32 v51, v56;
	[tilespmem:s28+$0xC0] =	vst v11;
	v61 =	vld [tilespmem:s24+$0x40]  }
0x23d: {  	v58 =	vbroadcast v4, $0x4;
	v11 =	vmul.f32 v57, v62;
	v63 =	vld [tilespmem:s24+$0xD0];
	[tilespmem:s28+$0xFFFFFF10] =	vst v7  }
0x23e: {  	v18 =	vmul.f32 v17, v12;
	[tilespmem:s23+$0xFFFFFFB0] =	vst v60;
	v21 =	vbroadcast v16, $0x4;
	v22 =	vld [tilespmem:s24+$0xFFFFFF20]  }
0x23f: {  	v24 =	vbroadcast v15, $0x4;
	v23 =	vld [tilespmem:s22+$0xFFFFFFC0];
	[tilespmem:s23+$0xFFFFFF20] =	vst v11;
	v5 =	vmul.f32 v53, v58  }
0x240: {  	[tilespmem:s23+$0xD0] =	vst v18;
	v26 =	vbroadcast v8, $0x4;
	v30 =	vld [tilespmem:s22+$0xFFFFFF30];
	v9 =	vmul.f32 v59, v21  }
0x241: {  	v28 =	vbroadcast v14, $0x4;
	v27 =	vld [tilespmem:s22+$0xE0];
	[tilespmem:s23+$0x40] =	vst v5;
	v5 =	vmul.f32 v61, v24  }
0x242: {  	v29 =	vbroadcast v2, $0x5;
	v6 =	vmul.f32 v63, v26;
	v25 =	vld [tilespmem:s22+$0x50];
	[tilespmem:s28+$0xFFFFFFB0] =	vst v9  }
0x243: {  	v35 =	vbroadcast v3, $0x5;
	v11 =	vmul.f32 v22, v28;
	v32 =	vld [tilespmem:s24+$0xFFFFFFC0];
	[tilespmem:s28+$0x40] =	vst v5  }
0x244: {  	v33 =	vbroadcast v1, $0x5;
	v10 =	vmul.f32 v23, v29;
	[tilespmem:s28+$0xD0] =	vst v6;
	v34 =	vld [tilespmem:s24+$0x50]  }
0x245: {  	v31 =	vbroadcast v4, $0x5;
	v12 =	vmul.f32 v30, v35;
	v36 =	vld [tilespmem:s24+$0xE0];
	[tilespmem:s28+$0xFFFFFF20] =	vst v11  }
0x246: {  	v37 =	vbroadcast v16, $0x5;
	[tilespmem:s23+$0xFFFFFFC0] =	vst v10;
	v5 =	vmul.f32 v27, v33;
	v11 =	vld [tilespmem:s24+$0xFFFFFF30]  }
0x247: {  	v39 =	vbroadcast v15, $0x5;
	v38 =	vld [tilespmem:s22+$0xFFFFFFD0];
	[tilespmem:s23+$0xFFFFFF30] =	vst v12;
	v7 =	vmul.f32 v25, v31  }
0x248: {  	v41 =	vbroadcast v8, $0x5;
	v45 =	vld [tilespmem:s22+$0xFFFFFF40];
	[tilespmem:s23+$0xE0] =	vst v5;
	v10 =	vmul.f32 v32, v37  }
0x249: {  	v43 =	vbroadcast v14, $0x5;
	[tilespmem:s23+$0x50] =	vst v7;
	v42 =	vld [tilespmem:s22+$0xF0];
	v6 =	vmul.f32 v34, v39  }
0x24a: {  	v44 =	vbroadcast v2, $0x6;
	v9 =	vmul.f32 v36, v41;
	v40 =	vld [tilespmem:s22+$0x60];
	[tilespmem:s28+$0xFFFFFFC0] =	vst v10  }
0x24b: {  	v50 =	vbroadcast v3, $0x6;
	v11 =	vmul.f32 v11, v43;
	v47 =	vld [tilespmem:s24+$0xFFFFFFD0];
	[tilespmem:s28+$0x50] =	vst v6  }
0x24c: {  	v48 =	vbroadcast v1, $0x6;
	v7 =	vmul.f32 v38, v44;
	[tilespmem:s28+$0xE0] =	vst v9;
	v49 =	vld [tilespmem:s24+$0x60]  }
0x24d: {  	v46 =	vbroadcast v4, $0x6;
	v12 =	vmul.f32 v45, v50;
	v51 =	vld [tilespmem:s24+$0xF0];
	[tilespmem:s28+$0xFFFFFF30] =	vst v11  }
0x24e: {  	v52 =	vbroadcast v16, $0x6;
	[tilespmem:s23+$0xFFFFFFD0] =	vst v7;
	v6 =	vmul.f32 v42, v48;
	v11 =	vld [tilespmem:s24+$0xFFFFFF40]  }
0x24f: {  	v54 =	vbroadcast v15, $0x6;
	v53 =	vld [tilespmem:s22+$0xFFFFFFE0];
	[tilespmem:s23+$0xFFFFFF40] =	vst v12;
	v5 =	vmul.f32 v40, v46  }
0x250: {  	v56 =	vbroadcast v8, $0x6;
	v59 =	vld [tilespmem:s22+$0xFFFFFF50];
	[tilespmem:s23+$0xF0] =	vst v6;
	v7 =	vmul.f32 v47, v52  }
0x251: {  	s14 =	smul.u32 $0xAB, s20;
	v58 =	vbroadcast v14, $0x6;
	[tilespmem:s23+$0x60] =	vst v5;
	v57 =	vld [tilespmem:s22+$0x100];
	v5 =	vmul.f32 v49, v54  }
0x252: {  	v2 =	vbroadcast v2, $0x7;
	v55 =	vld [tilespmem:s22+$0x70];
	v6 =	vmul.f32 v51, v56;
	[tilespmem:s28+$0xFFFFFFD0] =	vst v7  }
0x253: {  	s14 =	sshrl.u32 s14, $0x9;
	v3 =	vbroadcast v3, $0x7;
	v61 =	vmul.f32 v11, v58;
	v7 =	vld [tilespmem:s24+$0xFFFFFFE0];
	[tilespmem:s28+$0x60] =	vst v5  }
0x254: {  	s14 =	sand.u32 $0x7F, s14;
	v1 =	vbroadcast v1, $0x7;
	v2 =	vmul.f32 v53, v2;
	[tilespmem:s28+$0xF0] =	vst v6;
	v5 =	vld [tilespmem:s24+$0x70]  }
0x255: {  	s14 =	smul.u32 $0x3, s14;
	v60 =	vbroadcast v4, $0x7;
	v3 =	vmul.f32 v59, v3;
	v6 =	vld [tilespmem:s24+$0x100];
	[tilespmem:s28+$0xFFFFFF40] =	vst v61  }
0x256: {  	[tilespmem:s23+$0xFFFFFFE0] =	vst v2;
	v2 =	vbroadcast v16, $0x7;
	v1 =	vmul.f32 v57, v1;
	v10 =	vld [tilespmem:s24+$0xFFFFFF50]  }
0x257: {  	s14 =	ssub.s32 s20, s14;
	v62 =	vbroadcast v15, $0x7;
	[tilespmem:s23+$0xFFFFFF50] =	vst v3;
	v4 =	vmul.f32 v55, v60  }
0x258: {  	s14 =	sand.u32 $0xFF, s14;
	v63 =	vbroadcast v8, $0x7;
	[tilespmem:s23+$0x100] =	vst v1;
	v1 =	vmul.f32 v7, v2  }
0x259: {  	p0 =	slt.u32 s21, $0x7D;
	s14 =	smul.u32 $0x140, s14;
	[tilespmem:s23+$0x70] =	vst v4;
	v2 =	vbroadcast v14, $0x7;
	v3 =	vmul.f32 v5, v62  }
.Ltmp11:
0x25a: {  	[tilespmem:s28+$0xFFFFFFE0] =	vst v1;
	v1 =	vmul.f32 v6, v63;
	(pc) =	sbr.rel @p0 .LBB2_11-.Ltmp11, $4  }
0x25b: {  	v2 =	vmul.f32 v10, v2;
	[tilespmem:s28+$0x70] =	vst v3  }
0x25c: {  	s14 =	sshrl.u32 s14, $0x2;
	[tilespmem:s28+$0x100] =	vst v1  }
0x25d: {  	s20 =	smov.u32 s21;
	s14 =	sadd.s32 $0xF0, s14;
	[tilespmem:s28+$0xFFFFFF50] =	vst v2  }
0x25e: {  	[spmem:s2] =	stream.indirect.scatter.add.f32 [tilespmem:s8], [sflag:$0x3], $0x90, s14, s4, $0xb8;
	[tilespmem:$0x1F680] =	vst v63  }
0x25f: {  	_ =	swait.ge [sflag:s16], $0x2D00  }
0x260: {  	[sflag:s16] =	ssyncset.done $0x0  }
0x261: {  	[sflag:s16] =	ssyncadd.s32 $0xFFFFD300  }
0x262: {  	[bflag:$0x0] =	sbarrier.arrive $0xFFFF  }
0x263: {  	s14 =	rddreg [dreg:$0x11]  }
0x264: {  	[hbm:s14], [sflag:s17] =	dma.local [spmem:s19], $0x2C70  }
0x265: {  	_ =	swait.ge [sflag:s30], $0x2C70  }
0x266: {  	s18 =	sadd.s32 $0x1, s18;
	s29 =	rddreg [dreg:$0x12]  }
0x267: {  	p0 =	sne.s32 s18, s29  }
.Ltmp12:
0x268: {  	_ = 	snop;
	(pc) =	sbr.rel @p0 .LBB2_1-.Ltmp12, $3  }
0x269: {  	[sflag:s30] =	ssyncset.done $0x0  }
0x26a: {  	[sflag:s30] =	ssyncadd.s32 $0xFFFFD390  }
0x26b: {  	[bflag:$0x0] =	sbarrier.arrive $0xFFFF;
	_ =	sdelay $0x1  }
0x26c: {  	_ =	sfence.sel $0x180000  }
0x26d: {  	[bflag:$0x0] =	sbarrier.arrive $0xFFFF  }
0x26e: {  	_ =	strace $0x90000047  }
0x26f: {  	s0 =	stileid.u32;
	[bflag:$0x2] =	sbarrier.arrive $0xFFFF  }
0x270: {  	p0 =	sne.s32 s0, $0x0;
	s0 =	rddreg [dreg:$0x3]  }
0x271: {  	s0 =	sadd.s32 @!p0 $0x100000, s0  }
0x272: {  	[sflag:s0] =	ssyncadd.tile.s32 @!p0 $0x1;
	_ =	shalt  }
.Lfunc_end2:
_tile_overlayer_lowered:
.L_overlay_start_2:
0x273: {  	(tag) =	ssettag $0x2  }
0x274: {  	s0 =	rddreg [dreg:$0x0];
	s2 =	stileid.u32  }
0x275: {  	s1 =	rddreg [dreg:$0x1];
	p0 =	sne.s32 s2, $0x0  }
0x276: {  	s3 =	rddreg [dreg:$0x2];
	[bflag:$0x3] =	sbarrier.arrive $0xFFFF;
	s2 =	simm.s32 @!p0 $0x1C04  }
0x277: {  	[timem:s3], [sflag:s2] =	dma.local @!p0 [hbm:s0], s1  }
0x278: {  	s0 =	simm.s32 @!p0 $0x4  }
0x279: {  	_ =	swait.ge @!p0 [sflag:s0], s1  }
0x27a: {  	s1 =	ssub.s32 @!p0 $0x0, s1;
	[sflag:s0] =	ssyncset.done @!p0 $0x0  }
0x27b: {  	[sflag:s0] =	ssyncadd.s32 @!p0 s1  }
0x27c: {  	[bflag:$0x3] =	sbarrier.arrive $0xFFFF  }
0x27d: {  	_ =	shalt  }

</sc_bundles>
